<compile_context>
chip_gen: v7x
topology: tpu7x:2x2x1
jax: 0.10.2.dev20260603
libtpu: 0.0.44.dev20260713+nightly
codegen_flags: <defaults>
</compile_context>

<pallas_src>
import functools

import jax
import jax.numpy as jnp
from jax import lax
from jax.experimental import pallas as pl
from jax.experimental.pallas import tpu as pltpu
from jax.experimental.pallas import tpu_sc as plsc

D_STATIC = 64


def _sc_gather_stage(inputs, emb_table):
    L, B = inputs.shape
    V, D = emb_table.shape

    info = plsc.get_sparse_core_info()
    NC, NS, LN = info.num_cores, info.num_subcores, info.num_lanes
    NW = NC * NS
    assert B % NW == 0 and D % LN == 0
    bpw = B // NW

    mesh = plsc.VectorSubcoreMesh(core_axis_name="c", subcore_axis_name="s")

    @functools.partial(
        pl.kernel,
        mesh=mesh,
        compiler_params=pltpu.CompilerParams(use_tc_tiling_on_sc=False),
        out_type=jax.ShapeDtypeStruct((B, D), jnp.float32),
        scratch_types=[
            pltpu.VMEM((L, bpw), jnp.int32),
            pltpu.VMEM((2, bpw, D), jnp.float32),
            pltpu.VMEM((bpw, D), jnp.float32),
            pltpu.SemaphoreType.DMA,
            pltpu.SemaphoreType.DMA,
        ],
    )
    def sc_kernel(inputs_hbm, table_hbm, out_hbm,
                  idx_v, rows_v, acc_v, gsem, osem):
        wid = lax.axis_index("s") * NC + lax.axis_index("c")
        base = wid * bpw

        pltpu.sync_copy(inputs_hbm.at[:, pl.ds(base, bpw)], idx_v)

        def accum_rows(buf, first):
            def body(r, _):
                for c in range(D // LN):
                    sl = pl.ds(c * LN, LN)
                    if first:
                        acc_v[r, sl] = rows_v[buf, r, sl]
                    else:
                        acc_v[r, sl] = acc_v[r, sl] + rows_v[buf, r, sl]
                return 0
            lax.fori_loop(0, bpw, body, 0)

        cp = pltpu.async_copy(table_hbm.at[idx_v.at[0]], rows_v.at[0], gsem)
        for l in range(L):
            cp.wait()
            if l + 1 < L:
                cp = pltpu.async_copy(
                    table_hbm.at[idx_v.at[l + 1]], rows_v.at[(l + 1) % 2],
                    gsem)
            accum_rows(l % 2, first=(l == 0))
        pltpu.async_copy(acc_v, out_hbm.at[pl.ds(base, bpw)], osem).wait()

    return sc_kernel(inputs, emb_table)


def _ce_body(V, TV, NSUB, oa_ref, wt_ref, b2_ref, s_ref, acc_ref):
    j = pl.program_id(0)
    TS = TV // NSUB
    part = None
    for k in range(NSUB):
        col = (j * TV + k * TS
               + lax.broadcasted_iota(jnp.int32, (D_STATIC, TS), 1))
        wt = jnp.where(col < V, wt_ref[:, pl.ds(k * TS, TS)],
                       0.0).astype(jnp.bfloat16)
        logits2 = lax.dot_general(
            oa_ref[...], wt,
            (((1,), (0,)), ((), ())),
            preferred_element_type=jnp.float32,
        )
        p = jnp.sum(jnp.exp2(logits2 + b2_ref[:, pl.ds(k * TS, TS)]),
                    axis=1, keepdims=True)
        part = p if part is None else part + p

    @pl.when(j == 0)
    def _():
        acc_ref[...] = part

    @pl.when(j > 0)
    def _():
        acc_ref[...] = acc_ref[...] + part

    @pl.when(j == pl.num_programs(0) - 1)
    def _():
        s_ref[...] = acc_ref[...]


def _ce_sum_stage(oa, W, b):
    B, D = oa.shape
    V, _ = W.shape
    assert D == D_STATIC
    TV, NSUB = 4096, 2
    nj = pl.cdiv(V, TV)
    Vp = nj * TV

    log2e = 1.4426950408889634
    b2 = jnp.pad(b * log2e, (0, Vp - V),
                 constant_values=-jnp.inf).reshape(1, Vp)
    wt = W.T

    return pl.pallas_call(
        functools.partial(_ce_body, V, TV, NSUB),
        grid=(nj,),
        in_specs=[
            pl.BlockSpec((B, D), lambda j: (0, 0)),
            pl.BlockSpec((D, TV), lambda j: (0, j)),
            pl.BlockSpec((1, TV), lambda j: (0, j)),
        ],
        out_specs=pl.BlockSpec((B, 1), lambda j: (0, 0)),
        out_shape=jax.ShapeDtypeStruct((B, 1), jnp.float32),
        scratch_shapes=[pltpu.VMEM((B, 1), jnp.float32)],
    )(oa, wt, b2)


def _join_body(s_ref, osum_ref, wg_ref, bg_ref, loss_ref):
    logz = jnp.log(s_ref[...])
    gold_logit = (jnp.sum(osum_ref[...] * wg_ref[...], axis=1, keepdims=True)
                  + bg_ref[...])
    loss_ref[...] = jnp.mean(logz - gold_logit).reshape(1, 1)


def _join_stage(s, out_sum, w_gold, b_gold):
    B, D = out_sum.shape
    loss = pl.pallas_call(
        _join_body,
        out_shape=jax.ShapeDtypeStruct((1, 1), jnp.float32),
    )(s, out_sum, w_gold, b_gold.reshape(B, 1))
    return loss[0, 0]


def kernel(inputs, gold, emb_table, W, b):
    inputs = inputs.astype(jnp.int32)
    gold = gold.astype(jnp.int32)
    out_sum = _sc_gather_stage(inputs, emb_table)
    log2e = 1.4426950408889634
    oa = (out_sum * log2e).astype(jnp.bfloat16)
    s = _ce_sum_stage(oa, W, b)
    w_gold = jnp.take(W, gold, axis=0)
    b_gold = jnp.take(b, gold)
    return _join_stage(s, out_sum, w_gold, b_gold)

# --- scband reference (transcript-rebuilt; emitter-appended) ---
"""Pipeline reference for scband-cbow-37623913513446 (READ-ONLY COPY).

The authoritative reference and input builder live on the scoring server;
editing this copy changes nothing except your own understanding.
"""

import jax, jax.numpy as jnp
import numpy as np

L, B, V, D = 20, 4096, 100000, 64

def setup_inputs(seed: int = 0) -> dict:
    key = jax.random.key(seed)
    k1, k2, k3, k4 = jax.random.split(key, 4)
    inputs = jax.random.randint(k1, (L, B), 0, V)
    gold = jax.random.randint(k2, (B,), 0, V)
    emb_table = jax.random.normal(k3, (V, D), dtype=jnp.float32) * 0.02
    W = jax.random.normal(k4, (V, D), dtype=jnp.float32) * 0.02  # torch Linear weight [out, in]
    b = jnp.zeros((V,), dtype=jnp.float32)
    return {"inputs": inputs, "gold": gold, "emb_table": emb_table, "W": W, "b": b}

def reference(inputs, gold, emb_table, W, b):
    # embeds = self.embeddings(inputs)  -> gather
    embeds = jnp.take(emb_table, inputs, axis=0)        # [L, B, D]
    # out = torch.sum(embeds, dim=0)
    out = jnp.sum(embeds, axis=0)                       # [B, D]
    # out = self.linear(out)
    logits = out @ W.T + b                              # [B, V]
    # nn.CrossEntropyLoss (mean reduction)
    logz = jax.nn.logsumexp(logits, axis=-1)            # [B]
    gold_logit = jnp.take_along_axis(logits, gold[:, None], axis=1)[:, 0]
    loss = jnp.mean(logz - gold_logit)
    return loss

if __name__ == "__main__":
    import jax
    _d = setup_inputs()
    print(jax.jit(kernel)(*tuple(_d.values())))

</pallas_src>

<mosaic_0001>
#map = affine_map<(d0, d1) -> (0, 0)>
module attributes {stable_mosaic.version = 14 : i64} {
  func.func @sc_kernel(%arg0: i32, %arg1: i32, %arg2: memref<20x4096xi32, #tpu.memory_space<hbm>>, %arg3: memref<100000x64xf32, #tpu.memory_space<hbm>>, %arg4: memref<4096x64xf32, #tpu.memory_space<hbm>>, %arg5: memref<20x128xi32, #tpu.memory_space<vmem>>, %arg6: memref<2x128x64xf32, #tpu.memory_space<vmem>>, %arg7: memref<128x64xf32, #tpu.memory_space<vmem>>, %arg8: memref<!tpu.dma_semaphore, #tpu.memory_space<semaphore_mem>>, %arg9: memref<!tpu.dma_semaphore, #tpu.memory_space<semaphore_mem>>) attributes {dimension_semantics = [#tpu.dimension_semantics<core_parallel>, #tpu.dimension_semantics<subcore_parallel>], iteration_bounds = array<i64: 2, 16>, scalar_prefetch = 0 : i64, scratch_operands = 5 : i64, tpu.core_type = #tpu.core_type<sc_vector_subcore>, window_params = [{transform_indices = #map}, {transform_indices = #map}, {transform_indices = #map}]} {
    %mul3A = arith.constant 2 : i32
    %mul3A_0 = arith.muli %arg1, %mul3A : i32
    %add3A = arith.addi %mul3A_0, %arg0 : i32
    %mul3A_1 = arith.constant 128 : i32
    %mul3A_2 = arith.muli %add3A, %mul3A_1 : i32
    "tpu.region"() ({
      %run_scoped3A = tpu.sem_alloc : memref<!tpu.dma_semaphore, #tpu.memory_space<semaphore_mem>>
      %dma_start3A_628 = arith.constant 0 : i32
      %dma_start3A_629 = tpu.memref_slice %arg2[%dma_start3A_628, %mul3A_2] : memref<20x4096xi32, #tpu.memory_space<hbm>> -> memref<20x128xi32, #tpu.memory_space<hbm>>
      %dma_start3A_630 = arith.constant 0 : i32
      %dma_start3A_631 = tpu.memref_slice %arg2[%dma_start3A_630, %mul3A_2] : memref<20x4096xi32, #tpu.memory_space<hbm>> -> memref<20x128xi32, #tpu.memory_space<hbm>>
      tpu.enqueue_dma source(%dma_start3A_631 : memref<20x128xi32, #tpu.memory_space<hbm>>) target(%arg5 : memref<20x128xi32, #tpu.memory_space<vmem>>) target_semaphore(%run_scoped3A : memref<!tpu.dma_semaphore, #tpu.memory_space<semaphore_mem>>)
      %dma_wait3A_632 = arith.constant 0 : i32
      %dma_wait3A_633 = tpu.memref_slice %arg2[%dma_wait3A_632, %mul3A_2] : memref<20x4096xi32, #tpu.memory_space<hbm>> -> memref<20x128xi32, #tpu.memory_space<hbm>>
      %dma_wait3A_634 = arith.constant 0 : i32
      %dma_wait3A_635 = tpu.memref_slice %arg2[%dma_wait3A_634, %mul3A_2] : memref<20x4096xi32, #tpu.memory_space<hbm>> -> memref<20x128xi32, #tpu.memory_space<hbm>>
      tpu.wait_dma2 semaphore(%run_scoped3A : memref<!tpu.dma_semaphore, #tpu.memory_space<semaphore_mem>>) src(%dma_wait3A_635 : memref<20x128xi32, #tpu.memory_space<hbm>>) dst(%arg5 : memref<20x128xi32, #tpu.memory_space<vmem>>)
      tpu.yield
    }) : () -> ()
    %dma_start3A = arith.constant 0 : i32
    %dma_start3A_3 = arith.constant 0 : i32
    %dma_start3A_4 = arith.constant 0 : i32
    %dma_start3A_5 = arith.constant 0 : i32
    %dma_start3A_6 = tpu.memref_slice %arg6[%dma_start3A_3, %dma_start3A_4, %dma_start3A_5] : memref<2x128x64xf32, #tpu.memory_space<vmem>> -> memref<1x128x64xf32, #tpu.memory_space<vmem>>
    %dma_start3A_7 = tpu.memref_squeeze %dma_start3A_6 : memref<1x128x64xf32, #tpu.memory_space<vmem>> -> memref<128x64xf32, #tpu.memory_space<vmem>>
    %dma_start3A_8 = arith.constant 0 : i32
    %dma_start3A_9 = tpu.memref_slice %arg5[%dma_start3A, %dma_start3A_8] : memref<20x128xi32, #tpu.memory_space<vmem>> -> memref<1x128xi32, #tpu.memory_space<vmem>>
    %dma_start3A_10 = tpu.memref_squeeze %dma_start3A_9 : memref<1x128xi32, #tpu.memory_space<vmem>> -> memref<128xi32, #tpu.memory_space<vmem>>
    %dma_start3A_11 = arith.constant 0 : i32
    %dma_start3A_12 = arith.constant 0 : i32
    %dma_start3A_13 = tpu.memref_slice %arg3[%dma_start3A_11, %dma_start3A_12] : memref<100000x64xf32, #tpu.memory_space<hbm>> -> memref<100000x64xf32, #tpu.memory_space<hbm>>
    tpu.enqueue_indirect_dma source(%dma_start3A_13 : memref<100000x64xf32, #tpu.memory_space<hbm>>) target(%dma_start3A_7 : memref<128x64xf32, #tpu.memory_space<vmem>>) offsets(%dma_start3A_10 : memref<128xi32, #tpu.memory_space<vmem>>) semaphore(%arg8 : memref<!tpu.dma_semaphore, #tpu.memory_space<semaphore_mem>>)
    %dma_wait3A = arith.constant 0 : i32
    %dma_wait3A_14 = arith.constant 0 : i32
    %dma_wait3A_15 = arith.constant 0 : i32
    %dma_wait3A_16 = arith.constant 0 : i32
    %dma_wait3A_17 = tpu.memref_slice %arg6[%dma_wait3A_14, %dma_wait3A_15, %dma_wait3A_16] : memref<2x128x64xf32, #tpu.memory_space<vmem>> -> memref<1x128x64xf32, #tpu.memory_space<vmem>>
    %dma_wait3A_18 = tpu.memref_squeeze %dma_wait3A_17 : memref<1x128x64xf32, #tpu.memory_space<vmem>> -> memref<128x64xf32, #tpu.memory_space<vmem>>
    %dma_wait3A_19 = arith.constant 0 : i32
    %dma_wait3A_20 = tpu.memref_slice %arg5[%dma_wait3A, %dma_wait3A_19] : memref<20x128xi32, #tpu.memory_space<vmem>> -> memref<1x128xi32, #tpu.memory_space<vmem>>
    %dma_wait3A_21 = tpu.memref_squeeze %dma_wait3A_20 : memref<1x128xi32, #tpu.memory_space<vmem>> -> memref<128xi32, #tpu.memory_space<vmem>>
    %dma_wait3A_22 = arith.constant 0 : i32
    %dma_wait3A_23 = arith.constant 0 : i32
    %dma_wait3A_24 = tpu.memref_slice %arg3[%dma_wait3A_22, %dma_wait3A_23] : memref<100000x64xf32, #tpu.memory_space<hbm>> -> memref<100000x64xf32, #tpu.memory_space<hbm>>
    tpu.wait_indirect_dma semaphore(%arg8 : memref<!tpu.dma_semaphore, #tpu.memory_space<semaphore_mem>>) src(%dma_wait3A_24 : memref<100000x64xf32, #tpu.memory_space<hbm>>) dst(%dma_wait3A_18 : memref<128x64xf32, #tpu.memory_space<vmem>>)
    %dma_start3A_25 = arith.constant 1 : i32
    %dma_start3A_26 = arith.constant 1 : i32
    %dma_start3A_27 = arith.constant 0 : i32
    %dma_start3A_28 = arith.constant 0 : i32
    %dma_start3A_29 = tpu.memref_slice %arg6[%dma_start3A_26, %dma_start3A_27, %dma_start3A_28] : memref<2x128x64xf32, #tpu.memory_space<vmem>> -> memref<1x128x64xf32, #tpu.memory_space<vmem>>
    %dma_start3A_30 = tpu.memref_squeeze %dma_start3A_29 : memref<1x128x64xf32, #tpu.memory_space<vmem>> -> memref<128x64xf32, #tpu.memory_space<vmem>>
    %dma_start3A_31 = arith.constant 0 : i32
    %dma_start3A_32 = tpu.memref_slice %arg5[%dma_start3A_25, %dma_start3A_31] : memref<20x128xi32, #tpu.memory_space<vmem>> -> memref<1x128xi32, #tpu.memory_space<vmem>>
    %dma_start3A_33 = tpu.memref_squeeze %dma_start3A_32 : memref<1x128xi32, #tpu.memory_space<vmem>> -> memref<128xi32, #tpu.memory_space<vmem>>
    %dma_start3A_34 = arith.constant 0 : i32
    %dma_start3A_35 = arith.constant 0 : i32
    %dma_start3A_36 = tpu.memref_slice %arg3[%dma_start3A_34, %dma_start3A_35] : memref<100000x64xf32, #tpu.memory_space<hbm>> -> memref<100000x64xf32, #tpu.memory_space<hbm>>
    tpu.enqueue_indirect_dma source(%dma_start3A_36 : memref<100000x64xf32, #tpu.memory_space<hbm>>) target(%dma_start3A_30 : memref<128x64xf32, #tpu.memory_space<vmem>>) offsets(%dma_start3A_33 : memref<128xi32, #tpu.memory_space<vmem>>) semaphore(%arg8 : memref<!tpu.dma_semaphore, #tpu.memory_space<semaphore_mem>>)
    %scan3A = arith.constant 0 : i32
    %scan3A_37 = arith.constant 0 : i32
    %scan3A_38 = arith.constant 128 : i32
    %scan3A_39 = arith.addi %scan3A_37, %scan3A_38 : i32
    %scan3A_40 = arith.constant 1 : i32
    %scan3A_41 = scf.for %scan3A_628 = %scan3A_37 to %scan3A_39 step %scan3A_40 iter_args(%scan3A_629 = %scan3A) -> (i32)  : i32 {
      %get3A = arith.constant 0 : i32
      %get3A_630 = arith.index_cast %get3A : i32 to index
      %get3A_631 = arith.index_cast %scan3A_628 : i32 to index
      %get3A_632 = arith.constant 0 : index
      %get3A_633 = tpu.vector_load %arg6[%get3A_630, %get3A_631, %get3A_632] {strides = array<i32>} : memref<2x128x64xf32, #tpu.memory_space<vmem>>, vector<1x1x16xf32>,
      %get3A_634 = vector.shape_cast %get3A_633 : vector<1x1x16xf32> to vector<16xf32>
      %swap3A = arith.index_cast %scan3A_628 : i32 to index
      %swap3A_635 = arith.constant 0 : index
      %swap3A_636 = tpu.vector_load %arg7[%swap3A, %swap3A_635] {strides = array<i32>} : memref<128x64xf32, #tpu.memory_space<vmem>>, vector<1x16xf32>,
      %swap3A_637 = vector.shape_cast %swap3A_636 : vector<1x16xf32> to vector<16xf32>
      %swap3A_638 = vector.shape_cast %get3A_634 : vector<16xf32> to vector<1x16xf32>
      tpu.vector_store %arg7[%swap3A, %swap3A_635], %swap3A_638 {strides = array<i32>} : memref<128x64xf32, #tpu.memory_space<vmem>>, vector<1x16xf32>,
      %get3A_639 = arith.constant 0 : i32
      %get3A_640 = arith.index_cast %get3A_639 : i32 to index
      %get3A_641 = arith.index_cast %scan3A_628 : i32 to index
      %get3A_642 = arith.constant 16 : index
      %get3A_643 = tpu.vector_load %arg6[%get3A_640, %get3A_641, %get3A_642] {strides = array<i32>} : memref<2x128x64xf32, #tpu.memory_space<vmem>>, vector<1x1x16xf32>,
      %get3A_644 = vector.shape_cast %get3A_643 : vector<1x1x16xf32> to vector<16xf32>
      %swap3A_645 = arith.index_cast %scan3A_628 : i32 to index
      %swap3A_646 = arith.constant 16 : index
      %swap3A_647 = tpu.vector_load %arg7[%swap3A_645, %swap3A_646] {strides = array<i32>} : memref<128x64xf32, #tpu.memory_space<vmem>>, vector<1x16xf32>,
      %swap3A_648 = vector.shape_cast %swap3A_647 : vector<1x16xf32> to vector<16xf32>
      %swap3A_649 = vector.shape_cast %get3A_644 : vector<16xf32> to vector<1x16xf32>
      tpu.vector_store %arg7[%swap3A_645, %swap3A_646], %swap3A_649 {strides = array<i32>} : memref<128x64xf32, #tpu.memory_space<vmem>>, vector<1x16xf32>,
      %get3A_650 = arith.constant 0 : i32
      %get3A_651 = arith.index_cast %get3A_650 : i32 to index
      %get3A_652 = arith.index_cast %scan3A_628 : i32 to index
      %get3A_653 = arith.constant 32 : index
      %get3A_654 = tpu.vector_load %arg6[%get3A_651, %get3A_652, %get3A_653] {strides = array<i32>} : memref<2x128x64xf32, #tpu.memory_space<vmem>>, vector<1x1x16xf32>,
      %get3A_655 = vector.shape_cast %get3A_654 : vector<1x1x16xf32> to vector<16xf32>
      %swap3A_656 = arith.index_cast %scan3A_628 : i32 to index
      %swap3A_657 = arith.constant 32 : index
      %swap3A_658 = tpu.vector_load %arg7[%swap3A_656, %swap3A_657] {strides = array<i32>} : memref<128x64xf32, #tpu.memory_space<vmem>>, vector<1x16xf32>,
      %swap3A_659 = vector.shape_cast %swap3A_658 : vector<1x16xf32> to vector<16xf32>
      %swap3A_660 = vector.shape_cast %get3A_655 : vector<16xf32> to vector<1x16xf32>
      tpu.vector_store %arg7[%swap3A_656, %swap3A_657], %swap3A_660 {strides = array<i32>} : memref<128x64xf32, #tpu.memory_space<vmem>>, vector<1x16xf32>,
      %get3A_661 = arith.constant 0 : i32
      %get3A_662 = arith.index_cast %get3A_661 : i32 to index
      %get3A_663 = arith.index_cast %scan3A_628 : i32 to index
      %get3A_664 = arith.constant 48 : index
      %get3A_665 = tpu.vector_load %arg6[%get3A_662, %get3A_663, %get3A_664] {strides = array<i32>} : memref<2x128x64xf32, #tpu.memory_space<vmem>>, vector<1x1x16xf32>,
      %get3A_666 = vector.shape_cast %get3A_665 : vector<1x1x16xf32> to vector<16xf32>
      %swap3A_667 = arith.index_cast %scan3A_628 : i32 to index
      %swap3A_668 = arith.constant 48 : index
      %swap3A_669 = tpu.vector_load %arg7[%swap3A_667, %swap3A_668] {strides = array<i32>} : memref<128x64xf32, #tpu.memory_space<vmem>>, vector<1x16xf32>,
      %swap3A_670 = vector.shape_cast %swap3A_669 : vector<1x16xf32> to vector<16xf32>
      %swap3A_671 = vector.shape_cast %get3A_666 : vector<16xf32> to vector<1x16xf32>
      tpu.vector_store %arg7[%swap3A_667, %swap3A_668], %swap3A_671 {strides = array<i32>} : memref<128x64xf32, #tpu.memory_space<vmem>>, vector<1x16xf32>,
      %scan3A_672 = arith.constant 0 : i32
      scf.yield %scan3A_672 : i32
    }
    %scan3A_42 = arith.constant 128 : i32
    %dma_wait3A_43 = arith.constant 1 : i32
    %dma_wait3A_44 = arith.constant 1 : i32
    %dma_wait3A_45 = arith.constant 0 : i32
    %dma_wait3A_46 = arith.constant 0 : i32
    %dma_wait3A_47 = tpu.memref_slice %arg6[%dma_wait3A_44, %dma_wait3A_45, %dma_wait3A_46] : memref<2x128x64xf32, #tpu.memory_space<vmem>> -> memref<1x128x64xf32, #tpu.memory_space<vmem>>
    %dma_wait3A_48 = tpu.memref_squeeze %dma_wait3A_47 : memref<1x128x64xf32, #tpu.memory_space<vmem>> -> memref<128x64xf32, #tpu.memory_space<vmem>>
    %dma_wait3A_49 = arith.constant 0 : i32
    %dma_wait3A_50 = tpu.memref_slice %arg5[%dma_wait3A_43, %dma_wait3A_49] : memref<20x128xi32, #tpu.memory_space<vmem>> -> memref<1x128xi32, #tpu.memory_space<vmem>>
    %dma_wait3A_51 = tpu.memref_squeeze %dma_wait3A_50 : memref<1x128xi32, #tpu.memory_space<vmem>> -> memref<128xi32, #tpu.memory_space<vmem>>
    %dma_wait3A_52 = arith.constant 0 : i32
    %dma_wait3A_53 = arith.constant 0 : i32
    %dma_wait3A_54 = tpu.memref_slice %arg3[%dma_wait3A_52, %dma_wait3A_53] : memref<100000x64xf32, #tpu.memory_space<hbm>> -> memref<100000x64xf32, #tpu.memory_space<hbm>>
    tpu.wait_indirect_dma semaphore(%arg8 : memref<!tpu.dma_semaphore, #tpu.memory_space<semaphore_mem>>) src(%dma_wait3A_54 : memref<100000x64xf32, #tpu.memory_space<hbm>>) dst(%dma_wait3A_48 : memref<128x64xf32, #tpu.memory_space<vmem>>)
    %dma_start3A_55 = arith.constant 2 : i32
    %dma_start3A_56 = arith.constant 0 : i32
    %dma_start3A_57 = arith.constant 0 : i32
    %dma_start3A_58 = arith.constant 0 : i32
    %dma_start3A_59 = tpu.memref_slice %arg6[%dma_start3A_56, %dma_start3A_57, %dma_start3A_58] : memref<2x128x64xf32, #tpu.memory_space<vmem>> -> memref<1x128x64xf32, #tpu.memory_space<vmem>>
    %dma_start3A_60 = tpu.memref_squeeze %dma_start3A_59 : memref<1x128x64xf32, #tpu.memory_space<vmem>> -> memref<128x64xf32, #tpu.memory_space<vmem>>
    %dma_start3A_61 = arith.constant 0 : i32
    %dma_start3A_62 = tpu.memref_slice %arg5[%dma_start3A_55, %dma_start3A_61] : memref<20x128xi32, #tpu.memory_space<vmem>> -> memref<1x128xi32, #tpu.memory_space<vmem>>
    %dma_start3A_63 = tpu.memref_squeeze %dma_start3A_62 : memref<1x128xi32, #tpu.memory_space<vmem>> -> memref<128xi32, #tpu.memory_space<vmem>>
    %dma_start3A_64 = arith.constant 0 : i32
    %dma_start3A_65 = arith.constant 0 : i32
    %dma_start3A_66 = tpu.memref_slice %arg3[%dma_start3A_64, %dma_start3A_65] : memref<100000x64xf32, #tpu.memory_space<hbm>> -> memref<100000x64xf32, #tpu.memory_space<hbm>>
    tpu.enqueue_indirect_dma source(%dma_start3A_66 : memref<100000x64xf32, #tpu.memory_space<hbm>>) target(%dma_start3A_60 : memref<128x64xf32, #tpu.memory_space<vmem>>) offsets(%dma_start3A_63 : memref<128xi32, #tpu.memory_space<vmem>>) semaphore(%arg8 : memref<!tpu.dma_semaphore, #tpu.memory_space<semaphore_mem>>)
    %scan3A_67 = arith.constant 0 : i32
    %scan3A_68 = arith.constant 0 : i32
    %scan3A_69 = arith.constant 128 : i32
    %scan3A_70 = arith.addi %scan3A_68, %scan3A_69 : i32
    %scan3A_71 = arith.constant 1 : i32
    %scan3A_72 = scf.for %scan3A_628 = %scan3A_68 to %scan3A_70 step %scan3A_71 iter_args(%scan3A_629 = %scan3A_67) -> (i32)  : i32 {
      %get3A = arith.index_cast %scan3A_628 : i32 to index
      %get3A_630 = arith.constant 0 : index
      %get3A_631 = tpu.vector_load %arg7[%get3A, %get3A_630] {strides = array<i32>} : memref<128x64xf32, #tpu.memory_space<vmem>>, vector<1x16xf32>,
      %get3A_632 = vector.shape_cast %get3A_631 : vector<1x16xf32> to vector<16xf32>
      %get3A_633 = arith.constant 1 : i32
      %get3A_634 = arith.index_cast %get3A_633 : i32 to index
      %get3A_635 = arith.index_cast %scan3A_628 : i32 to index
      %get3A_636 = arith.constant 0 : index
      %get3A_637 = tpu.vector_load %arg6[%get3A_634, %get3A_635, %get3A_636] {strides = array<i32>} : memref<2x128x64xf32, #tpu.memory_space<vmem>>, vector<1x1x16xf32>,
      %get3A_638 = vector.shape_cast %get3A_637 : vector<1x1x16xf32> to vector<16xf32>
      %add3A_639 = arith.addf %get3A_632, %get3A_638 : vector<16xf32>
      %swap3A = arith.index_cast %scan3A_628 : i32 to index
      %swap3A_640 = arith.constant 0 : index
      %swap3A_641 = tpu.vector_load %arg7[%swap3A, %swap3A_640] {strides = array<i32>} : memref<128x64xf32, #tpu.memory_space<vmem>>, vector<1x16xf32>,
      %swap3A_642 = vector.shape_cast %swap3A_641 : vector<1x16xf32> to vector<16xf32>
      %swap3A_643 = vector.shape_cast %add3A_639 : vector<16xf32> to vector<1x16xf32>
      tpu.vector_store %arg7[%swap3A, %swap3A_640], %swap3A_643 {strides = array<i32>} : memref<128x64xf32, #tpu.memory_space<vmem>>, vector<1x16xf32>,
      %get3A_644 = arith.index_cast %scan3A_628 : i32 to index
      %get3A_645 = arith.constant 16 : index
      %get3A_646 = tpu.vector_load %arg7[%get3A_644, %get3A_645] {strides = array<i32>} : memref<128x64xf32, #tpu.memory_space<vmem>>, vector<1x16xf32>,
      %get3A_647 = vector.shape_cast %get3A_646 : vector<1x16xf32> to vector<16xf32>
      %get3A_648 = arith.constant 1 : i32
      %get3A_649 = arith.index_cast %get3A_648 : i32 to index
      %get3A_650 = arith.index_cast %scan3A_628 : i32 to index
      %get3A_651 = arith.constant 16 : index
      %get3A_652 = tpu.vector_load %arg6[%get3A_649, %get3A_650, %get3A_651] {strides = array<i32>} : memref<2x128x64xf32, #tpu.memory_space<vmem>>, vector<1x1x16xf32>,
      %get3A_653 = vector.shape_cast %get3A_652 : vector<1x1x16xf32> to vector<16xf32>
      %add3A_654 = arith.addf %get3A_647, %get3A_653 : vector<16xf32>
      %swap3A_655 = arith.index_cast %scan3A_628 : i32 to index
      %swap3A_656 = arith.constant 16 : index
      %swap3A_657 = tpu.vector_load %arg7[%swap3A_655, %swap3A_656] {strides = array<i32>} : memref<128x64xf32, #tpu.memory_space<vmem>>, vector<1x16xf32>,
      %swap3A_658 = vector.shape_cast %swap3A_657 : vector<1x16xf32> to vector<16xf32>
      %swap3A_659 = vector.shape_cast %add3A_654 : vector<16xf32> to vector<1x16xf32>
      tpu.vector_store %arg7[%swap3A_655, %swap3A_656], %swap3A_659 {strides = array<i32>} : memref<128x64xf32, #tpu.memory_space<vmem>>, vector<1x16xf32>,
      %get3A_660 = arith.index_cast %scan3A_628 : i32 to index
      %get3A_661 = arith.constant 32 : index
      %get3A_662 = tpu.vector_load %arg7[%get3A_660, %get3A_661] {strides = array<i32>} : memref<128x64xf32, #tpu.memory_space<vmem>>, vector<1x16xf32>,
      %get3A_663 = vector.shape_cast %get3A_662 : vector<1x16xf32> to vector<16xf32>
      %get3A_664 = arith.constant 1 : i32
      %get3A_665 = arith.index_cast %get3A_664 : i32 to index
      %get3A_666 = arith.index_cast %scan3A_628 : i32 to index
      %get3A_667 = arith.constant 32 : index
      %get3A_668 = tpu.vector_load %arg6[%get3A_665, %get3A_666, %get3A_667] {strides = array<i32>} : memref<2x128x64xf32, #tpu.memory_space<vmem>>, vector<1x1x16xf32>,
      %get3A_669 = vector.shape_cast %get3A_668 : vector<1x1x16xf32> to vector<16xf32>
      %add3A_670 = arith.addf %get3A_663, %get3A_669 : vector<16xf32>
      %swap3A_671 = arith.index_cast %scan3A_628 : i32 to index
      %swap3A_672 = arith.constant 32 : index
      %swap3A_673 = tpu.vector_load %arg7[%swap3A_671, %swap3A_672] {strides = array<i32>} : memref<128x64xf32, #tpu.memory_space<vmem>>, vector<1x16xf32>,
      %swap3A_674 = vector.shape_cast %swap3A_673 : vector<1x16xf32> to vector<16xf32>
      %swap3A_675 = vector.shape_cast %add3A_670 : vector<16xf32> to vector<1x16xf32>
      tpu.vector_store %arg7[%swap3A_671, %swap3A_672], %swap3A_675 {strides = array<i32>} : memref<128x64xf32, #tpu.memory_space<vmem>>, vector<1x16xf32>,
      %get3A_676 = arith.index_cast %scan3A_628 : i32 to index
      %get3A_677 = arith.constant 48 : index
      %get3A_678 = tpu.vector_load %arg7[%get3A_676, %get3A_677] {strides = array<i32>} : memref<128x64xf32, #tpu.memory_space<vmem>>, vector<1x16xf32>,
      %get3A_679 = vector.shape_cast %get3A_678 : vector<1x16xf32> to vector<16xf32>
      %get3A_680 = arith.constant 1 : i32
      %get3A_681 = arith.index_cast %get3A_680 : i32 to index
      %get3A_682 = arith.index_cast %scan3A_628 : i32 to index
      %get3A_683 = arith.constant 48 : index
      %get3A_684 = tpu.vector_load %arg6[%get3A_681, %get3A_682, %get3A_683] {strides = array<i32>} : memref<2x128x64xf32, #tpu.memory_space<vmem>>, vector<1x1x16xf32>,
      %get3A_685 = vector.shape_cast %get3A_684 : vector<1x1x16xf32> to vector<16xf32>
      %add3A_686 = arith.addf %get3A_679, %get3A_685 : vector<16xf32>
      %swap3A_687 = arith.index_cast %scan3A_628 : i32 to index
      %swap3A_688 = arith.constant 48 : index
      %swap3A_689 = tpu.vector_load %arg7[%swap3A_687, %swap3A_688] {strides = array<i32>} : memref<128x64xf32, #tpu.memory_space<vmem>>, vector<1x16xf32>,
      %swap3A_690 = vector.shape_cast %swap3A_689 : vector<1x16xf32> to vector<16xf32>
      %swap3A_691 = vector.shape_cast %add3A_686 : vector<16xf32> to vector<1x16xf32>
      tpu.vector_store %arg7[%swap3A_687, %swap3A_688], %swap3A_691 {strides = array<i32>} : memref<128x64xf32, #tpu.memory_space<vmem>>, vector<1x16xf32>,
      %scan3A_692 = arith.constant 0 : i32
      scf.yield %scan3A_692 : i32
    }
    %scan3A_73 = arith.constant 128 : i32
    %dma_wait3A_74 = arith.constant 2 : i32
    %dma_wait3A_75 = arith.constant 0 : i32
    %dma_wait3A_76 = arith.constant 0 : i32
    %dma_wait3A_77 = arith.constant 0 : i32
    %dma_wait3A_78 = tpu.memref_slice %arg6[%dma_wait3A_75, %dma_wait3A_76, %dma_wait3A_77] : memref<2x128x64xf32, #tpu.memory_space<vmem>> -> memref<1x128x64xf32, #tpu.memory_space<vmem>>
    %dma_wait3A_79 = tpu.memref_squeeze %dma_wait3A_78 : memref<1x128x64xf32, #tpu.memory_space<vmem>> -> memref<128x64xf32, #tpu.memory_space<vmem>>
    %dma_wait3A_80 = arith.constant 0 : i32
    %dma_wait3A_81 = tpu.memref_slice %arg5[%dma_wait3A_74, %dma_wait3A_80] : memref<20x128xi32, #tpu.memory_space<vmem>> -> memref<1x128xi32, #tpu.memory_space<vmem>>
    %dma_wait3A_82 = tpu.memref_squeeze %dma_wait3A_81 : memref<1x128xi32, #tpu.memory_space<vmem>> -> memref<128xi32, #tpu.memory_space<vmem>>
    %dma_wait3A_83 = arith.constant 0 : i32
    %dma_wait3A_84 = arith.constant 0 : i32
    %dma_wait3A_85 = tpu.memref_slice %arg3[%dma_wait3A_83, %dma_wait3A_84] : memref<100000x64xf32, #tpu.memory_space<hbm>> -> memref<100000x64xf32, #tpu.memory_space<hbm>>
    tpu.wait_indirect_dma semaphore(%arg8 : memref<!tpu.dma_semaphore, #tpu.memory_space<semaphore_mem>>) src(%dma_wait3A_85 : memref<100000x64xf32, #tpu.memory_space<hbm>>) dst(%dma_wait3A_79 : memref<128x64xf32, #tpu.memory_space<vmem>>)
    %dma_start3A_86 = arith.constant 3 : i32
    %dma_start3A_87 = arith.constant 1 : i32
    %dma_start3A_88 = arith.constant 0 : i32
    %dma_start3A_89 = arith.constant 0 : i32
    %dma_start3A_90 = tpu.memref_slice %arg6[%dma_start3A_87, %dma_start3A_88, %dma_start3A_89] : memref<2x128x64xf32, #tpu.memory_space<vmem>> -> memref<1x128x64xf32, #tpu.memory_space<vmem>>
    %dma_start3A_91 = tpu.memref_squeeze %dma_start3A_90 : memref<1x128x64xf32, #tpu.memory_space<vmem>> -> memref<128x64xf32, #tpu.memory_space<vmem>>
    %dma_start3A_92 = arith.constant 0 : i32
    %dma_start3A_93 = tpu.memref_slice %arg5[%dma_start3A_86, %dma_start3A_92] : memref<20x128xi32, #tpu.memory_space<vmem>> -> memref<1x128xi32, #tpu.memory_space<vmem>>
    %dma_start3A_94 = tpu.memref_squeeze %dma_start3A_93 : memref<1x128xi32, #tpu.memory_space<vmem>> -> memref<128xi32, #tpu.memory_space<vmem>>
    %dma_start3A_95 = arith.constant 0 : i32
    %dma_start3A_96 = arith.constant 0 : i32
    %dma_start3A_97 = tpu.memref_slice %arg3[%dma_start3A_95, %dma_start3A_96] : memref<100000x64xf32, #tpu.memory_space<hbm>> -> memref<100000x64xf32, #tpu.memory_space<hbm>>
    tpu.enqueue_indirect_dma source(%dma_start3A_97 : memref<100000x64xf32, #tpu.memory_space<hbm>>) target(%dma_start3A_91 : memref<128x64xf32, #tpu.memory_space<vmem>>) offsets(%dma_start3A_94 : memref<128xi32, #tpu.memory_space<vmem>>) semaphore(%arg8 : memref<!tpu.dma_semaphore, #tpu.memory_space<semaphore_mem>>)
    %scan3A_98 = arith.constant 0 : i32
    %scan3A_99 = arith.constant 0 : i32
    %scan3A_100 = arith.constant 128 : i32
    %scan3A_101 = arith.addi %scan3A_99, %scan3A_100 : i32
    %scan3A_102 = arith.constant 1 : i32
    %scan3A_103 = scf.for %scan3A_628 = %scan3A_99 to %scan3A_101 step %scan3A_102 iter_args(%scan3A_629 = %scan3A_98) -> (i32)  : i32 {
      %get3A = arith.index_cast %scan3A_628 : i32 to index
      %get3A_630 = arith.constant 0 : index
      %get3A_631 = tpu.vector_load %arg7[%get3A, %get3A_630] {strides = array<i32>} : memref<128x64xf32, #tpu.memory_space<vmem>>, vector<1x16xf32>,
      %get3A_632 = vector.shape_cast %get3A_631 : vector<1x16xf32> to vector<16xf32>
      %get3A_633 = arith.constant 0 : i32
      %get3A_634 = arith.index_cast %get3A_633 : i32 to index
      %get3A_635 = arith.index_cast %scan3A_628 : i32 to index
      %get3A_636 = arith.constant 0 : index
      %get3A_637 = tpu.vector_load %arg6[%get3A_634, %get3A_635, %get3A_636] {strides = array<i32>} : memref<2x128x64xf32, #tpu.memory_space<vmem>>, vector<1x1x16xf32>,
      %get3A_638 = vector.shape_cast %get3A_637 : vector<1x1x16xf32> to vector<16xf32>
      %add3A_639 = arith.addf %get3A_632, %get3A_638 : vector<16xf32>
      %swap3A = arith.index_cast %scan3A_628 : i32 to index
      %swap3A_640 = arith.constant 0 : index
      %swap3A_641 = tpu.vector_load %arg7[%swap3A, %swap3A_640] {strides = array<i32>} : memref<128x64xf32, #tpu.memory_space<vmem>>, vector<1x16xf32>,
      %swap3A_642 = vector.shape_cast %swap3A_641 : vector<1x16xf32> to vector<16xf32>
      %swap3A_643 = vector.shape_cast %add3A_639 : vector<16xf32> to vector<1x16xf32>
      tpu.vector_store %arg7[%swap3A, %swap3A_640], %swap3A_643 {strides = array<i32>} : memref<128x64xf32, #tpu.memory_space<vmem>>, vector<1x16xf32>,
      %get3A_644 = arith.index_cast %scan3A_628 : i32 to index
      %get3A_645 = arith.constant 16 : index
      %get3A_646 = tpu.vector_load %arg7[%get3A_644, %get3A_645] {strides = array<i32>} : memref<128x64xf32, #tpu.memory_space<vmem>>, vector<1x16xf32>,
      %get3A_647 = vector.shape_cast %get3A_646 : vector<1x16xf32> to vector<16xf32>
      %get3A_648 = arith.constant 0 : i32
      %get3A_649 = arith.index_cast %get3A_648 : i32 to index
      %get3A_650 = arith.index_cast %scan3A_628 : i32 to index
      %get3A_651 = arith.constant 16 : index
      %get3A_652 = tpu.vector_load %arg6[%get3A_649, %get3A_650, %get3A_651] {strides = array<i32>} : memref<2x128x64xf32, #tpu.memory_space<vmem>>, vector<1x1x16xf32>,
      %get3A_653 = vector.shape_cast %get3A_652 : vector<1x1x16xf32> to vector<16xf32>
      %add3A_654 = arith.addf %get3A_647, %get3A_653 : vector<16xf32>
      %swap3A_655 = arith.index_cast %scan3A_628 : i32 to index
      %swap3A_656 = arith.constant 16 : index
      %swap3A_657 = tpu.vector_load %arg7[%swap3A_655, %swap3A_656] {strides = array<i32>} : memref<128x64xf32, #tpu.memory_space<vmem>>, vector<1x16xf32>,
      %swap3A_658 = vector.shape_cast %swap3A_657 : vector<1x16xf32> to vector<16xf32>
      %swap3A_659 = vector.shape_cast %add3A_654 : vector<16xf32> to vector<1x16xf32>
      tpu.vector_store %arg7[%swap3A_655, %swap3A_656], %swap3A_659 {strides = array<i32>} : memref<128x64xf32, #tpu.memory_space<vmem>>, vector<1x16xf32>,
      %get3A_660 = arith.index_cast %scan3A_628 : i32 to index
      %get3A_661 = arith.constant 32 : index
      %get3A_662 = tpu.vector_load %arg7[%get3A_660, %get3A_661] {strides = array<i32>} : memref<128x64xf32, #tpu.memory_space<vmem>>, vector<1x16xf32>,
      %get3A_663 = vector.shape_cast %get3A_662 : vector<1x16xf32> to vector<16xf32>
      %get3A_664 = arith.constant 0 : i32
      %get3A_665 = arith.index_cast %get3A_664 : i32 to index
      %get3A_666 = arith.index_cast %scan3A_628 : i32 to index
      %get3A_667 = arith.constant 32 : index
      %get3A_668 = tpu.vector_load %arg6[%get3A_665, %get3A_666, %get3A_667] {strides = array<i32>} : memref<2x128x64xf32, #tpu.memory_space<vmem>>, vector<1x1x16xf32>,
      %get3A_669 = vector.shape_cast %get3A_668 : vector<1x1x16xf32> to vector<16xf32>
      %add3A_670 = arith.addf %get3A_663, %get3A_669 : vector<16xf32>
      %swap3A_671 = arith.index_cast %scan3A_628 : i32 to index
      %swap3A_672 = arith.constant 32 : index
      %swap3A_673 = tpu.vector_load %arg7[%swap3A_671, %swap3A_672] {strides = array<i32>} : memref<128x64xf32, #tpu.memory_space<vmem>>, vector<1x16xf32>,
      %swap3A_674 = vector.shape_cast %swap3A_673 : vector<1x16xf32> to vector<16xf32>
      %swap3A_675 = vector.shape_cast %add3A_670 : vector<16xf32> to vector<1x16xf32>
      tpu.vector_store %arg7[%swap3A_671, %swap3A_672], %swap3A_675 {strides = array<i32>} : memref<128x64xf32, #tpu.memory_space<vmem>>, vector<1x16xf32>,
      %get3A_676 = arith.index_cast %scan3A_628 : i32 to index
      %get3A_677 = arith.constant 48 : index
      %get3A_678 = tpu.vector_load %arg7[%get3A_676, %get3A_677] {strides = array<i32>} : memref<128x64xf32, #tpu.memory_space<vmem>>, vector<1x16xf32>,
      %get3A_679 = vector.shape_cast %get3A_678 : vector<1x16xf32> to vector<16xf32>
      %get3A_680 = arith.constant 0 : i32
      %get3A_681 = arith.index_cast %get3A_680 : i32 to index
      %get3A_682 = arith.index_cast %scan3A_628 : i32 to index
      %get3A_683 = arith.constant 48 : index
      %get3A_684 = tpu.vector_load %arg6[%get3A_681, %get3A_682, %get3A_683] {strides = array<i32>} : memref<2x128x64xf32, #tpu.memory_space<vmem>>, vector<1x1x16xf32>,
      %get3A_685 = vector.shape_cast %get3A_684 : vector<1x1x16xf32> to vector<16xf32>
      %add3A_686 = arith.addf %get3A_679, %get3A_685 : vector<16xf32>
      %swap3A_687 = arith.index_cast %scan3A_628 : i32 to index
      %swap3A_688 = arith.constant 48 : index
      %swap3A_689 = tpu.vector_load %arg7[%swap3A_687, %swap3A_688] {strides = array<i32>} : memref<128x64xf32, #tpu.memory_space<vmem>>, vector<1x16xf32>,
      %swap3A_690 = vector.shape_cast %swap3A_689 : vector<1x16xf32> to vector<16xf32>
      %swap3A_691 = vector.shape_cast %add3A_686 : vector<16xf32> to vector<1x16xf32>
      tpu.vector_store %arg7[%swap3A_687, %swap3A_688], %swap3A_691 {strides = array<i32>} : memref<128x64xf32, #tpu.memory_space<vmem>>, vector<1x16xf32>,
      %scan3A_692 = arith.constant 0 : i32
      scf.yield %scan3A_692 : i32
    }
    %scan3A_104 = arith.constant 128 : i32
    %dma_wait3A_105 = arith.constant 3 : i32
    %dma_wait3A_106 = arith.constant 1 : i32
    %dma_wait3A_107 = arith.constant 0 : i32
    %dma_wait3A_108 = arith.constant 0 : i32
    %dma_wait3A_109 = tpu.memref_slice %arg6[%dma_wait3A_106, %dma_wait3A_107, %dma_wait3A_108] : memref<2x128x64xf32, #tpu.memory_space<vmem>> -> memref<1x128x64xf32, #tpu.memory_space<vmem>>
    %dma_wait3A_110 = tpu.memref_squeeze %dma_wait3A_109 : memref<1x128x64xf32, #tpu.memory_space<vmem>> -> memref<128x64xf32, #tpu.memory_space<vmem>>
    %dma_wait3A_111 = arith.constant 0 : i32
    %dma_wait3A_112 = tpu.memref_slice %arg5[%dma_wait3A_105, %dma_wait3A_111] : memref<20x128xi32, #tpu.memory_space<vmem>> -> memref<1x128xi32, #tpu.memory_space<vmem>>
    %dma_wait3A_113 = tpu.memref_squeeze %dma_wait3A_112 : memref<1x128xi32, #tpu.memory_space<vmem>> -> memref<128xi32, #tpu.memory_space<vmem>>
    %dma_wait3A_114 = arith.constant 0 : i32
    %dma_wait3A_115 = arith.constant 0 : i32
    %dma_wait3A_116 = tpu.memref_slice %arg3[%dma_wait3A_114, %dma_wait3A_115] : memref<100000x64xf32, #tpu.memory_space<hbm>> -> memref<100000x64xf32, #tpu.memory_space<hbm>>
    tpu.wait_indirect_dma semaphore(%arg8 : memref<!tpu.dma_semaphore, #tpu.memory_space<semaphore_mem>>) src(%dma_wait3A_116 : memref<100000x64xf32, #tpu.memory_space<hbm>>) dst(%dma_wait3A_110 : memref<128x64xf32, #tpu.memory_space<vmem>>)
    %dma_start3A_117 = arith.constant 4 : i32
    %dma_start3A_118 = arith.constant 0 : i32
    %dma_start3A_119 = arith.constant 0 : i32
    %dma_start3A_120 = arith.constant 0 : i32
    %dma_start3A_121 = tpu.memref_slice %arg6[%dma_start3A_118, %dma_start3A_119, %dma_start3A_120] : memref<2x128x64xf32, #tpu.memory_space<vmem>> -> memref<1x128x64xf32, #tpu.memory_space<vmem>>
    %dma_start3A_122 = tpu.memref_squeeze %dma_start3A_121 : memref<1x128x64xf32, #tpu.memory_space<vmem>> -> memref<128x64xf32, #tpu.memory_space<vmem>>
    %dma_start3A_123 = arith.constant 0 : i32
    %dma_start3A_124 = tpu.memref_slice %arg5[%dma_start3A_117, %dma_start3A_123] : memref<20x128xi32, #tpu.memory_space<vmem>> -> memref<1x128xi32, #tpu.memory_space<vmem>>
    %dma_start3A_125 = tpu.memref_squeeze %dma_start3A_124 : memref<1x128xi32, #tpu.memory_space<vmem>> -> memref<128xi32, #tpu.memory_space<vmem>>
    %dma_start3A_126 = arith.constant 0 : i32
    %dma_start3A_127 = arith.constant 0 : i32
    %dma_start3A_128 = tpu.memref_slice %arg3[%dma_start3A_126, %dma_start3A_127] : memref<100000x64xf32, #tpu.memory_space<hbm>> -> memref<100000x64xf32, #tpu.memory_space<hbm>>
    tpu.enqueue_indirect_dma source(%dma_start3A_128 : memref<100000x64xf32, #tpu.memory_space<hbm>>) target(%dma_start3A_122 : memref<128x64xf32, #tpu.memory_space<vmem>>) offsets(%dma_start3A_125 : memref<128xi32, #tpu.memory_space<vmem>>) semaphore(%arg8 : memref<!tpu.dma_semaphore, #tpu.memory_space<semaphore_mem>>)
    %scan3A_129 = arith.constant 0 : i32
    %scan3A_130 = arith.constant 0 : i32
    %scan3A_131 = arith.constant 128 : i32
    %scan3A_132 = arith.addi %scan3A_130, %scan3A_131 : i32
    %scan3A_133 = arith.constant 1 : i32
    %scan3A_134 = scf.for %scan3A_628 = %scan3A_130 to %scan3A_132 step %scan3A_133 iter_args(%scan3A_629 = %scan3A_129) -> (i32)  : i32 {
      %get3A = arith.index_cast %scan3A_628 : i32 to index
      %get3A_630 = arith.constant 0 : index
      %get3A_631 = tpu.vector_load %arg7[%get3A, %get3A_630] {strides = array<i32>} : memref<128x64xf32, #tpu.memory_space<vmem>>, vector<1x16xf32>,
      %get3A_632 = vector.shape_cast %get3A_631 : vector<1x16xf32> to vector<16xf32>
      %get3A_633 = arith.constant 1 : i32
      %get3A_634 = arith.index_cast %get3A_633 : i32 to index
      %get3A_635 = arith.index_cast %scan3A_628 : i32 to index
      %get3A_636 = arith.constant 0 : index
      %get3A_637 = tpu.vector_load %arg6[%get3A_634, %get3A_635, %get3A_636] {strides = array<i32>} : memref<2x128x64xf32, #tpu.memory_space<vmem>>, vector<1x1x16xf32>,
      %get3A_638 = vector.shape_cast %get3A_637 : vector<1x1x16xf32> to vector<16xf32>
      %add3A_639 = arith.addf %get3A_632, %get3A_638 : vector<16xf32>
      %swap3A = arith.index_cast %scan3A_628 : i32 to index
      %swap3A_640 = arith.constant 0 : index
      %swap3A_641 = tpu.vector_load %arg7[%swap3A, %swap3A_640] {strides = array<i32>} : memref<128x64xf32, #tpu.memory_space<vmem>>, vector<1x16xf32>,
      %swap3A_642 = vector.shape_cast %swap3A_641 : vector<1x16xf32> to vector<16xf32>
      %swap3A_643 = vector.shape_cast %add3A_639 : vector<16xf32> to vector<1x16xf32>
      tpu.vector_store %arg7[%swap3A, %swap3A_640], %swap3A_643 {strides = array<i32>} : memref<128x64xf32, #tpu.memory_space<vmem>>, vector<1x16xf32>,
      %get3A_644 = arith.index_cast %scan3A_628 : i32 to index
      %get3A_645 = arith.constant 16 : index
      %get3A_646 = tpu.vector_load %arg7[%get3A_644, %get3A_645] {strides = array<i32>} : memref<128x64xf32, #tpu.memory_space<vmem>>, vector<1x16xf32>,
      %get3A_647 = vector.shape_cast %get3A_646 : vector<1x16xf32> to vector<16xf32>
      %get3A_648 = arith.constant 1 : i32
      %get3A_649 = arith.index_cast %get3A_648 : i32 to index
      %get3A_650 = arith.index_cast %scan3A_628 : i32 to index
      %get3A_651 = arith.constant 16 : index
      %get3A_652 = tpu.vector_load %arg6[%get3A_649, %get3A_650, %get3A_651] {strides = array<i32>} : memref<2x128x64xf32, #tpu.memory_space<vmem>>, vector<1x1x16xf32>,
      %get3A_653 = vector.shape_cast %get3A_652 : vector<1x1x16xf32> to vector<16xf32>
      %add3A_654 = arith.addf %get3A_647, %get3A_653 : vector<16xf32>
      %swap3A_655 = arith.index_cast %scan3A_628 : i32 to index
      %swap3A_656 = arith.constant 16 : index
      %swap3A_657 = tpu.vector_load %arg7[%swap3A_655, %swap3A_656] {strides = array<i32>} : memref<128x64xf32, #tpu.memory_space<vmem>>, vector<1x16xf32>,
      %swap3A_658 = vector.shape_cast %swap3A_657 : vector<1x16xf32> to vector<16xf32>
      %swap3A_659 = vector.shape_cast %add3A_654 : vector<16xf32> to vector<1x16xf32>
      tpu.vector_store %arg7[%swap3A_655, %swap3A_656], %swap3A_659 {strides = array<i32>} : memref<128x64xf32, #tpu.memory_space<vmem>>, vector<1x16xf32>,
      %get3A_660 = arith.index_cast %scan3A_628 : i32 to index
      %get3A_661 = arith.constant 32 : index
      %get3A_662 = tpu.vector_load %arg7[%get3A_660, %get3A_661] {strides = array<i32>} : memref<128x64xf32, #tpu.memory_space<vmem>>, vector<1x16xf32>,
      %get3A_663 = vector.shape_cast %get3A_662 : vector<1x16xf32> to vector<16xf32>
      %get3A_664 = arith.constant 1 : i32
      %get3A_665 = arith.index_cast %get3A_664 : i32 to index
      %get3A_666 = arith.index_cast %scan3A_628 : i32 to index
      %get3A_667 = arith.constant 32 : index
      %get3A_668 = tpu.vector_load %arg6[%get3A_665, %get3A_666, %get3A_667] {strides = array<i32>} : memref<2x128x64xf32, #tpu.memory_space<vmem>>, vector<1x1x16xf32>,
      %get3A_669 = vector.shape_cast %get3A_668 : vector<1x1x16xf32> to vector<16xf32>
      %add3A_670 = arith.addf %get3A_663, %get3A_669 : vector<16xf32>
      %swap3A_671 = arith.index_cast %scan3A_628 : i32 to index
      %swap3A_672 = arith.constant 32 : index
      %swap3A_673 = tpu.vector_load %arg7[%swap3A_671, %swap3A_672] {strides = array<i32>} : memref<128x64xf32, #tpu.memory_space<vmem>>, vector<1x16xf32>,
      %swap3A_674 = vector.shape_cast %swap3A_673 : vector<1x16xf32> to vector<16xf32>
      %swap3A_675 = vector.shape_cast %add3A_670 : vector<16xf32> to vector<1x16xf32>
      tpu.vector_store %arg7[%swap3A_671, %swap3A_672], %swap3A_675 {strides = array<i32>} : memref<128x64xf32, #tpu.memory_space<vmem>>, vector<1x16xf32>,
      %get3A_676 = arith.index_cast %scan3A_628 : i32 to index
      %get3A_677 = arith.constant 48 : index
      %get3A_678 = tpu.vector_load %arg7[%get3A_676, %get3A_677] {strides = array<i32>} : memref<128x64xf32, #tpu.memory_space<vmem>>, vector<1x16xf32>,
      %get3A_679 = vector.shape_cast %get3A_678 : vector<1x16xf32> to vector<16xf32>
      %get3A_680 = arith.constant 1 : i32
      %get3A_681 = arith.index_cast %get3A_680 : i32 to index
      %get3A_682 = arith.index_cast %scan3A_628 : i32 to index
      %get3A_683 = arith.constant 48 : index
      %get3A_684 = tpu.vector_load %arg6[%get3A_681, %get3A_682, %get3A_683] {strides = array<i32>} : memref<2x128x64xf32, #tpu.memory_space<vmem>>, vector<1x1x16xf32>,
      %get3A_685 = vector.shape_cast %get3A_684 : vector<1x1x16xf32> to vector<16xf32>
      %add3A_686 = arith.addf %get3A_679, %get3A_685 : vector<16xf32>
      %swap3A_687 = arith.index_cast %scan3A_628 : i32 to index
      %swap3A_688 = arith.constant 48 : index
      %swap3A_689 = tpu.vector_load %arg7[%swap3A_687, %swap3A_688] {strides = array<i32>} : memref<128x64xf32, #tpu.memory_space<vmem>>, vector<1x16xf32>,
      %swap3A_690 = vector.shape_cast %swap3A_689 : vector<1x16xf32> to vector<16xf32>
      %swap3A_691 = vector.shape_cast %add3A_686 : vector<16xf32> to vector<1x16xf32>
      tpu.vector_store %arg7[%swap3A_687, %swap3A_688], %swap3A_691 {strides = array<i32>} : memref<128x64xf32, #tpu.memory_space<vmem>>, vector<1x16xf32>,
      %scan3A_692 = arith.constant 0 : i32
      scf.yield %scan3A_692 : i32
    }
    %scan3A_135 = arith.constant 128 : i32
    %dma_wait3A_136 = arith.constant 4 : i32
    %dma_wait3A_137 = arith.constant 0 : i32
    %dma_wait3A_138 = arith.constant 0 : i32
    %dma_wait3A_139 = arith.constant 0 : i32
    %dma_wait3A_140 = tpu.memref_slice %arg6[%dma_wait3A_137, %dma_wait3A_138, %dma_wait3A_139] : memref<2x128x64xf32, #tpu.memory_space<vmem>> -> memref<1x128x64xf32, #tpu.memory_space<vmem>>
    %dma_wait3A_141 = tpu.memref_squeeze %dma_wait3A_140 : memref<1x128x64xf32, #tpu.memory_space<vmem>> -> memref<128x64xf32, #tpu.memory_space<vmem>>
    %dma_wait3A_142 = arith.constant 0 : i32
    %dma_wait3A_143 = tpu.memref_slice %arg5[%dma_wait3A_136, %dma_wait3A_142] : memref<20x128xi32, #tpu.memory_space<vmem>> -> memref<1x128xi32, #tpu.memory_space<vmem>>
    %dma_wait3A_144 = tpu.memref_squeeze %dma_wait3A_143 : memref<1x128xi32, #tpu.memory_space<vmem>> -> memref<128xi32, #tpu.memory_space<vmem>>
    %dma_wait3A_145 = arith.constant 0 : i32
    %dma_wait3A_146 = arith.constant 0 : i32
    %dma_wait3A_147 = tpu.memref_slice %arg3[%dma_wait3A_145, %dma_wait3A_146] : memref<100000x64xf32, #tpu.memory_space<hbm>> -> memref<100000x64xf32, #tpu.memory_space<hbm>>
    tpu.wait_indirect_dma semaphore(%arg8 : memref<!tpu.dma_semaphore, #tpu.memory_space<semaphore_mem>>) src(%dma_wait3A_147 : memref<100000x64xf32, #tpu.memory_space<hbm>>) dst(%dma_wait3A_141 : memref<128x64xf32, #tpu.memory_space<vmem>>)
    %dma_start3A_148 = arith.constant 5 : i32
    %dma_start3A_149 = arith.constant 1 : i32
    %dma_start3A_150 = arith.constant 0 : i32
    %dma_start3A_151 = arith.constant 0 : i32
    %dma_start3A_152 = tpu.memref_slice %arg6[%dma_start3A_149, %dma_start3A_150, %dma_start3A_151] : memref<2x128x64xf32, #tpu.memory_space<vmem>> -> memref<1x128x64xf32, #tpu.memory_space<vmem>>
    %dma_start3A_153 = tpu.memref_squeeze %dma_start3A_152 : memref<1x128x64xf32, #tpu.memory_space<vmem>> -> memref<128x64xf32, #tpu.memory_space<vmem>>
    %dma_start3A_154 = arith.constant 0 : i32
    %dma_start3A_155 = tpu.memref_slice %arg5[%dma_start3A_148, %dma_start3A_154] : memref<20x128xi32, #tpu.memory_space<vmem>> -> memref<1x128xi32, #tpu.memory_space<vmem>>
    %dma_start3A_156 = tpu.memref_squeeze %dma_start3A_155 : memref<1x128xi32, #tpu.memory_space<vmem>> -> memref<128xi32, #tpu.memory_space<vmem>>
    %dma_start3A_157 = arith.constant 0 : i32
    %dma_start3A_158 = arith.constant 0 : i32
    %dma_start3A_159 = tpu.memref_slice %arg3[%dma_start3A_157, %dma_start3A_158] : memref<100000x64xf32, #tpu.memory_space<hbm>> -> memref<100000x64xf32, #tpu.memory_space<hbm>>
    tpu.enqueue_indirect_dma source(%dma_start3A_159 : memref<100000x64xf32, #tpu.memory_space<hbm>>) target(%dma_start3A_153 : memref<128x64xf32, #tpu.memory_space<vmem>>) offsets(%dma_start3A_156 : memref<128xi32, #tpu.memory_space<vmem>>) semaphore(%arg8 : memref<!tpu.dma_semaphore, #tpu.memory_space<semaphore_mem>>)
    %scan3A_160 = arith.constant 0 : i32
    %scan3A_161 = arith.constant 0 : i32
    %scan3A_162 = arith.constant 128 : i32
    %scan3A_163 = arith.addi %scan3A_161, %scan3A_162 : i32
    %scan3A_164 = arith.constant 1 : i32
    %scan3A_165 = scf.for %scan3A_628 = %scan3A_161 to %scan3A_163 step %scan3A_164 iter_args(%scan3A_629 = %scan3A_160) -> (i32)  : i32 {
      %get3A = arith.index_cast %scan3A_628 : i32 to index
      %get3A_630 = arith.constant 0 : index
      %get3A_631 = tpu.vector_load %arg7[%get3A, %get3A_630] {strides = array<i32>} : memref<128x64xf32, #tpu.memory_space<vmem>>, vector<1x16xf32>,
      %get3A_632 = vector.shape_cast %get3A_631 : vector<1x16xf32> to vector<16xf32>
      %get3A_633 = arith.constant 0 : i32
      %get3A_634 = arith.index_cast %get3A_633 : i32 to index
      %get3A_635 = arith.index_cast %scan3A_628 : i32 to index
      %get3A_636 = arith.constant 0 : index
      %get3A_637 = tpu.vector_load %arg6[%get3A_634, %get3A_635, %get3A_636] {strides = array<i32>} : memref<2x128x64xf32, #tpu.memory_space<vmem>>, vector<1x1x16xf32>,
      %get3A_638 = vector.shape_cast %get3A_637 : vector<1x1x16xf32> to vector<16xf32>
      %add3A_639 = arith.addf %get3A_632, %get3A_638 : vector<16xf32>
      %swap3A = arith.index_cast %scan3A_628 : i32 to index
      %swap3A_640 = arith.constant 0 : index
      %swap3A_641 = tpu.vector_load %arg7[%swap3A, %swap3A_640] {strides = array<i32>} : memref<128x64xf32, #tpu.memory_space<vmem>>, vector<1x16xf32>,
      %swap3A_642 = vector.shape_cast %swap3A_641 : vector<1x16xf32> to vector<16xf32>
      %swap3A_643 = vector.shape_cast %add3A_639 : vector<16xf32> to vector<1x16xf32>
      tpu.vector_store %arg7[%swap3A, %swap3A_640], %swap3A_643 {strides = array<i32>} : memref<128x64xf32, #tpu.memory_space<vmem>>, vector<1x16xf32>,
      %get3A_644 = arith.index_cast %scan3A_628 : i32 to index
      %get3A_645 = arith.constant 16 : index
      %get3A_646 = tpu.vector_load %arg7[%get3A_644, %get3A_645] {strides = array<i32>} : memref<128x64xf32, #tpu.memory_space<vmem>>, vector<1x16xf32>,
      %get3A_647 = vector.shape_cast %get3A_646 : vector<1x16xf32> to vector<16xf32>
      %get3A_648 = arith.constant 0 : i32
      %get3A_649 = arith.index_cast %get3A_648 : i32 to index
      %get3A_650 = arith.index_cast %scan3A_628 : i32 to index
      %get3A_651 = arith.constant 16 : index
      %get3A_652 = tpu.vector_load %arg6[%get3A_649, %get3A_650, %get3A_651] {strides = array<i32>} : memref<2x128x64xf32, #tpu.memory_space<vmem>>, vector<1x1x16xf32>,
      %get3A_653 = vector.shape_cast %get3A_652 : vector<1x1x16xf32> to vector<16xf32>
      %add3A_654 = arith.addf %get3A_647, %get3A_653 : vector<16xf32>
      %swap3A_655 = arith.index_cast %scan3A_628 : i32 to index
      %swap3A_656 = arith.constant 16 : index
      %swap3A_657 = tpu.vector_load %arg7[%swap3A_655, %swap3A_656] {strides = array<i32>} : memref<128x64xf32, #tpu.memory_space<vmem>>, vector<1x16xf32>,
      %swap3A_658 = vector.shape_cast %swap3A_657 : vector<1x16xf32> to vector<16xf32>
      %swap3A_659 = vector.shape_cast %add3A_654 : vector<16xf32> to vector<1x16xf32>
      tpu.vector_store %arg7[%swap3A_655, %swap3A_656], %swap3A_659 {strides = array<i32>} : memref<128x64xf32, #tpu.memory_space<vmem>>, vector<1x16xf32>,
      %get3A_660 = arith.index_cast %scan3A_628 : i32 to index
      %get3A_661 = arith.constant 32 : index
      %get3A_662 = tpu.vector_load %arg7[%get3A_660, %get3A_661] {strides = array<i32>} : memref<128x64xf32, #tpu.memory_space<vmem>>, vector<1x16xf32>,
      %get3A_663 = vector.shape_cast %get3A_662 : vector<1x16xf32> to vector<16xf32>
      %get3A_664 = arith.constant 0 : i32
      %get3A_665 = arith.index_cast %get3A_664 : i32 to index
      %get3A_666 = arith.index_cast %scan3A_628 : i32 to index
      %get3A_667 = arith.constant 32 : index
      %get3A_668 = tpu.vector_load %arg6[%get3A_665, %get3A_666, %get3A_667] {strides = array<i32>} : memref<2x128x64xf32, #tpu.memory_space<vmem>>, vector<1x1x16xf32>,
      %get3A_669 = vector.shape_cast %get3A_668 : vector<1x1x16xf32> to vector<16xf32>
      %add3A_670 = arith.addf %get3A_663, %get3A_669 : vector<16xf32>
      %swap3A_671 = arith.index_cast %scan3A_628 : i32 to index
      %swap3A_672 = arith.constant 32 : index
      %swap3A_673 = tpu.vector_load %arg7[%swap3A_671, %swap3A_672] {strides = array<i32>} : memref<128x64xf32, #tpu.memory_space<vmem>>, vector<1x16xf32>,
      %swap3A_674 = vector.shape_cast %swap3A_673 : vector<1x16xf32> to vector<16xf32>
      %swap3A_675 = vector.shape_cast %add3A_670 : vector<16xf32> to vector<1x16xf32>
      tpu.vector_store %arg7[%swap3A_671, %swap3A_672], %swap3A_675 {strides = array<i32>} : memref<128x64xf32, #tpu.memory_space<vmem>>, vector<1x16xf32>,
      %get3A_676 = arith.index_cast %scan3A_628 : i32 to index
      %get3A_677 = arith.constant 48 : index
      %get3A_678 = tpu.vector_load %arg7[%get3A_676, %get3A_677] {strides = array<i32>} : memref<128x64xf32, #tpu.memory_space<vmem>>, vector<1x16xf32>,
      %get3A_679 = vector.shape_cast %get3A_678 : vector<1x16xf32> to vector<16xf32>
      %get3A_680 = arith.constant 0 : i32
      %get3A_681 = arith.index_cast %get3A_680 : i32 to index
      %get3A_682 = arith.index_cast %scan3A_628 : i32 to index
      %get3A_683 = arith.constant 48 : index
      %get3A_684 = tpu.vector_load %arg6[%get3A_681, %get3A_682, %get3A_683] {strides = array<i32>} : memref<2x128x64xf32, #tpu.memory_space<vmem>>, vector<1x1x16xf32>,
      %get3A_685 = vector.shape_cast %get3A_684 : vector<1x1x16xf32> to vector<16xf32>
      %add3A_686 = arith.addf %get3A_679, %get3A_685 : vector<16xf32>
      %swap3A_687 = arith.index_cast %scan3A_628 : i32 to index
      %swap3A_688 = arith.constant 48 : index
      %swap3A_689 = tpu.vector_load %arg7[%swap3A_687, %swap3A_688] {strides = array<i32>} : memref<128x64xf32, #tpu.memory_space<vmem>>, vector<1x16xf32>,
      %swap3A_690 = vector.shape_cast %swap3A_689 : vector<1x16xf32> to vector<16xf32>
      %swap3A_691 = vector.shape_cast %add3A_686 : vector<16xf32> to vector<1x16xf32>
      tpu.vector_store %arg7[%swap3A_687, %swap3A_688], %swap3A_691 {strides = array<i32>} : memref<128x64xf32, #tpu.memory_space<vmem>>, vector<1x16xf32>,
      %scan3A_692 = arith.constant 0 : i32
      scf.yield %scan3A_692 : i32
    }
    %scan3A_166 = arith.constant 128 : i32
    %dma_wait3A_167 = arith.constant 5 : i32
    %dma_wait3A_168 = arith.constant 1 : i32
    %dma_wait3A_169 = arith.constant 0 : i32
    %dma_wait3A_170 = arith.constant 0 : i32
    %dma_wait3A_171 = tpu.memref_slice %arg6[%dma_wait3A_168, %dma_wait3A_169, %dma_wait3A_170] : memref<2x128x64xf32, #tpu.memory_space<vmem>> -> memref<1x128x64xf32, #tpu.memory_space<vmem>>
    %dma_wait3A_172 = tpu.memref_squeeze %dma_wait3A_171 : memref<1x128x64xf32, #tpu.memory_space<vmem>> -> memref<128x64xf32, #tpu.memory_space<vmem>>
    %dma_wait3A_173 = arith.constant 0 : i32
    %dma_wait3A_174 = tpu.memref_slice %arg5[%dma_wait3A_167, %dma_wait3A_173] : memref<20x128xi32, #tpu.memory_space<vmem>> -> memref<1x128xi32, #tpu.memory_space<vmem>>
    %dma_wait3A_175 = tpu.memref_squeeze %dma_wait3A_174 : memref<1x128xi32, #tpu.memory_space<vmem>> -> memref<128xi32, #tpu.memory_space<vmem>>
    %dma_wait3A_176 = arith.constant 0 : i32
    %dma_wait3A_177 = arith.constant 0 : i32
    %dma_wait3A_178 = tpu.memref_slice %arg3[%dma_wait3A_176, %dma_wait3A_177] : memref<100000x64xf32, #tpu.memory_space<hbm>> -> memref<100000x64xf32, #tpu.memory_space<hbm>>
    tpu.wait_indirect_dma semaphore(%arg8 : memref<!tpu.dma_semaphore, #tpu.memory_space<semaphore_mem>>) src(%dma_wait3A_178 : memref<100000x64xf32, #tpu.memory_space<hbm>>) dst(%dma_wait3A_172 : memref<128x64xf32, #tpu.memory_space<vmem>>)
    %dma_start3A_179 = arith.constant 6 : i32
    %dma_start3A_180 = arith.constant 0 : i32
    %dma_start3A_181 = arith.constant 0 : i32
    %dma_start3A_182 = arith.constant 0 : i32
    %dma_start3A_183 = tpu.memref_slice %arg6[%dma_start3A_180, %dma_start3A_181, %dma_start3A_182] : memref<2x128x64xf32, #tpu.memory_space<vmem>> -> memref<1x128x64xf32, #tpu.memory_space<vmem>>
    %dma_start3A_184 = tpu.memref_squeeze %dma_start3A_183 : memref<1x128x64xf32, #tpu.memory_space<vmem>> -> memref<128x64xf32, #tpu.memory_space<vmem>>
    %dma_start3A_185 = arith.constant 0 : i32
    %dma_start3A_186 = tpu.memref_slice %arg5[%dma_start3A_179, %dma_start3A_185] : memref<20x128xi32, #tpu.memory_space<vmem>> -> memref<1x128xi32, #tpu.memory_space<vmem>>
    %dma_start3A_187 = tpu.memref_squeeze %dma_start3A_186 : memref<1x128xi32, #tpu.memory_space<vmem>> -> memref<128xi32, #tpu.memory_space<vmem>>
    %dma_start3A_188 = arith.constant 0 : i32
    %dma_start3A_189 = arith.constant 0 : i32
    %dma_start3A_190 = tpu.memref_slice %arg3[%dma_start3A_188, %dma_start3A_189] : memref<100000x64xf32, #tpu.memory_space<hbm>> -> memref<100000x64xf32, #tpu.memory_space<hbm>>
    tpu.enqueue_indirect_dma source(%dma_start3A_190 : memref<100000x64xf32, #tpu.memory_space<hbm>>) target(%dma_start3A_184 : memref<128x64xf32, #tpu.memory_space<vmem>>) offsets(%dma_start3A_187 : memref<128xi32, #tpu.memory_space<vmem>>) semaphore(%arg8 : memref<!tpu.dma_semaphore, #tpu.memory_space<semaphore_mem>>)
    %scan3A_191 = arith.constant 0 : i32
    %scan3A_192 = arith.constant 0 : i32
    %scan3A_193 = arith.constant 128 : i32
    %scan3A_194 = arith.addi %scan3A_192, %scan3A_193 : i32
    %scan3A_195 = arith.constant 1 : i32
    %scan3A_196 = scf.for %scan3A_628 = %scan3A_192 to %scan3A_194 step %scan3A_195 iter_args(%scan3A_629 = %scan3A_191) -> (i32)  : i32 {
      %get3A = arith.index_cast %scan3A_628 : i32 to index
      %get3A_630 = arith.constant 0 : index
      %get3A_631 = tpu.vector_load %arg7[%get3A, %get3A_630] {strides = array<i32>} : memref<128x64xf32, #tpu.memory_space<vmem>>, vector<1x16xf32>,
      %get3A_632 = vector.shape_cast %get3A_631 : vector<1x16xf32> to vector<16xf32>
      %get3A_633 = arith.constant 1 : i32
      %get3A_634 = arith.index_cast %get3A_633 : i32 to index
      %get3A_635 = arith.index_cast %scan3A_628 : i32 to index
      %get3A_636 = arith.constant 0 : index
      %get3A_637 = tpu.vector_load %arg6[%get3A_634, %get3A_635, %get3A_636] {strides = array<i32>} : memref<2x128x64xf32, #tpu.memory_space<vmem>>, vector<1x1x16xf32>,
      %get3A_638 = vector.shape_cast %get3A_637 : vector<1x1x16xf32> to vector<16xf32>
      %add3A_639 = arith.addf %get3A_632, %get3A_638 : vector<16xf32>
      %swap3A = arith.index_cast %scan3A_628 : i32 to index
      %swap3A_640 = arith.constant 0 : index
      %swap3A_641 = tpu.vector_load %arg7[%swap3A, %swap3A_640] {strides = array<i32>} : memref<128x64xf32, #tpu.memory_space<vmem>>, vector<1x16xf32>,
      %swap3A_642 = vector.shape_cast %swap3A_641 : vector<1x16xf32> to vector<16xf32>
      %swap3A_643 = vector.shape_cast %add3A_639 : vector<16xf32> to vector<1x16xf32>
      tpu.vector_store %arg7[%swap3A, %swap3A_640], %swap3A_643 {strides = array<i32>} : memref<128x64xf32, #tpu.memory_space<vmem>>, vector<1x16xf32>,
      %get3A_644 = arith.index_cast %scan3A_628 : i32 to index
      %get3A_645 = arith.constant 16 : index
      %get3A_646 = tpu.vector_load %arg7[%get3A_644, %get3A_645] {strides = array<i32>} : memref<128x64xf32, #tpu.memory_space<vmem>>, vector<1x16xf32>,
      %get3A_647 = vector.shape_cast %get3A_646 : vector<1x16xf32> to vector<16xf32>
      %get3A_648 = arith.constant 1 : i32
      %get3A_649 = arith.index_cast %get3A_648 : i32 to index
      %get3A_650 = arith.index_cast %scan3A_628 : i32 to index
      %get3A_651 = arith.constant 16 : index
      %get3A_652 = tpu.vector_load %arg6[%get3A_649, %get3A_650, %get3A_651] {strides = array<i32>} : memref<2x128x64xf32, #tpu.memory_space<vmem>>, vector<1x1x16xf32>,
      %get3A_653 = vector.shape_cast %get3A_652 : vector<1x1x16xf32> to vector<16xf32>
      %add3A_654 = arith.addf %get3A_647, %get3A_653 : vector<16xf32>
      %swap3A_655 = arith.index_cast %scan3A_628 : i32 to index
      %swap3A_656 = arith.constant 16 : index
      %swap3A_657 = tpu.vector_load %arg7[%swap3A_655, %swap3A_656] {strides = array<i32>} : memref<128x64xf32, #tpu.memory_space<vmem>>, vector<1x16xf32>,
      %swap3A_658 = vector.shape_cast %swap3A_657 : vector<1x16xf32> to vector<16xf32>
      %swap3A_659 = vector.shape_cast %add3A_654 : vector<16xf32> to vector<1x16xf32>
      tpu.vector_store %arg7[%swap3A_655, %swap3A_656], %swap3A_659 {strides = array<i32>} : memref<128x64xf32, #tpu.memory_space<vmem>>, vector<1x16xf32>,
      %get3A_660 = arith.index_cast %scan3A_628 : i32 to index
      %get3A_661 = arith.constant 32 : index
      %get3A_662 = tpu.vector_load %arg7[%get3A_660, %get3A_661] {strides = array<i32>} : memref<128x64xf32, #tpu.memory_space<vmem>>, vector<1x16xf32>,
      %get3A_663 = vector.shape_cast %get3A_662 : vector<1x16xf32> to vector<16xf32>
      %get3A_664 = arith.constant 1 : i32
      %get3A_665 = arith.index_cast %get3A_664 : i32 to index
      %get3A_666 = arith.index_cast %scan3A_628 : i32 to index
      %get3A_667 = arith.constant 32 : index
      %get3A_668 = tpu.vector_load %arg6[%get3A_665, %get3A_666, %get3A_667] {strides = array<i32>} : memref<2x128x64xf32, #tpu.memory_space<vmem>>, vector<1x1x16xf32>,
      %get3A_669 = vector.shape_cast %get3A_668 : vector<1x1x16xf32> to vector<16xf32>
      %add3A_670 = arith.addf %get3A_663, %get3A_669 : vector<16xf32>
      %swap3A_671 = arith.index_cast %scan3A_628 : i32 to index
      %swap3A_672 = arith.constant 32 : index
      %swap3A_673 = tpu.vector_load %arg7[%swap3A_671, %swap3A_672] {strides = array<i32>} : memref<128x64xf32, #tpu.memory_space<vmem>>, vector<1x16xf32>,
      %swap3A_674 = vector.shape_cast %swap3A_673 : vector<1x16xf32> to vector<16xf32>
      %swap3A_675 = vector.shape_cast %add3A_670 : vector<16xf32> to vector<1x16xf32>
      tpu.vector_store %arg7[%swap3A_671, %swap3A_672], %swap3A_675 {strides = array<i32>} : memref<128x64xf32, #tpu.memory_space<vmem>>, vector<1x16xf32>,
      %get3A_676 = arith.index_cast %scan3A_628 : i32 to index
      %get3A_677 = arith.constant 48 : index
      %get3A_678 = tpu.vector_load %arg7[%get3A_676, %get3A_677] {strides = array<i32>} : memref<128x64xf32, #tpu.memory_space<vmem>>, vector<1x16xf32>,
      %get3A_679 = vector.shape_cast %get3A_678 : vector<1x16xf32> to vector<16xf32>
      %get3A_680 = arith.constant 1 : i32
      %get3A_681 = arith.index_cast %get3A_680 : i32 to index
      %get3A_682 = arith.index_cast %scan3A_628 : i32 to index
      %get3A_683 = arith.constant 48 : index
      %get3A_684 = tpu.vector_load %arg6[%get3A_681, %get3A_682, %get3A_683] {strides = array<i32>} : memref<2x128x64xf32, #tpu.memory_space<vmem>>, vector<1x1x16xf32>,
      %get3A_685 = vector.shape_cast %get3A_684 : vector<1x1x16xf32> to vector<16xf32>
      %add3A_686 = arith.addf %get3A_679, %get3A_685 : vector<16xf32>
      %swap3A_687 = arith.index_cast %scan3A_628 : i32 to index
      %swap3A_688 = arith.constant 48 : index
      %swap3A_689 = tpu.vector_load %arg7[%swap3A_687, %swap3A_688] {strides = array<i32>} : memref<128x64xf32, #tpu.memory_space<vmem>>, vector<1x16xf32>,
      %swap3A_690 = vector.shape_cast %swap3A_689 : vector<1x16xf32> to vector<16xf32>
      %swap3A_691 = vector.shape_cast %add3A_686 : vector<16xf32> to vector<1x16xf32>
      tpu.vector_store %arg7[%swap3A_687, %swap3A_688], %swap3A_691 {strides = array<i32>} : memref<128x64xf32, #tpu.memory_space<vmem>>, vector<1x16xf32>,
      %scan3A_692 = arith.constant 0 : i32
      scf.yield %scan3A_692 : i32
    }
    %scan3A_197 = arith.constant 128 : i32
    %dma_wait3A_198 = arith.constant 6 : i32
    %dma_wait3A_199 = arith.constant 0 : i32
    %dma_wait3A_200 = arith.constant 0 : i32
    %dma_wait3A_201 = arith.constant 0 : i32
    %dma_wait3A_202 = tpu.memref_slice %arg6[%dma_wait3A_199, %dma_wait3A_200, %dma_wait3A_201] : memref<2x128x64xf32, #tpu.memory_space<vmem>> -> memref<1x128x64xf32, #tpu.memory_space<vmem>>
    %dma_wait3A_203 = tpu.memref_squeeze %dma_wait3A_202 : memref<1x128x64xf32, #tpu.memory_space<vmem>> -> memref<128x64xf32, #tpu.memory_space<vmem>>
    %dma_wait3A_204 = arith.constant 0 : i32
    %dma_wait3A_205 = tpu.memref_slice %arg5[%dma_wait3A_198, %dma_wait3A_204] : memref<20x128xi32, #tpu.memory_space<vmem>> -> memref<1x128xi32, #tpu.memory_space<vmem>>
    %dma_wait3A_206 = tpu.memref_squeeze %dma_wait3A_205 : memref<1x128xi32, #tpu.memory_space<vmem>> -> memref<128xi32, #tpu.memory_space<vmem>>
    %dma_wait3A_207 = arith.constant 0 : i32
    %dma_wait3A_208 = arith.constant 0 : i32
    %dma_wait3A_209 = tpu.memref_slice %arg3[%dma_wait3A_207, %dma_wait3A_208] : memref<100000x64xf32, #tpu.memory_space<hbm>> -> memref<100000x64xf32, #tpu.memory_space<hbm>>
    tpu.wait_indirect_dma semaphore(%arg8 : memref<!tpu.dma_semaphore, #tpu.memory_space<semaphore_mem>>) src(%dma_wait3A_209 : memref<100000x64xf32, #tpu.memory_space<hbm>>) dst(%dma_wait3A_203 : memref<128x64xf32, #tpu.memory_space<vmem>>)
    %dma_start3A_210 = arith.constant 7 : i32
    %dma_start3A_211 = arith.constant 1 : i32
    %dma_start3A_212 = arith.constant 0 : i32
    %dma_start3A_213 = arith.constant 0 : i32
    %dma_start3A_214 = tpu.memref_slice %arg6[%dma_start3A_211, %dma_start3A_212, %dma_start3A_213] : memref<2x128x64xf32, #tpu.memory_space<vmem>> -> memref<1x128x64xf32, #tpu.memory_space<vmem>>
    %dma_start3A_215 = tpu.memref_squeeze %dma_start3A_214 : memref<1x128x64xf32, #tpu.memory_space<vmem>> -> memref<128x64xf32, #tpu.memory_space<vmem>>
    %dma_start3A_216 = arith.constant 0 : i32
    %dma_start3A_217 = tpu.memref_slice %arg5[%dma_start3A_210, %dma_start3A_216] : memref<20x128xi32, #tpu.memory_space<vmem>> -> memref<1x128xi32, #tpu.memory_space<vmem>>
    %dma_start3A_218 = tpu.memref_squeeze %dma_start3A_217 : memref<1x128xi32, #tpu.memory_space<vmem>> -> memref<128xi32, #tpu.memory_space<vmem>>
    %dma_start3A_219 = arith.constant 0 : i32
    %dma_start3A_220 = arith.constant 0 : i32
    %dma_start3A_221 = tpu.memref_slice %arg3[%dma_start3A_219, %dma_start3A_220] : memref<100000x64xf32, #tpu.memory_space<hbm>> -> memref<100000x64xf32, #tpu.memory_space<hbm>>
    tpu.enqueue_indirect_dma source(%dma_start3A_221 : memref<100000x64xf32, #tpu.memory_space<hbm>>) target(%dma_start3A_215 : memref<128x64xf32, #tpu.memory_space<vmem>>) offsets(%dma_start3A_218 : memref<128xi32, #tpu.memory_space<vmem>>) semaphore(%arg8 : memref<!tpu.dma_semaphore, #tpu.memory_space<semaphore_mem>>)
    %scan3A_222 = arith.constant 0 : i32
    %scan3A_223 = arith.constant 0 : i32
    %scan3A_224 = arith.constant 128 : i32
    %scan3A_225 = arith.addi %scan3A_223, %scan3A_224 : i32
    %scan3A_226 = arith.constant 1 : i32
    %scan3A_227 = scf.for %scan3A_628 = %scan3A_223 to %scan3A_225 step %scan3A_226 iter_args(%scan3A_629 = %scan3A_222) -> (i32)  : i32 {
      %get3A = arith.index_cast %scan3A_628 : i32 to index
      %get3A_630 = arith.constant 0 : index
      %get3A_631 = tpu.vector_load %arg7[%get3A, %get3A_630] {strides = array<i32>} : memref<128x64xf32, #tpu.memory_space<vmem>>, vector<1x16xf32>,
      %get3A_632 = vector.shape_cast %get3A_631 : vector<1x16xf32> to vector<16xf32>
      %get3A_633 = arith.constant 0 : i32
      %get3A_634 = arith.index_cast %get3A_633 : i32 to index
      %get3A_635 = arith.index_cast %scan3A_628 : i32 to index
      %get3A_636 = arith.constant 0 : index
      %get3A_637 = tpu.vector_load %arg6[%get3A_634, %get3A_635, %get3A_636] {strides = array<i32>} : memref<2x128x64xf32, #tpu.memory_space<vmem>>, vector<1x1x16xf32>,
      %get3A_638 = vector.shape_cast %get3A_637 : vector<1x1x16xf32> to vector<16xf32>
      %add3A_639 = arith.addf %get3A_632, %get3A_638 : vector<16xf32>
      %swap3A = arith.index_cast %scan3A_628 : i32 to index
      %swap3A_640 = arith.constant 0 : index
      %swap3A_641 = tpu.vector_load %arg7[%swap3A, %swap3A_640] {strides = array<i32>} : memref<128x64xf32, #tpu.memory_space<vmem>>, vector<1x16xf32>,
      %swap3A_642 = vector.shape_cast %swap3A_641 : vector<1x16xf32> to vector<16xf32>
      %swap3A_643 = vector.shape_cast %add3A_639 : vector<16xf32> to vector<1x16xf32>
      tpu.vector_store %arg7[%swap3A, %swap3A_640], %swap3A_643 {strides = array<i32>} : memref<128x64xf32, #tpu.memory_space<vmem>>, vector<1x16xf32>,
      %get3A_644 = arith.index_cast %scan3A_628 : i32 to index
      %get3A_645 = arith.constant 16 : index
      %get3A_646 = tpu.vector_load %arg7[%get3A_644, %get3A_645] {strides = array<i32>} : memref<128x64xf32, #tpu.memory_space<vmem>>, vector<1x16xf32>,
      %get3A_647 = vector.shape_cast %get3A_646 : vector<1x16xf32> to vector<16xf32>
      %get3A_648 = arith.constant 0 : i32
      %get3A_649 = arith.index_cast %get3A_648 : i32 to index
      %get3A_650 = arith.index_cast %scan3A_628 : i32 to index
      %get3A_651 = arith.constant 16 : index
      %get3A_652 = tpu.vector_load %arg6[%get3A_649, %get3A_650, %get3A_651] {strides = array<i32>} : memref<2x128x64xf32, #tpu.memory_space<vmem>>, vector<1x1x16xf32>,
      %get3A_653 = vector.shape_cast %get3A_652 : vector<1x1x16xf32> to vector<16xf32>
      %add3A_654 = arith.addf %get3A_647, %get3A_653 : vector<16xf32>
      %swap3A_655 = arith.index_cast %scan3A_628 : i32 to index
      %swap3A_656 = arith.constant 16 : index
      %swap3A_657 = tpu.vector_load %arg7[%swap3A_655, %swap3A_656] {strides = array<i32>} : memref<128x64xf32, #tpu.memory_space<vmem>>, vector<1x16xf32>,
      %swap3A_658 = vector.shape_cast %swap3A_657 : vector<1x16xf32> to vector<16xf32>
      %swap3A_659 = vector.shape_cast %add3A_654 : vector<16xf32> to vector<1x16xf32>
      tpu.vector_store %arg7[%swap3A_655, %swap3A_656], %swap3A_659 {strides = array<i32>} : memref<128x64xf32, #tpu.memory_space<vmem>>, vector<1x16xf32>,
      %get3A_660 = arith.index_cast %scan3A_628 : i32 to index
      %get3A_661 = arith.constant 32 : index
      %get3A_662 = tpu.vector_load %arg7[%get3A_660, %get3A_661] {strides = array<i32>} : memref<128x64xf32, #tpu.memory_space<vmem>>, vector<1x16xf32>,
      %get3A_663 = vector.shape_cast %get3A_662 : vector<1x16xf32> to vector<16xf32>
      %get3A_664 = arith.constant 0 : i32
      %get3A_665 = arith.index_cast %get3A_664 : i32 to index
      %get3A_666 = arith.index_cast %scan3A_628 : i32 to index
      %get3A_667 = arith.constant 32 : index
      %get3A_668 = tpu.vector_load %arg6[%get3A_665, %get3A_666, %get3A_667] {strides = array<i32>} : memref<2x128x64xf32, #tpu.memory_space<vmem>>, vector<1x1x16xf32>,
      %get3A_669 = vector.shape_cast %get3A_668 : vector<1x1x16xf32> to vector<16xf32>
      %add3A_670 = arith.addf %get3A_663, %get3A_669 : vector<16xf32>
      %swap3A_671 = arith.index_cast %scan3A_628 : i32 to index
      %swap3A_672 = arith.constant 32 : index
      %swap3A_673 = tpu.vector_load %arg7[%swap3A_671, %swap3A_672] {strides = array<i32>} : memref<128x64xf32, #tpu.memory_space<vmem>>, vector<1x16xf32>,
      %swap3A_674 = vector.shape_cast %swap3A_673 : vector<1x16xf32> to vector<16xf32>
      %swap3A_675 = vector.shape_cast %add3A_670 : vector<16xf32> to vector<1x16xf32>
      tpu.vector_store %arg7[%swap3A_671, %swap3A_672], %swap3A_675 {strides = array<i32>} : memref<128x64xf32, #tpu.memory_space<vmem>>, vector<1x16xf32>,
      %get3A_676 = arith.index_cast %scan3A_628 : i32 to index
      %get3A_677 = arith.constant 48 : index
      %get3A_678 = tpu.vector_load %arg7[%get3A_676, %get3A_677] {strides = array<i32>} : memref<128x64xf32, #tpu.memory_space<vmem>>, vector<1x16xf32>,
      %get3A_679 = vector.shape_cast %get3A_678 : vector<1x16xf32> to vector<16xf32>
      %get3A_680 = arith.constant 0 : i32
      %get3A_681 = arith.index_cast %get3A_680 : i32 to index
      %get3A_682 = arith.index_cast %scan3A_628 : i32 to index
      %get3A_683 = arith.constant 48 : index
      %get3A_684 = tpu.vector_load %arg6[%get3A_681, %get3A_682, %get3A_683] {strides = array<i32>} : memref<2x128x64xf32, #tpu.memory_space<vmem>>, vector<1x1x16xf32>,
      %get3A_685 = vector.shape_cast %get3A_684 : vector<1x1x16xf32> to vector<16xf32>
      %add3A_686 = arith.addf %get3A_679, %get3A_685 : vector<16xf32>
      %swap3A_687 = arith.index_cast %scan3A_628 : i32 to index
      %swap3A_688 = arith.constant 48 : index
      %swap3A_689 = tpu.vector_load %arg7[%swap3A_687, %swap3A_688] {strides = array<i32>} : memref<128x64xf32, #tpu.memory_space<vmem>>, vector<1x16xf32>,
      %swap3A_690 = vector.shape_cast %swap3A_689 : vector<1x16xf32> to vector<16xf32>
      %swap3A_691 = vector.shape_cast %add3A_686 : vector<16xf32> to vector<1x16xf32>
      tpu.vector_store %arg7[%swap3A_687, %swap3A_688], %swap3A_691 {strides = array<i32>} : memref<128x64xf32, #tpu.memory_space<vmem>>, vector<1x16xf32>,
      %scan3A_692 = arith.constant 0 : i32
      scf.yield %scan3A_692 : i32
    }
    %scan3A_228 = arith.constant 128 : i32
    %dma_wait3A_229 = arith.constant 7 : i32
    %dma_wait3A_230 = arith.constant 1 : i32
    %dma_wait3A_231 = arith.constant 0 : i32
    %dma_wait3A_232 = arith.constant 0 : i32
    %dma_wait3A_233 = tpu.memref_slice %arg6[%dma_wait3A_230, %dma_wait3A_231, %dma_wait3A_232] : memref<2x128x64xf32, #tpu.memory_space<vmem>> -> memref<1x128x64xf32, #tpu.memory_space<vmem>>
    %dma_wait3A_234 = tpu.memref_squeeze %dma_wait3A_233 : memref<1x128x64xf32, #tpu.memory_space<vmem>> -> memref<128x64xf32, #tpu.memory_space<vmem>>
    %dma_wait3A_235 = arith.constant 0 : i32
    %dma_wait3A_236 = tpu.memref_slice %arg5[%dma_wait3A_229, %dma_wait3A_235] : memref<20x128xi32, #tpu.memory_space<vmem>> -> memref<1x128xi32, #tpu.memory_space<vmem>>
    %dma_wait3A_237 = tpu.memref_squeeze %dma_wait3A_236 : memref<1x128xi32, #tpu.memory_space<vmem>> -> memref<128xi32, #tpu.memory_space<vmem>>
    %dma_wait3A_238 = arith.constant 0 : i32
    %dma_wait3A_239 = arith.constant 0 : i32
    %dma_wait3A_240 = tpu.memref_slice %arg3[%dma_wait3A_238, %dma_wait3A_239] : memref<100000x64xf32, #tpu.memory_space<hbm>> -> memref<100000x64xf32, #tpu.memory_space<hbm>>
    tpu.wait_indirect_dma semaphore(%arg8 : memref<!tpu.dma_semaphore, #tpu.memory_space<semaphore_mem>>) src(%dma_wait3A_240 : memref<100000x64xf32, #tpu.memory_space<hbm>>) dst(%dma_wait3A_234 : memref<128x64xf32, #tpu.memory_space<vmem>>)
    %dma_start3A_241 = arith.constant 8 : i32
    %dma_start3A_242 = arith.constant 0 : i32
    %dma_start3A_243 = arith.constant 0 : i32
    %dma_start3A_244 = arith.constant 0 : i32
    %dma_start3A_245 = tpu.memref_slice %arg6[%dma_start3A_242, %dma_start3A_243, %dma_start3A_244] : memref<2x128x64xf32, #tpu.memory_space<vmem>> -> memref<1x128x64xf32, #tpu.memory_space<vmem>>
    %dma_start3A_246 = tpu.memref_squeeze %dma_start3A_245 : memref<1x128x64xf32, #tpu.memory_space<vmem>> -> memref<128x64xf32, #tpu.memory_space<vmem>>
    %dma_start3A_247 = arith.constant 0 : i32
    %dma_start3A_248 = tpu.memref_slice %arg5[%dma_start3A_241, %dma_start3A_247] : memref<20x128xi32, #tpu.memory_space<vmem>> -> memref<1x128xi32, #tpu.memory_space<vmem>>
    %dma_start3A_249 = tpu.memref_squeeze %dma_start3A_248 : memref<1x128xi32, #tpu.memory_space<vmem>> -> memref<128xi32, #tpu.memory_space<vmem>>
    %dma_start3A_250 = arith.constant 0 : i32
    %dma_start3A_251 = arith.constant 0 : i32
    %dma_start3A_252 = tpu.memref_slice %arg3[%dma_start3A_250, %dma_start3A_251] : memref<100000x64xf32, #tpu.memory_space<hbm>> -> memref<100000x64xf32, #tpu.memory_space<hbm>>
    tpu.enqueue_indirect_dma source(%dma_start3A_252 : memref<100000x64xf32, #tpu.memory_space<hbm>>) target(%dma_start3A_246 : memref<128x64xf32, #tpu.memory_space<vmem>>) offsets(%dma_start3A_249 : memref<128xi32, #tpu.memory_space<vmem>>) semaphore(%arg8 : memref<!tpu.dma_semaphore, #tpu.memory_space<semaphore_mem>>)
    %scan3A_253 = arith.constant 0 : i32
    %scan3A_254 = arith.constant 0 : i32
    %scan3A_255 = arith.constant 128 : i32
    %scan3A_256 = arith.addi %scan3A_254, %scan3A_255 : i32
    %scan3A_257 = arith.constant 1 : i32
    %scan3A_258 = scf.for %scan3A_628 = %scan3A_254 to %scan3A_256 step %scan3A_257 iter_args(%scan3A_629 = %scan3A_253) -> (i32)  : i32 {
      %get3A = arith.index_cast %scan3A_628 : i32 to index
      %get3A_630 = arith.constant 0 : index
      %get3A_631 = tpu.vector_load %arg7[%get3A, %get3A_630] {strides = array<i32>} : memref<128x64xf32, #tpu.memory_space<vmem>>, vector<1x16xf32>,
      %get3A_632 = vector.shape_cast %get3A_631 : vector<1x16xf32> to vector<16xf32>
      %get3A_633 = arith.constant 1 : i32
      %get3A_634 = arith.index_cast %get3A_633 : i32 to index
      %get3A_635 = arith.index_cast %scan3A_628 : i32 to index
      %get3A_636 = arith.constant 0 : index
      %get3A_637 = tpu.vector_load %arg6[%get3A_634, %get3A_635, %get3A_636] {strides = array<i32>} : memref<2x128x64xf32, #tpu.memory_space<vmem>>, vector<1x1x16xf32>,
      %get3A_638 = vector.shape_cast %get3A_637 : vector<1x1x16xf32> to vector<16xf32>
      %add3A_639 = arith.addf %get3A_632, %get3A_638 : vector<16xf32>
      %swap3A = arith.index_cast %scan3A_628 : i32 to index
      %swap3A_640 = arith.constant 0 : index
      %swap3A_641 = tpu.vector_load %arg7[%swap3A, %swap3A_640] {strides = array<i32>} : memref<128x64xf32, #tpu.memory_space<vmem>>, vector<1x16xf32>,
      %swap3A_642 = vector.shape_cast %swap3A_641 : vector<1x16xf32> to vector<16xf32>
      %swap3A_643 = vector.shape_cast %add3A_639 : vector<16xf32> to vector<1x16xf32>
      tpu.vector_store %arg7[%swap3A, %swap3A_640], %swap3A_643 {strides = array<i32>} : memref<128x64xf32, #tpu.memory_space<vmem>>, vector<1x16xf32>,
      %get3A_644 = arith.index_cast %scan3A_628 : i32 to index
      %get3A_645 = arith.constant 16 : index
      %get3A_646 = tpu.vector_load %arg7[%get3A_644, %get3A_645] {strides = array<i32>} : memref<128x64xf32, #tpu.memory_space<vmem>>, vector<1x16xf32>,
      %get3A_647 = vector.shape_cast %get3A_646 : vector<1x16xf32> to vector<16xf32>
      %get3A_648 = arith.constant 1 : i32
      %get3A_649 = arith.index_cast %get3A_648 : i32 to index
      %get3A_650 = arith.index_cast %scan3A_628 : i32 to index
      %get3A_651 = arith.constant 16 : index
      %get3A_652 = tpu.vector_load %arg6[%get3A_649, %get3A_650, %get3A_651] {strides = array<i32>} : memref<2x128x64xf32, #tpu.memory_space<vmem>>, vector<1x1x16xf32>,
      %get3A_653 = vector.shape_cast %get3A_652 : vector<1x1x16xf32> to vector<16xf32>
      %add3A_654 = arith.addf %get3A_647, %get3A_653 : vector<16xf32>
      %swap3A_655 = arith.index_cast %scan3A_628 : i32 to index
      %swap3A_656 = arith.constant 16 : index
      %swap3A_657 = tpu.vector_load %arg7[%swap3A_655, %swap3A_656] {strides = array<i32>} : memref<128x64xf32, #tpu.memory_space<vmem>>, vector<1x16xf32>,
      %swap3A_658 = vector.shape_cast %swap3A_657 : vector<1x16xf32> to vector<16xf32>
      %swap3A_659 = vector.shape_cast %add3A_654 : vector<16xf32> to vector<1x16xf32>
      tpu.vector_store %arg7[%swap3A_655, %swap3A_656], %swap3A_659 {strides = array<i32>} : memref<128x64xf32, #tpu.memory_space<vmem>>, vector<1x16xf32>,
      %get3A_660 = arith.index_cast %scan3A_628 : i32 to index
      %get3A_661 = arith.constant 32 : index
      %get3A_662 = tpu.vector_load %arg7[%get3A_660, %get3A_661] {strides = array<i32>} : memref<128x64xf32, #tpu.memory_space<vmem>>, vector<1x16xf32>,
      %get3A_663 = vector.shape_cast %get3A_662 : vector<1x16xf32> to vector<16xf32>
      %get3A_664 = arith.constant 1 : i32
      %get3A_665 = arith.index_cast %get3A_664 : i32 to index
      %get3A_666 = arith.index_cast %scan3A_628 : i32 to index
      %get3A_667 = arith.constant 32 : index
      %get3A_668 = tpu.vector_load %arg6[%get3A_665, %get3A_666, %get3A_667] {strides = array<i32>} : memref<2x128x64xf32, #tpu.memory_space<vmem>>, vector<1x1x16xf32>,
      %get3A_669 = vector.shape_cast %get3A_668 : vector<1x1x16xf32> to vector<16xf32>
      %add3A_670 = arith.addf %get3A_663, %get3A_669 : vector<16xf32>
      %swap3A_671 = arith.index_cast %scan3A_628 : i32 to index
      %swap3A_672 = arith.constant 32 : index
      %swap3A_673 = tpu.vector_load %arg7[%swap3A_671, %swap3A_672] {strides = array<i32>} : memref<128x64xf32, #tpu.memory_space<vmem>>, vector<1x16xf32>,
      %swap3A_674 = vector.shape_cast %swap3A_673 : vector<1x16xf32> to vector<16xf32>
      %swap3A_675 = vector.shape_cast %add3A_670 : vector<16xf32> to vector<1x16xf32>
      tpu.vector_store %arg7[%swap3A_671, %swap3A_672], %swap3A_675 {strides = array<i32>} : memref<128x64xf32, #tpu.memory_space<vmem>>, vector<1x16xf32>,
      %get3A_676 = arith.index_cast %scan3A_628 : i32 to index
      %get3A_677 = arith.constant 48 : index
      %get3A_678 = tpu.vector_load %arg7[%get3A_676, %get3A_677] {strides = array<i32>} : memref<128x64xf32, #tpu.memory_space<vmem>>, vector<1x16xf32>,
      %get3A_679 = vector.shape_cast %get3A_678 : vector<1x16xf32> to vector<16xf32>
      %get3A_680 = arith.constant 1 : i32
      %get3A_681 = arith.index_cast %get3A_680 : i32 to index
      %get3A_682 = arith.index_cast %scan3A_628 : i32 to index
      %get3A_683 = arith.constant 48 : index
      %get3A_684 = tpu.vector_load %arg6[%get3A_681, %get3A_682, %get3A_683] {strides = array<i32>} : memref<2x128x64xf32, #tpu.memory_space<vmem>>, vector<1x1x16xf32>,
      %get3A_685 = vector.shape_cast %get3A_684 : vector<1x1x16xf32> to vector<16xf32>
      %add3A_686 = arith.addf %get3A_679, %get3A_685 : vector<16xf32>
      %swap3A_687 = arith.index_cast %scan3A_628 : i32 to index
      %swap3A_688 = arith.constant 48 : index
      %swap3A_689 = tpu.vector_load %arg7[%swap3A_687, %swap3A_688] {strides = array<i32>} : memref<128x64xf32, #tpu.memory_space<vmem>>, vector<1x16xf32>,
      %swap3A_690 = vector.shape_cast %swap3A_689 : vector<1x16xf32> to vector<16xf32>
      %swap3A_691 = vector.shape_cast %add3A_686 : vector<16xf32> to vector<1x16xf32>
      tpu.vector_store %arg7[%swap3A_687, %swap3A_688], %swap3A_691 {strides = array<i32>} : memref<128x64xf32, #tpu.memory_space<vmem>>, vector<1x16xf32>,
      %scan3A_692 = arith.constant 0 : i32
      scf.yield %scan3A_692 : i32
    }
    %scan3A_259 = arith.constant 128 : i32
    %dma_wait3A_260 = arith.constant 8 : i32
    %dma_wait3A_261 = arith.constant 0 : i32
    %dma_wait3A_262 = arith.constant 0 : i32
    %dma_wait3A_263 = arith.constant 0 : i32
    %dma_wait3A_264 = tpu.memref_slice %arg6[%dma_wait3A_261, %dma_wait3A_262, %dma_wait3A_263] : memref<2x128x64xf32, #tpu.memory_space<vmem>> -> memref<1x128x64xf32, #tpu.memory_space<vmem>>
    %dma_wait3A_265 = tpu.memref_squeeze %dma_wait3A_264 : memref<1x128x64xf32, #tpu.memory_space<vmem>> -> memref<128x64xf32, #tpu.memory_space<vmem>>
    %dma_wait3A_266 = arith.constant 0 : i32
    %dma_wait3A_267 = tpu.memref_slice %arg5[%dma_wait3A_260, %dma_wait3A_266] : memref<20x128xi32, #tpu.memory_space<vmem>> -> memref<1x128xi32, #tpu.memory_space<vmem>>
    %dma_wait3A_268 = tpu.memref_squeeze %dma_wait3A_267 : memref<1x128xi32, #tpu.memory_space<vmem>> -> memref<128xi32, #tpu.memory_space<vmem>>
    %dma_wait3A_269 = arith.constant 0 : i32
    %dma_wait3A_270 = arith.constant 0 : i32
    %dma_wait3A_271 = tpu.memref_slice %arg3[%dma_wait3A_269, %dma_wait3A_270] : memref<100000x64xf32, #tpu.memory_space<hbm>> -> memref<100000x64xf32, #tpu.memory_space<hbm>>
    tpu.wait_indirect_dma semaphore(%arg8 : memref<!tpu.dma_semaphore, #tpu.memory_space<semaphore_mem>>) src(%dma_wait3A_271 : memref<100000x64xf32, #tpu.memory_space<hbm>>) dst(%dma_wait3A_265 : memref<128x64xf32, #tpu.memory_space<vmem>>)
    %dma_start3A_272 = arith.constant 9 : i32
    %dma_start3A_273 = arith.constant 1 : i32
    %dma_start3A_274 = arith.constant 0 : i32
    %dma_start3A_275 = arith.constant 0 : i32
    %dma_start3A_276 = tpu.memref_slice %arg6[%dma_start3A_273, %dma_start3A_274, %dma_start3A_275] : memref<2x128x64xf32, #tpu.memory_space<vmem>> -> memref<1x128x64xf32, #tpu.memory_space<vmem>>
    %dma_start3A_277 = tpu.memref_squeeze %dma_start3A_276 : memref<1x128x64xf32, #tpu.memory_space<vmem>> -> memref<128x64xf32, #tpu.memory_space<vmem>>
    %dma_start3A_278 = arith.constant 0 : i32
    %dma_start3A_279 = tpu.memref_slice %arg5[%dma_start3A_272, %dma_start3A_278] : memref<20x128xi32, #tpu.memory_space<vmem>> -> memref<1x128xi32, #tpu.memory_space<vmem>>
    %dma_start3A_280 = tpu.memref_squeeze %dma_start3A_279 : memref<1x128xi32, #tpu.memory_space<vmem>> -> memref<128xi32, #tpu.memory_space<vmem>>
    %dma_start3A_281 = arith.constant 0 : i32
    %dma_start3A_282 = arith.constant 0 : i32
    %dma_start3A_283 = tpu.memref_slice %arg3[%dma_start3A_281, %dma_start3A_282] : memref<100000x64xf32, #tpu.memory_space<hbm>> -> memref<100000x64xf32, #tpu.memory_space<hbm>>
    tpu.enqueue_indirect_dma source(%dma_start3A_283 : memref<100000x64xf32, #tpu.memory_space<hbm>>) target(%dma_start3A_277 : memref<128x64xf32, #tpu.memory_space<vmem>>) offsets(%dma_start3A_280 : memref<128xi32, #tpu.memory_space<vmem>>) semaphore(%arg8 : memref<!tpu.dma_semaphore, #tpu.memory_space<semaphore_mem>>)
    %scan3A_284 = arith.constant 0 : i32
    %scan3A_285 = arith.constant 0 : i32
    %scan3A_286 = arith.constant 128 : i32
    %scan3A_287 = arith.addi %scan3A_285, %scan3A_286 : i32
    %scan3A_288 = arith.constant 1 : i32
    %scan3A_289 = scf.for %scan3A_628 = %scan3A_285 to %scan3A_287 step %scan3A_288 iter_args(%scan3A_629 = %scan3A_284) -> (i32)  : i32 {
      %get3A = arith.index_cast %scan3A_628 : i32 to index
      %get3A_630 = arith.constant 0 : index
      %get3A_631 = tpu.vector_load %arg7[%get3A, %get3A_630] {strides = array<i32>} : memref<128x64xf32, #tpu.memory_space<vmem>>, vector<1x16xf32>,
      %get3A_632 = vector.shape_cast %get3A_631 : vector<1x16xf32> to vector<16xf32>
      %get3A_633 = arith.constant 0 : i32
      %get3A_634 = arith.index_cast %get3A_633 : i32 to index
      %get3A_635 = arith.index_cast %scan3A_628 : i32 to index
      %get3A_636 = arith.constant 0 : index
      %get3A_637 = tpu.vector_load %arg6[%get3A_634, %get3A_635, %get3A_636] {strides = array<i32>} : memref<2x128x64xf32, #tpu.memory_space<vmem>>, vector<1x1x16xf32>,
      %get3A_638 = vector.shape_cast %get3A_637 : vector<1x1x16xf32> to vector<16xf32>
      %add3A_639 = arith.addf %get3A_632, %get3A_638 : vector<16xf32>
      %swap3A = arith.index_cast %scan3A_628 : i32 to index
      %swap3A_640 = arith.constant 0 : index
      %swap3A_641 = tpu.vector_load %arg7[%swap3A, %swap3A_640] {strides = array<i32>} : memref<128x64xf32, #tpu.memory_space<vmem>>, vector<1x16xf32>,
      %swap3A_642 = vector.shape_cast %swap3A_641 : vector<1x16xf32> to vector<16xf32>
      %swap3A_643 = vector.shape_cast %add3A_639 : vector<16xf32> to vector<1x16xf32>
      tpu.vector_store %arg7[%swap3A, %swap3A_640], %swap3A_643 {strides = array<i32>} : memref<128x64xf32, #tpu.memory_space<vmem>>, vector<1x16xf32>,
      %get3A_644 = arith.index_cast %scan3A_628 : i32 to index
      %get3A_645 = arith.constant 16 : index
      %get3A_646 = tpu.vector_load %arg7[%get3A_644, %get3A_645] {strides = array<i32>} : memref<128x64xf32, #tpu.memory_space<vmem>>, vector<1x16xf32>,
      %get3A_647 = vector.shape_cast %get3A_646 : vector<1x16xf32> to vector<16xf32>
      %get3A_648 = arith.constant 0 : i32
      %get3A_649 = arith.index_cast %get3A_648 : i32 to index
      %get3A_650 = arith.index_cast %scan3A_628 : i32 to index
      %get3A_651 = arith.constant 16 : index
      %get3A_652 = tpu.vector_load %arg6[%get3A_649, %get3A_650, %get3A_651] {strides = array<i32>} : memref<2x128x64xf32, #tpu.memory_space<vmem>>, vector<1x1x16xf32>,
      %get3A_653 = vector.shape_cast %get3A_652 : vector<1x1x16xf32> to vector<16xf32>
      %add3A_654 = arith.addf %get3A_647, %get3A_653 : vector<16xf32>
      %swap3A_655 = arith.index_cast %scan3A_628 : i32 to index
      %swap3A_656 = arith.constant 16 : index
      %swap3A_657 = tpu.vector_load %arg7[%swap3A_655, %swap3A_656] {strides = array<i32>} : memref<128x64xf32, #tpu.memory_space<vmem>>, vector<1x16xf32>,
      %swap3A_658 = vector.shape_cast %swap3A_657 : vector<1x16xf32> to vector<16xf32>
      %swap3A_659 = vector.shape_cast %add3A_654 : vector<16xf32> to vector<1x16xf32>
      tpu.vector_store %arg7[%swap3A_655, %swap3A_656], %swap3A_659 {strides = array<i32>} : memref<128x64xf32, #tpu.memory_space<vmem>>, vector<1x16xf32>,
      %get3A_660 = arith.index_cast %scan3A_628 : i32 to index
      %get3A_661 = arith.constant 32 : index
      %get3A_662 = tpu.vector_load %arg7[%get3A_660, %get3A_661] {strides = array<i32>} : memref<128x64xf32, #tpu.memory_space<vmem>>, vector<1x16xf32>,
      %get3A_663 = vector.shape_cast %get3A_662 : vector<1x16xf32> to vector<16xf32>
      %get3A_664 = arith.constant 0 : i32
      %get3A_665 = arith.index_cast %get3A_664 : i32 to index
      %get3A_666 = arith.index_cast %scan3A_628 : i32 to index
      %get3A_667 = arith.constant 32 : index
      %get3A_668 = tpu.vector_load %arg6[%get3A_665, %get3A_666, %get3A_667] {strides = array<i32>} : memref<2x128x64xf32, #tpu.memory_space<vmem>>, vector<1x1x16xf32>,
      %get3A_669 = vector.shape_cast %get3A_668 : vector<1x1x16xf32> to vector<16xf32>
      %add3A_670 = arith.addf %get3A_663, %get3A_669 : vector<16xf32>
      %swap3A_671 = arith.index_cast %scan3A_628 : i32 to index
      %swap3A_672 = arith.constant 32 : index
      %swap3A_673 = tpu.vector_load %arg7[%swap3A_671, %swap3A_672] {strides = array<i32>} : memref<128x64xf32, #tpu.memory_space<vmem>>, vector<1x16xf32>,
      %swap3A_674 = vector.shape_cast %swap3A_673 : vector<1x16xf32> to vector<16xf32>
      %swap3A_675 = vector.shape_cast %add3A_670 : vector<16xf32> to vector<1x16xf32>
      tpu.vector_store %arg7[%swap3A_671, %swap3A_672], %swap3A_675 {strides = array<i32>} : memref<128x64xf32, #tpu.memory_space<vmem>>, vector<1x16xf32>,
      %get3A_676 = arith.index_cast %scan3A_628 : i32 to index
      %get3A_677 = arith.constant 48 : index
      %get3A_678 = tpu.vector_load %arg7[%get3A_676, %get3A_677] {strides = array<i32>} : memref<128x64xf32, #tpu.memory_space<vmem>>, vector<1x16xf32>,
      %get3A_679 = vector.shape_cast %get3A_678 : vector<1x16xf32> to vector<16xf32>
      %get3A_680 = arith.constant 0 : i32
      %get3A_681 = arith.index_cast %get3A_680 : i32 to index
      %get3A_682 = arith.index_cast %scan3A_628 : i32 to index
      %get3A_683 = arith.constant 48 : index
      %get3A_684 = tpu.vector_load %arg6[%get3A_681, %get3A_682, %get3A_683] {strides = array<i32>} : memref<2x128x64xf32, #tpu.memory_space<vmem>>, vector<1x1x16xf32>,
      %get3A_685 = vector.shape_cast %get3A_684 : vector<1x1x16xf32> to vector<16xf32>
      %add3A_686 = arith.addf %get3A_679, %get3A_685 : vector<16xf32>
      %swap3A_687 = arith.index_cast %scan3A_628 : i32 to index
      %swap3A_688 = arith.constant 48 : index
      %swap3A_689 = tpu.vector_load %arg7[%swap3A_687, %swap3A_688] {strides = array<i32>} : memref<128x64xf32, #tpu.memory_space<vmem>>, vector<1x16xf32>,
      %swap3A_690 = vector.shape_cast %swap3A_689 : vector<1x16xf32> to vector<16xf32>
      %swap3A_691 = vector.shape_cast %add3A_686 : vector<16xf32> to vector<1x16xf32>
      tpu.vector_store %arg7[%swap3A_687, %swap3A_688], %swap3A_691 {strides = array<i32>} : memref<128x64xf32, #tpu.memory_space<vmem>>, vector<1x16xf32>,
      %scan3A_692 = arith.constant 0 : i32
      scf.yield %scan3A_692 : i32
    }
    %scan3A_290 = arith.constant 128 : i32
    %dma_wait3A_291 = arith.constant 9 : i32
    %dma_wait3A_292 = arith.constant 1 : i32
    %dma_wait3A_293 = arith.constant 0 : i32
    %dma_wait3A_294 = arith.constant 0 : i32
    %dma_wait3A_295 = tpu.memref_slice %arg6[%dma_wait3A_292, %dma_wait3A_293, %dma_wait3A_294] : memref<2x128x64xf32, #tpu.memory_space<vmem>> -> memref<1x128x64xf32, #tpu.memory_space<vmem>>
    %dma_wait3A_296 = tpu.memref_squeeze %dma_wait3A_295 : memref<1x128x64xf32, #tpu.memory_space<vmem>> -> memref<128x64xf32, #tpu.memory_space<vmem>>
    %dma_wait3A_297 = arith.constant 0 : i32
    %dma_wait3A_298 = tpu.memref_slice %arg5[%dma_wait3A_291, %dma_wait3A_297] : memref<20x128xi32, #tpu.memory_space<vmem>> -> memref<1x128xi32, #tpu.memory_space<vmem>>
    %dma_wait3A_299 = tpu.memref_squeeze %dma_wait3A_298 : memref<1x128xi32, #tpu.memory_space<vmem>> -> memref<128xi32, #tpu.memory_space<vmem>>
    %dma_wait3A_300 = arith.constant 0 : i32
    %dma_wait3A_301 = arith.constant 0 : i32
    %dma_wait3A_302 = tpu.memref_slice %arg3[%dma_wait3A_300, %dma_wait3A_301] : memref<100000x64xf32, #tpu.memory_space<hbm>> -> memref<100000x64xf32, #tpu.memory_space<hbm>>
    tpu.wait_indirect_dma semaphore(%arg8 : memref<!tpu.dma_semaphore, #tpu.memory_space<semaphore_mem>>) src(%dma_wait3A_302 : memref<100000x64xf32, #tpu.memory_space<hbm>>) dst(%dma_wait3A_296 : memref<128x64xf32, #tpu.memory_space<vmem>>)
    %dma_start3A_303 = arith.constant 10 : i32
    %dma_start3A_304 = arith.constant 0 : i32
    %dma_start3A_305 = arith.constant 0 : i32
    %dma_start3A_306 = arith.constant 0 : i32
    %dma_start3A_307 = tpu.memref_slice %arg6[%dma_start3A_304, %dma_start3A_305, %dma_start3A_306] : memref<2x128x64xf32, #tpu.memory_space<vmem>> -> memref<1x128x64xf32, #tpu.memory_space<vmem>>
    %dma_start3A_308 = tpu.memref_squeeze %dma_start3A_307 : memref<1x128x64xf32, #tpu.memory_space<vmem>> -> memref<128x64xf32, #tpu.memory_space<vmem>>
    %dma_start3A_309 = arith.constant 0 : i32
    %dma_start3A_310 = tpu.memref_slice %arg5[%dma_start3A_303, %dma_start3A_309] : memref<20x128xi32, #tpu.memory_space<vmem>> -> memref<1x128xi32, #tpu.memory_space<vmem>>
    %dma_start3A_311 = tpu.memref_squeeze %dma_start3A_310 : memref<1x128xi32, #tpu.memory_space<vmem>> -> memref<128xi32, #tpu.memory_space<vmem>>
    %dma_start3A_312 = arith.constant 0 : i32
    %dma_start3A_313 = arith.constant 0 : i32
    %dma_start3A_314 = tpu.memref_slice %arg3[%dma_start3A_312, %dma_start3A_313] : memref<100000x64xf32, #tpu.memory_space<hbm>> -> memref<100000x64xf32, #tpu.memory_space<hbm>>
    tpu.enqueue_indirect_dma source(%dma_start3A_314 : memref<100000x64xf32, #tpu.memory_space<hbm>>) target(%dma_start3A_308 : memref<128x64xf32, #tpu.memory_space<vmem>>) offsets(%dma_start3A_311 : memref<128xi32, #tpu.memory_space<vmem>>) semaphore(%arg8 : memref<!tpu.dma_semaphore, #tpu.memory_space<semaphore_mem>>)
    %scan3A_315 = arith.constant 0 : i32
    %scan3A_316 = arith.constant 0 : i32
    %scan3A_317 = arith.constant 128 : i32
    %scan3A_318 = arith.addi %scan3A_316, %scan3A_317 : i32
    %scan3A_319 = arith.constant 1 : i32
    %scan3A_320 = scf.for %scan3A_628 = %scan3A_316 to %scan3A_318 step %scan3A_319 iter_args(%scan3A_629 = %scan3A_315) -> (i32)  : i32 {
      %get3A = arith.index_cast %scan3A_628 : i32 to index
      %get3A_630 = arith.constant 0 : index
      %get3A_631 = tpu.vector_load %arg7[%get3A, %get3A_630] {strides = array<i32>} : memref<128x64xf32, #tpu.memory_space<vmem>>, vector<1x16xf32>,
      %get3A_632 = vector.shape_cast %get3A_631 : vector<1x16xf32> to vector<16xf32>
      %get3A_633 = arith.constant 1 : i32
      %get3A_634 = arith.index_cast %get3A_633 : i32 to index
      %get3A_635 = arith.index_cast %scan3A_628 : i32 to index
      %get3A_636 = arith.constant 0 : index
      %get3A_637 = tpu.vector_load %arg6[%get3A_634, %get3A_635, %get3A_636] {strides = array<i32>} : memref<2x128x64xf32, #tpu.memory_space<vmem>>, vector<1x1x16xf32>,
      %get3A_638 = vector.shape_cast %get3A_637 : vector<1x1x16xf32> to vector<16xf32>
      %add3A_639 = arith.addf %get3A_632, %get3A_638 : vector<16xf32>
      %swap3A = arith.index_cast %scan3A_628 : i32 to index
      %swap3A_640 = arith.constant 0 : index
      %swap3A_641 = tpu.vector_load %arg7[%swap3A, %swap3A_640] {strides = array<i32>} : memref<128x64xf32, #tpu.memory_space<vmem>>, vector<1x16xf32>,
      %swap3A_642 = vector.shape_cast %swap3A_641 : vector<1x16xf32> to vector<16xf32>
      %swap3A_643 = vector.shape_cast %add3A_639 : vector<16xf32> to vector<1x16xf32>
      tpu.vector_store %arg7[%swap3A, %swap3A_640], %swap3A_643 {strides = array<i32>} : memref<128x64xf32, #tpu.memory_space<vmem>>, vector<1x16xf32>,
      %get3A_644 = arith.index_cast %scan3A_628 : i32 to index
      %get3A_645 = arith.constant 16 : index
      %get3A_646 = tpu.vector_load %arg7[%get3A_644, %get3A_645] {strides = array<i32>} : memref<128x64xf32, #tpu.memory_space<vmem>>, vector<1x16xf32>,
      %get3A_647 = vector.shape_cast %get3A_646 : vector<1x16xf32> to vector<16xf32>
      %get3A_648 = arith.constant 1 : i32
      %get3A_649 = arith.index_cast %get3A_648 : i32 to index
      %get3A_650 = arith.index_cast %scan3A_628 : i32 to index
      %get3A_651 = arith.constant 16 : index
      %get3A_652 = tpu.vector_load %arg6[%get3A_649, %get3A_650, %get3A_651] {strides = array<i32>} : memref<2x128x64xf32, #tpu.memory_space<vmem>>, vector<1x1x16xf32>,
      %get3A_653 = vector.shape_cast %get3A_652 : vector<1x1x16xf32> to vector<16xf32>
      %add3A_654 = arith.addf %get3A_647, %get3A_653 : vector<16xf32>
      %swap3A_655 = arith.index_cast %scan3A_628 : i32 to index
      %swap3A_656 = arith.constant 16 : index
      %swap3A_657 = tpu.vector_load %arg7[%swap3A_655, %swap3A_656] {strides = array<i32>} : memref<128x64xf32, #tpu.memory_space<vmem>>, vector<1x16xf32>,
      %swap3A_658 = vector.shape_cast %swap3A_657 : vector<1x16xf32> to vector<16xf32>
      %swap3A_659 = vector.shape_cast %add3A_654 : vector<16xf32> to vector<1x16xf32>
      tpu.vector_store %arg7[%swap3A_655, %swap3A_656], %swap3A_659 {strides = array<i32>} : memref<128x64xf32, #tpu.memory_space<vmem>>, vector<1x16xf32>,
      %get3A_660 = arith.index_cast %scan3A_628 : i32 to index
      %get3A_661 = arith.constant 32 : index
      %get3A_662 = tpu.vector_load %arg7[%get3A_660, %get3A_661] {strides = array<i32>} : memref<128x64xf32, #tpu.memory_space<vmem>>, vector<1x16xf32>,
      %get3A_663 = vector.shape_cast %get3A_662 : vector<1x16xf32> to vector<16xf32>
      %get3A_664 = arith.constant 1 : i32
      %get3A_665 = arith.index_cast %get3A_664 : i32 to index
      %get3A_666 = arith.index_cast %scan3A_628 : i32 to index
      %get3A_667 = arith.constant 32 : index
      %get3A_668 = tpu.vector_load %arg6[%get3A_665, %get3A_666, %get3A_667] {strides = array<i32>} : memref<2x128x64xf32, #tpu.memory_space<vmem>>, vector<1x1x16xf32>,
      %get3A_669 = vector.shape_cast %get3A_668 : vector<1x1x16xf32> to vector<16xf32>
      %add3A_670 = arith.addf %get3A_663, %get3A_669 : vector<16xf32>
      %swap3A_671 = arith.index_cast %scan3A_628 : i32 to index
      %swap3A_672 = arith.constant 32 : index
      %swap3A_673 = tpu.vector_load %arg7[%swap3A_671, %swap3A_672] {strides = array<i32>} : memref<128x64xf32, #tpu.memory_space<vmem>>, vector<1x16xf32>,
      %swap3A_674 = vector.shape_cast %swap3A_673 : vector<1x16xf32> to vector<16xf32>
      %swap3A_675 = vector.shape_cast %add3A_670 : vector<16xf32> to vector<1x16xf32>
      tpu.vector_store %arg7[%swap3A_671, %swap3A_672], %swap3A_675 {strides = array<i32>} : memref<128x64xf32, #tpu.memory_space<vmem>>, vector<1x16xf32>,
      %get3A_676 = arith.index_cast %scan3A_628 : i32 to index
      %get3A_677 = arith.constant 48 : index
      %get3A_678 = tpu.vector_load %arg7[%get3A_676, %get3A_677] {strides = array<i32>} : memref<128x64xf32, #tpu.memory_space<vmem>>, vector<1x16xf32>,
      %get3A_679 = vector.shape_cast %get3A_678 : vector<1x16xf32> to vector<16xf32>
      %get3A_680 = arith.constant 1 : i32
      %get3A_681 = arith.index_cast %get3A_680 : i32 to index
      %get3A_682 = arith.index_cast %scan3A_628 : i32 to index
      %get3A_683 = arith.constant 48 : index
      %get3A_684 = tpu.vector_load %arg6[%get3A_681, %get3A_682, %get3A_683] {strides = array<i32>} : memref<2x128x64xf32, #tpu.memory_space<vmem>>, vector<1x1x16xf32>,
      %get3A_685 = vector.shape_cast %get3A_684 : vector<1x1x16xf32> to vector<16xf32>
      %add3A_686 = arith.addf %get3A_679, %get3A_685 : vector<16xf32>
      %swap3A_687 = arith.index_cast %scan3A_628 : i32 to index
      %swap3A_688 = arith.constant 48 : index
      %swap3A_689 = tpu.vector_load %arg7[%swap3A_687, %swap3A_688] {strides = array<i32>} : memref<128x64xf32, #tpu.memory_space<vmem>>, vector<1x16xf32>,
      %swap3A_690 = vector.shape_cast %swap3A_689 : vector<1x16xf32> to vector<16xf32>
      %swap3A_691 = vector.shape_cast %add3A_686 : vector<16xf32> to vector<1x16xf32>
      tpu.vector_store %arg7[%swap3A_687, %swap3A_688], %swap3A_691 {strides = array<i32>} : memref<128x64xf32, #tpu.memory_space<vmem>>, vector<1x16xf32>,
      %scan3A_692 = arith.constant 0 : i32
      scf.yield %scan3A_692 : i32
    }
    %scan3A_321 = arith.constant 128 : i32
    %dma_wait3A_322 = arith.constant 10 : i32
    %dma_wait3A_323 = arith.constant 0 : i32
    %dma_wait3A_324 = arith.constant 0 : i32
    %dma_wait3A_325 = arith.constant 0 : i32
    %dma_wait3A_326 = tpu.memref_slice %arg6[%dma_wait3A_323, %dma_wait3A_324, %dma_wait3A_325] : memref<2x128x64xf32, #tpu.memory_space<vmem>> -> memref<1x128x64xf32, #tpu.memory_space<vmem>>
    %dma_wait3A_327 = tpu.memref_squeeze %dma_wait3A_326 : memref<1x128x64xf32, #tpu.memory_space<vmem>> -> memref<128x64xf32, #tpu.memory_space<vmem>>
    %dma_wait3A_328 = arith.constant 0 : i32
    %dma_wait3A_329 = tpu.memref_slice %arg5[%dma_wait3A_322, %dma_wait3A_328] : memref<20x128xi32, #tpu.memory_space<vmem>> -> memref<1x128xi32, #tpu.memory_space<vmem>>
    %dma_wait3A_330 = tpu.memref_squeeze %dma_wait3A_329 : memref<1x128xi32, #tpu.memory_space<vmem>> -> memref<128xi32, #tpu.memory_space<vmem>>
    %dma_wait3A_331 = arith.constant 0 : i32
    %dma_wait3A_332 = arith.constant 0 : i32
    %dma_wait3A_333 = tpu.memref_slice %arg3[%dma_wait3A_331, %dma_wait3A_332] : memref<100000x64xf32, #tpu.memory_space<hbm>> -> memref<100000x64xf32, #tpu.memory_space<hbm>>
    tpu.wait_indirect_dma semaphore(%arg8 : memref<!tpu.dma_semaphore, #tpu.memory_space<semaphore_mem>>) src(%dma_wait3A_333 : memref<100000x64xf32, #tpu.memory_space<hbm>>) dst(%dma_wait3A_327 : memref<128x64xf32, #tpu.memory_space<vmem>>)
    %dma_start3A_334 = arith.constant 11 : i32
    %dma_start3A_335 = arith.constant 1 : i32
    %dma_start3A_336 = arith.constant 0 : i32
    %dma_start3A_337 = arith.constant 0 : i32
    %dma_start3A_338 = tpu.memref_slice %arg6[%dma_start3A_335, %dma_start3A_336, %dma_start3A_337] : memref<2x128x64xf32, #tpu.memory_space<vmem>> -> memref<1x128x64xf32, #tpu.memory_space<vmem>>
    %dma_start3A_339 = tpu.memref_squeeze %dma_start3A_338 : memref<1x128x64xf32, #tpu.memory_space<vmem>> -> memref<128x64xf32, #tpu.memory_space<vmem>>
    %dma_start3A_340 = arith.constant 0 : i32
    %dma_start3A_341 = tpu.memref_slice %arg5[%dma_start3A_334, %dma_start3A_340] : memref<20x128xi32, #tpu.memory_space<vmem>> -> memref<1x128xi32, #tpu.memory_space<vmem>>
    %dma_start3A_342 = tpu.memref_squeeze %dma_start3A_341 : memref<1x128xi32, #tpu.memory_space<vmem>> -> memref<128xi32, #tpu.memory_space<vmem>>
    %dma_start3A_343 = arith.constant 0 : i32
    %dma_start3A_344 = arith.constant 0 : i32
    %dma_start3A_345 = tpu.memref_slice %arg3[%dma_start3A_343, %dma_start3A_344] : memref<100000x64xf32, #tpu.memory_space<hbm>> -> memref<100000x64xf32, #tpu.memory_space<hbm>>
    tpu.enqueue_indirect_dma source(%dma_start3A_345 : memref<100000x64xf32, #tpu.memory_space<hbm>>) target(%dma_start3A_339 : memref<128x64xf32, #tpu.memory_space<vmem>>) offsets(%dma_start3A_342 : memref<128xi32, #tpu.memory_space<vmem>>) semaphore(%arg8 : memref<!tpu.dma_semaphore, #tpu.memory_space<semaphore_mem>>)
    %scan3A_346 = arith.constant 0 : i32
    %scan3A_347 = arith.constant 0 : i32
    %scan3A_348 = arith.constant 128 : i32
    %scan3A_349 = arith.addi %scan3A_347, %scan3A_348 : i32
    %scan3A_350 = arith.constant 1 : i32
    %scan3A_351 = scf.for %scan3A_628 = %scan3A_347 to %scan3A_349 step %scan3A_350 iter_args(%scan3A_629 = %scan3A_346) -> (i32)  : i32 {
      %get3A = arith.index_cast %scan3A_628 : i32 to index
      %get3A_630 = arith.constant 0 : index
      %get3A_631 = tpu.vector_load %arg7[%get3A, %get3A_630] {strides = array<i32>} : memref<128x64xf32, #tpu.memory_space<vmem>>, vector<1x16xf32>,
      %get3A_632 = vector.shape_cast %get3A_631 : vector<1x16xf32> to vector<16xf32>
      %get3A_633 = arith.constant 0 : i32
      %get3A_634 = arith.index_cast %get3A_633 : i32 to index
      %get3A_635 = arith.index_cast %scan3A_628 : i32 to index
      %get3A_636 = arith.constant 0 : index
      %get3A_637 = tpu.vector_load %arg6[%get3A_634, %get3A_635, %get3A_636] {strides = array<i32>} : memref<2x128x64xf32, #tpu.memory_space<vmem>>, vector<1x1x16xf32>,
      %get3A_638 = vector.shape_cast %get3A_637 : vector<1x1x16xf32> to vector<16xf32>
      %add3A_639 = arith.addf %get3A_632, %get3A_638 : vector<16xf32>
      %swap3A = arith.index_cast %scan3A_628 : i32 to index
      %swap3A_640 = arith.constant 0 : index
      %swap3A_641 = tpu.vector_load %arg7[%swap3A, %swap3A_640] {strides = array<i32>} : memref<128x64xf32, #tpu.memory_space<vmem>>, vector<1x16xf32>,
      %swap3A_642 = vector.shape_cast %swap3A_641 : vector<1x16xf32> to vector<16xf32>
      %swap3A_643 = vector.shape_cast %add3A_639 : vector<16xf32> to vector<1x16xf32>
      tpu.vector_store %arg7[%swap3A, %swap3A_640], %swap3A_643 {strides = array<i32>} : memref<128x64xf32, #tpu.memory_space<vmem>>, vector<1x16xf32>,
      %get3A_644 = arith.index_cast %scan3A_628 : i32 to index
      %get3A_645 = arith.constant 16 : index
      %get3A_646 = tpu.vector_load %arg7[%get3A_644, %get3A_645] {strides = array<i32>} : memref<128x64xf32, #tpu.memory_space<vmem>>, vector<1x16xf32>,
      %get3A_647 = vector.shape_cast %get3A_646 : vector<1x16xf32> to vector<16xf32>
      %get3A_648 = arith.constant 0 : i32
      %get3A_649 = arith.index_cast %get3A_648 : i32 to index
      %get3A_650 = arith.index_cast %scan3A_628 : i32 to index
      %get3A_651 = arith.constant 16 : index
      %get3A_652 = tpu.vector_load %arg6[%get3A_649, %get3A_650, %get3A_651] {strides = array<i32>} : memref<2x128x64xf32, #tpu.memory_space<vmem>>, vector<1x1x16xf32>,
      %get3A_653 = vector.shape_cast %get3A_652 : vector<1x1x16xf32> to vector<16xf32>
      %add3A_654 = arith.addf %get3A_647, %get3A_653 : vector<16xf32>
      %swap3A_655 = arith.index_cast %scan3A_628 : i32 to index
      %swap3A_656 = arith.constant 16 : index
      %swap3A_657 = tpu.vector_load %arg7[%swap3A_655, %swap3A_656] {strides = array<i32>} : memref<128x64xf32, #tpu.memory_space<vmem>>, vector<1x16xf32>,
      %swap3A_658 = vector.shape_cast %swap3A_657 : vector<1x16xf32> to vector<16xf32>
      %swap3A_659 = vector.shape_cast %add3A_654 : vector<16xf32> to vector<1x16xf32>
      tpu.vector_store %arg7[%swap3A_655, %swap3A_656], %swap3A_659 {strides = array<i32>} : memref<128x64xf32, #tpu.memory_space<vmem>>, vector<1x16xf32>,
      %get3A_660 = arith.index_cast %scan3A_628 : i32 to index
      %get3A_661 = arith.constant 32 : index
      %get3A_662 = tpu.vector_load %arg7[%get3A_660, %get3A_661] {strides = array<i32>} : memref<128x64xf32, #tpu.memory_space<vmem>>, vector<1x16xf32>,
      %get3A_663 = vector.shape_cast %get3A_662 : vector<1x16xf32> to vector<16xf32>
      %get3A_664 = arith.constant 0 : i32
      %get3A_665 = arith.index_cast %get3A_664 : i32 to index
      %get3A_666 = arith.index_cast %scan3A_628 : i32 to index
      %get3A_667 = arith.constant 32 : index
      %get3A_668 = tpu.vector_load %arg6[%get3A_665, %get3A_666, %get3A_667] {strides = array<i32>} : memref<2x128x64xf32, #tpu.memory_space<vmem>>, vector<1x1x16xf32>,
      %get3A_669 = vector.shape_cast %get3A_668 : vector<1x1x16xf32> to vector<16xf32>
      %add3A_670 = arith.addf %get3A_663, %get3A_669 : vector<16xf32>
      %swap3A_671 = arith.index_cast %scan3A_628 : i32 to index
      %swap3A_672 = arith.constant 32 : index
      %swap3A_673 = tpu.vector_load %arg7[%swap3A_671, %swap3A_672] {strides = array<i32>} : memref<128x64xf32, #tpu.memory_space<vmem>>, vector<1x16xf32>,
      %swap3A_674 = vector.shape_cast %swap3A_673 : vector<1x16xf32> to vector<16xf32>
      %swap3A_675 = vector.shape_cast %add3A_670 : vector<16xf32> to vector<1x16xf32>
      tpu.vector_store %arg7[%swap3A_671, %swap3A_672], %swap3A_675 {strides = array<i32>} : memref<128x64xf32, #tpu.memory_space<vmem>>, vector<1x16xf32>,
      %get3A_676 = arith.index_cast %scan3A_628 : i32 to index
      %get3A_677 = arith.constant 48 : index
      %get3A_678 = tpu.vector_load %arg7[%get3A_676, %get3A_677] {strides = array<i32>} : memref<128x64xf32, #tpu.memory_space<vmem>>, vector<1x16xf32>,
      %get3A_679 = vector.shape_cast %get3A_678 : vector<1x16xf32> to vector<16xf32>
      %get3A_680 = arith.constant 0 : i32
      %get3A_681 = arith.index_cast %get3A_680 : i32 to index
      %get3A_682 = arith.index_cast %scan3A_628 : i32 to index
      %get3A_683 = arith.constant 48 : index
      %get3A_684 = tpu.vector_load %arg6[%get3A_681, %get3A_682, %get3A_683] {strides = array<i32>} : memref<2x128x64xf32, #tpu.memory_space<vmem>>, vector<1x1x16xf32>,
      %get3A_685 = vector.shape_cast %get3A_684 : vector<1x1x16xf32> to vector<16xf32>
      %add3A_686 = arith.addf %get3A_679, %get3A_685 : vector<16xf32>
      %swap3A_687 = arith.index_cast %scan3A_628 : i32 to index
      %swap3A_688 = arith.constant 48 : index
      %swap3A_689 = tpu.vector_load %arg7[%swap3A_687, %swap3A_688] {strides = array<i32>} : memref<128x64xf32, #tpu.memory_space<vmem>>, vector<1x16xf32>,
      %swap3A_690 = vector.shape_cast %swap3A_689 : vector<1x16xf32> to vector<16xf32>
      %swap3A_691 = vector.shape_cast %add3A_686 : vector<16xf32> to vector<1x16xf32>
      tpu.vector_store %arg7[%swap3A_687, %swap3A_688], %swap3A_691 {strides = array<i32>} : memref<128x64xf32, #tpu.memory_space<vmem>>, vector<1x16xf32>,
      %scan3A_692 = arith.constant 0 : i32
      scf.yield %scan3A_692 : i32
    }
    %scan3A_352 = arith.constant 128 : i32
    %dma_wait3A_353 = arith.constant 11 : i32
    %dma_wait3A_354 = arith.constant 1 : i32
    %dma_wait3A_355 = arith.constant 0 : i32
    %dma_wait3A_356 = arith.constant 0 : i32
    %dma_wait3A_357 = tpu.memref_slice %arg6[%dma_wait3A_354, %dma_wait3A_355, %dma_wait3A_356] : memref<2x128x64xf32, #tpu.memory_space<vmem>> -> memref<1x128x64xf32, #tpu.memory_space<vmem>>
    %dma_wait3A_358 = tpu.memref_squeeze %dma_wait3A_357 : memref<1x128x64xf32, #tpu.memory_space<vmem>> -> memref<128x64xf32, #tpu.memory_space<vmem>>
    %dma_wait3A_359 = arith.constant 0 : i32
    %dma_wait3A_360 = tpu.memref_slice %arg5[%dma_wait3A_353, %dma_wait3A_359] : memref<20x128xi32, #tpu.memory_space<vmem>> -> memref<1x128xi32, #tpu.memory_space<vmem>>
    %dma_wait3A_361 = tpu.memref_squeeze %dma_wait3A_360 : memref<1x128xi32, #tpu.memory_space<vmem>> -> memref<128xi32, #tpu.memory_space<vmem>>
    %dma_wait3A_362 = arith.constant 0 : i32
    %dma_wait3A_363 = arith.constant 0 : i32
    %dma_wait3A_364 = tpu.memref_slice %arg3[%dma_wait3A_362, %dma_wait3A_363] : memref<100000x64xf32, #tpu.memory_space<hbm>> -> memref<100000x64xf32, #tpu.memory_space<hbm>>
    tpu.wait_indirect_dma semaphore(%arg8 : memref<!tpu.dma_semaphore, #tpu.memory_space<semaphore_mem>>) src(%dma_wait3A_364 : memref<100000x64xf32, #tpu.memory_space<hbm>>) dst(%dma_wait3A_358 : memref<128x64xf32, #tpu.memory_space<vmem>>)
    %dma_start3A_365 = arith.constant 12 : i32
    %dma_start3A_366 = arith.constant 0 : i32
    %dma_start3A_367 = arith.constant 0 : i32
    %dma_start3A_368 = arith.constant 0 : i32
    %dma_start3A_369 = tpu.memref_slice %arg6[%dma_start3A_366, %dma_start3A_367, %dma_start3A_368] : memref<2x128x64xf32, #tpu.memory_space<vmem>> -> memref<1x128x64xf32, #tpu.memory_space<vmem>>
    %dma_start3A_370 = tpu.memref_squeeze %dma_start3A_369 : memref<1x128x64xf32, #tpu.memory_space<vmem>> -> memref<128x64xf32, #tpu.memory_space<vmem>>
    %dma_start3A_371 = arith.constant 0 : i32
    %dma_start3A_372 = tpu.memref_slice %arg5[%dma_start3A_365, %dma_start3A_371] : memref<20x128xi32, #tpu.memory_space<vmem>> -> memref<1x128xi32, #tpu.memory_space<vmem>>
    %dma_start3A_373 = tpu.memref_squeeze %dma_start3A_372 : memref<1x128xi32, #tpu.memory_space<vmem>> -> memref<128xi32, #tpu.memory_space<vmem>>
    %dma_start3A_374 = arith.constant 0 : i32
    %dma_start3A_375 = arith.constant 0 : i32
    %dma_start3A_376 = tpu.memref_slice %arg3[%dma_start3A_374, %dma_start3A_375] : memref<100000x64xf32, #tpu.memory_space<hbm>> -> memref<100000x64xf32, #tpu.memory_space<hbm>>
    tpu.enqueue_indirect_dma source(%dma_start3A_376 : memref<100000x64xf32, #tpu.memory_space<hbm>>) target(%dma_start3A_370 : memref<128x64xf32, #tpu.memory_space<vmem>>) offsets(%dma_start3A_373 : memref<128xi32, #tpu.memory_space<vmem>>) semaphore(%arg8 : memref<!tpu.dma_semaphore, #tpu.memory_space<semaphore_mem>>)
    %scan3A_377 = arith.constant 0 : i32
    %scan3A_378 = arith.constant 0 : i32
    %scan3A_379 = arith.constant 128 : i32
    %scan3A_380 = arith.addi %scan3A_378, %scan3A_379 : i32
    %scan3A_381 = arith.constant 1 : i32
    %scan3A_382 = scf.for %scan3A_628 = %scan3A_378 to %scan3A_380 step %scan3A_381 iter_args(%scan3A_629 = %scan3A_377) -> (i32)  : i32 {
      %get3A = arith.index_cast %scan3A_628 : i32 to index
      %get3A_630 = arith.constant 0 : index
      %get3A_631 = tpu.vector_load %arg7[%get3A, %get3A_630] {strides = array<i32>} : memref<128x64xf32, #tpu.memory_space<vmem>>, vector<1x16xf32>,
      %get3A_632 = vector.shape_cast %get3A_631 : vector<1x16xf32> to vector<16xf32>
      %get3A_633 = arith.constant 1 : i32
      %get3A_634 = arith.index_cast %get3A_633 : i32 to index
      %get3A_635 = arith.index_cast %scan3A_628 : i32 to index
      %get3A_636 = arith.constant 0 : index
      %get3A_637 = tpu.vector_load %arg6[%get3A_634, %get3A_635, %get3A_636] {strides = array<i32>} : memref<2x128x64xf32, #tpu.memory_space<vmem>>, vector<1x1x16xf32>,
      %get3A_638 = vector.shape_cast %get3A_637 : vector<1x1x16xf32> to vector<16xf32>
      %add3A_639 = arith.addf %get3A_632, %get3A_638 : vector<16xf32>
      %swap3A = arith.index_cast %scan3A_628 : i32 to index
      %swap3A_640 = arith.constant 0 : index
      %swap3A_641 = tpu.vector_load %arg7[%swap3A, %swap3A_640] {strides = array<i32>} : memref<128x64xf32, #tpu.memory_space<vmem>>, vector<1x16xf32>,
      %swap3A_642 = vector.shape_cast %swap3A_641 : vector<1x16xf32> to vector<16xf32>
      %swap3A_643 = vector.shape_cast %add3A_639 : vector<16xf32> to vector<1x16xf32>
      tpu.vector_store %arg7[%swap3A, %swap3A_640], %swap3A_643 {strides = array<i32>} : memref<128x64xf32, #tpu.memory_space<vmem>>, vector<1x16xf32>,
      %get3A_644 = arith.index_cast %scan3A_628 : i32 to index
      %get3A_645 = arith.constant 16 : index
      %get3A_646 = tpu.vector_load %arg7[%get3A_644, %get3A_645] {strides = array<i32>} : memref<128x64xf32, #tpu.memory_space<vmem>>, vector<1x16xf32>,
      %get3A_647 = vector.shape_cast %get3A_646 : vector<1x16xf32> to vector<16xf32>
      %get3A_648 = arith.constant 1 : i32
      %get3A_649 = arith.index_cast %get3A_648 : i32 to index
      %get3A_650 = arith.index_cast %scan3A_628 : i32 to index
      %get3A_651 = arith.constant 16 : index
      %get3A_652 = tpu.vector_load %arg6[%get3A_649, %get3A_650, %get3A_651] {strides = array<i32>} : memref<2x128x64xf32, #tpu.memory_space<vmem>>, vector<1x1x16xf32>,
      %get3A_653 = vector.shape_cast %get3A_652 : vector<1x1x16xf32> to vector<16xf32>
      %add3A_654 = arith.addf %get3A_647, %get3A_653 : vector<16xf32>
      %swap3A_655 = arith.index_cast %scan3A_628 : i32 to index
      %swap3A_656 = arith.constant 16 : index
      %swap3A_657 = tpu.vector_load %arg7[%swap3A_655, %swap3A_656] {strides = array<i32>} : memref<128x64xf32, #tpu.memory_space<vmem>>, vector<1x16xf32>,
      %swap3A_658 = vector.shape_cast %swap3A_657 : vector<1x16xf32> to vector<16xf32>
      %swap3A_659 = vector.shape_cast %add3A_654 : vector<16xf32> to vector<1x16xf32>
      tpu.vector_store %arg7[%swap3A_655, %swap3A_656], %swap3A_659 {strides = array<i32>} : memref<128x64xf32, #tpu.memory_space<vmem>>, vector<1x16xf32>,
      %get3A_660 = arith.index_cast %scan3A_628 : i32 to index
      %get3A_661 = arith.constant 32 : index
      %get3A_662 = tpu.vector_load %arg7[%get3A_660, %get3A_661] {strides = array<i32>} : memref<128x64xf32, #tpu.memory_space<vmem>>, vector<1x16xf32>,
      %get3A_663 = vector.shape_cast %get3A_662 : vector<1x16xf32> to vector<16xf32>
      %get3A_664 = arith.constant 1 : i32
      %get3A_665 = arith.index_cast %get3A_664 : i32 to index
      %get3A_666 = arith.index_cast %scan3A_628 : i32 to index
      %get3A_667 = arith.constant 32 : index
      %get3A_668 = tpu.vector_load %arg6[%get3A_665, %get3A_666, %get3A_667] {strides = array<i32>} : memref<2x128x64xf32, #tpu.memory_space<vmem>>, vector<1x1x16xf32>,
      %get3A_669 = vector.shape_cast %get3A_668 : vector<1x1x16xf32> to vector<16xf32>
      %add3A_670 = arith.addf %get3A_663, %get3A_669 : vector<16xf32>
      %swap3A_671 = arith.index_cast %scan3A_628 : i32 to index
      %swap3A_672 = arith.constant 32 : index
      %swap3A_673 = tpu.vector_load %arg7[%swap3A_671, %swap3A_672] {strides = array<i32>} : memref<128x64xf32, #tpu.memory_space<vmem>>, vector<1x16xf32>,
      %swap3A_674 = vector.shape_cast %swap3A_673 : vector<1x16xf32> to vector<16xf32>
      %swap3A_675 = vector.shape_cast %add3A_670 : vector<16xf32> to vector<1x16xf32>
      tpu.vector_store %arg7[%swap3A_671, %swap3A_672], %swap3A_675 {strides = array<i32>} : memref<128x64xf32, #tpu.memory_space<vmem>>, vector<1x16xf32>,
      %get3A_676 = arith.index_cast %scan3A_628 : i32 to index
      %get3A_677 = arith.constant 48 : index
      %get3A_678 = tpu.vector_load %arg7[%get3A_676, %get3A_677] {strides = array<i32>} : memref<128x64xf32, #tpu.memory_space<vmem>>, vector<1x16xf32>,
      %get3A_679 = vector.shape_cast %get3A_678 : vector<1x16xf32> to vector<16xf32>
      %get3A_680 = arith.constant 1 : i32
      %get3A_681 = arith.index_cast %get3A_680 : i32 to index
      %get3A_682 = arith.index_cast %scan3A_628 : i32 to index
      %get3A_683 = arith.constant 48 : index
      %get3A_684 = tpu.vector_load %arg6[%get3A_681, %get3A_682, %get3A_683] {strides = array<i32>} : memref<2x128x64xf32, #tpu.memory_space<vmem>>, vector<1x1x16xf32>,
      %get3A_685 = vector.shape_cast %get3A_684 : vector<1x1x16xf32> to vector<16xf32>
      %add3A_686 = arith.addf %get3A_679, %get3A_685 : vector<16xf32>
      %swap3A_687 = arith.index_cast %scan3A_628 : i32 to index
      %swap3A_688 = arith.constant 48 : index
      %swap3A_689 = tpu.vector_load %arg7[%swap3A_687, %swap3A_688] {strides = array<i32>} : memref<128x64xf32, #tpu.memory_space<vmem>>, vector<1x16xf32>,
      %swap3A_690 = vector.shape_cast %swap3A_689 : vector<1x16xf32> to vector<16xf32>
      %swap3A_691 = vector.shape_cast %add3A_686 : vector<16xf32> to vector<1x16xf32>
      tpu.vector_store %arg7[%swap3A_687, %swap3A_688], %swap3A_691 {strides = array<i32>} : memref<128x64xf32, #tpu.memory_space<vmem>>, vector<1x16xf32>,
      %scan3A_692 = arith.constant 0 : i32
      scf.yield %scan3A_692 : i32
    }
    %scan3A_383 = arith.constant 128 : i32
    %dma_wait3A_384 = arith.constant 12 : i32
    %dma_wait3A_385 = arith.constant 0 : i32
    %dma_wait3A_386 = arith.constant 0 : i32
    %dma_wait3A_387 = arith.constant 0 : i32
    %dma_wait3A_388 = tpu.memref_slice %arg6[%dma_wait3A_385, %dma_wait3A_386, %dma_wait3A_387] : memref<2x128x64xf32, #tpu.memory_space<vmem>> -> memref<1x128x64xf32, #tpu.memory_space<vmem>>
    %dma_wait3A_389 = tpu.memref_squeeze %dma_wait3A_388 : memref<1x128x64xf32, #tpu.memory_space<vmem>> -> memref<128x64xf32, #tpu.memory_space<vmem>>
    %dma_wait3A_390 = arith.constant 0 : i32
    %dma_wait3A_391 = tpu.memref_slice %arg5[%dma_wait3A_384, %dma_wait3A_390] : memref<20x128xi32, #tpu.memory_space<vmem>> -> memref<1x128xi32, #tpu.memory_space<vmem>>
    %dma_wait3A_392 = tpu.memref_squeeze %dma_wait3A_391 : memref<1x128xi32, #tpu.memory_space<vmem>> -> memref<128xi32, #tpu.memory_space<vmem>>
    %dma_wait3A_393 = arith.constant 0 : i32
    %dma_wait3A_394 = arith.constant 0 : i32
    %dma_wait3A_395 = tpu.memref_slice %arg3[%dma_wait3A_393, %dma_wait3A_394] : memref<100000x64xf32, #tpu.memory_space<hbm>> -> memref<100000x64xf32, #tpu.memory_space<hbm>>
    tpu.wait_indirect_dma semaphore(%arg8 : memref<!tpu.dma_semaphore, #tpu.memory_space<semaphore_mem>>) src(%dma_wait3A_395 : memref<100000x64xf32, #tpu.memory_space<hbm>>) dst(%dma_wait3A_389 : memref<128x64xf32, #tpu.memory_space<vmem>>)
    %dma_start3A_396 = arith.constant 13 : i32
    %dma_start3A_397 = arith.constant 1 : i32
    %dma_start3A_398 = arith.constant 0 : i32
    %dma_start3A_399 = arith.constant 0 : i32
    %dma_start3A_400 = tpu.memref_slice %arg6[%dma_start3A_397, %dma_start3A_398, %dma_start3A_399] : memref<2x128x64xf32, #tpu.memory_space<vmem>> -> memref<1x128x64xf32, #tpu.memory_space<vmem>>
    %dma_start3A_401 = tpu.memref_squeeze %dma_start3A_400 : memref<1x128x64xf32, #tpu.memory_space<vmem>> -> memref<128x64xf32, #tpu.memory_space<vmem>>
    %dma_start3A_402 = arith.constant 0 : i32
    %dma_start3A_403 = tpu.memref_slice %arg5[%dma_start3A_396, %dma_start3A_402] : memref<20x128xi32, #tpu.memory_space<vmem>> -> memref<1x128xi32, #tpu.memory_space<vmem>>
    %dma_start3A_404 = tpu.memref_squeeze %dma_start3A_403 : memref<1x128xi32, #tpu.memory_space<vmem>> -> memref<128xi32, #tpu.memory_space<vmem>>
    %dma_start3A_405 = arith.constant 0 : i32
    %dma_start3A_406 = arith.constant 0 : i32
    %dma_start3A_407 = tpu.memref_slice %arg3[%dma_start3A_405, %dma_start3A_406] : memref<100000x64xf32, #tpu.memory_space<hbm>> -> memref<100000x64xf32, #tpu.memory_space<hbm>>
    tpu.enqueue_indirect_dma source(%dma_start3A_407 : memref<100000x64xf32, #tpu.memory_space<hbm>>) target(%dma_start3A_401 : memref<128x64xf32, #tpu.memory_space<vmem>>) offsets(%dma_start3A_404 : memref<128xi32, #tpu.memory_space<vmem>>) semaphore(%arg8 : memref<!tpu.dma_semaphore, #tpu.memory_space<semaphore_mem>>)
    %scan3A_408 = arith.constant 0 : i32
    %scan3A_409 = arith.constant 0 : i32
    %scan3A_410 = arith.constant 128 : i32
    %scan3A_411 = arith.addi %scan3A_409, %scan3A_410 : i32
    %scan3A_412 = arith.constant 1 : i32
    %scan3A_413 = scf.for %scan3A_628 = %scan3A_409 to %scan3A_411 step %scan3A_412 iter_args(%scan3A_629 = %scan3A_408) -> (i32)  : i32 {
      %get3A = arith.index_cast %scan3A_628 : i32 to index
      %get3A_630 = arith.constant 0 : index
      %get3A_631 = tpu.vector_load %arg7[%get3A, %get3A_630] {strides = array<i32>} : memref<128x64xf32, #tpu.memory_space<vmem>>, vector<1x16xf32>,
      %get3A_632 = vector.shape_cast %get3A_631 : vector<1x16xf32> to vector<16xf32>
      %get3A_633 = arith.constant 0 : i32
      %get3A_634 = arith.index_cast %get3A_633 : i32 to index
      %get3A_635 = arith.index_cast %scan3A_628 : i32 to index
      %get3A_636 = arith.constant 0 : index
      %get3A_637 = tpu.vector_load %arg6[%get3A_634, %get3A_635, %get3A_636] {strides = array<i32>} : memref<2x128x64xf32, #tpu.memory_space<vmem>>, vector<1x1x16xf32>,
      %get3A_638 = vector.shape_cast %get3A_637 : vector<1x1x16xf32> to vector<16xf32>
      %add3A_639 = arith.addf %get3A_632, %get3A_638 : vector<16xf32>
      %swap3A = arith.index_cast %scan3A_628 : i32 to index
      %swap3A_640 = arith.constant 0 : index
      %swap3A_641 = tpu.vector_load %arg7[%swap3A, %swap3A_640] {strides = array<i32>} : memref<128x64xf32, #tpu.memory_space<vmem>>, vector<1x16xf32>,
      %swap3A_642 = vector.shape_cast %swap3A_641 : vector<1x16xf32> to vector<16xf32>
      %swap3A_643 = vector.shape_cast %add3A_639 : vector<16xf32> to vector<1x16xf32>
      tpu.vector_store %arg7[%swap3A, %swap3A_640], %swap3A_643 {strides = array<i32>} : memref<128x64xf32, #tpu.memory_space<vmem>>, vector<1x16xf32>,
      %get3A_644 = arith.index_cast %scan3A_628 : i32 to index
      %get3A_645 = arith.constant 16 : index
      %get3A_646 = tpu.vector_load %arg7[%get3A_644, %get3A_645] {strides = array<i32>} : memref<128x64xf32, #tpu.memory_space<vmem>>, vector<1x16xf32>,
      %get3A_647 = vector.shape_cast %get3A_646 : vector<1x16xf32> to vector<16xf32>
      %get3A_648 = arith.constant 0 : i32
      %get3A_649 = arith.index_cast %get3A_648 : i32 to index
      %get3A_650 = arith.index_cast %scan3A_628 : i32 to index
      %get3A_651 = arith.constant 16 : index
      %get3A_652 = tpu.vector_load %arg6[%get3A_649, %get3A_650, %get3A_651] {strides = array<i32>} : memref<2x128x64xf32, #tpu.memory_space<vmem>>, vector<1x1x16xf32>,
      %get3A_653 = vector.shape_cast %get3A_652 : vector<1x1x16xf32> to vector<16xf32>
      %add3A_654 = arith.addf %get3A_647, %get3A_653 : vector<16xf32>
      %swap3A_655 = arith.index_cast %scan3A_628 : i32 to index
      %swap3A_656 = arith.constant 16 : index
      %swap3A_657 = tpu.vector_load %arg7[%swap3A_655, %swap3A_656] {strides = array<i32>} : memref<128x64xf32, #tpu.memory_space<vmem>>, vector<1x16xf32>,
      %swap3A_658 = vector.shape_cast %swap3A_657 : vector<1x16xf32> to vector<16xf32>
      %swap3A_659 = vector.shape_cast %add3A_654 : vector<16xf32> to vector<1x16xf32>
      tpu.vector_store %arg7[%swap3A_655, %swap3A_656], %swap3A_659 {strides = array<i32>} : memref<128x64xf32, #tpu.memory_space<vmem>>, vector<1x16xf32>,
      %get3A_660 = arith.index_cast %scan3A_628 : i32 to index
      %get3A_661 = arith.constant 32 : index
      %get3A_662 = tpu.vector_load %arg7[%get3A_660, %get3A_661] {strides = array<i32>} : memref<128x64xf32, #tpu.memory_space<vmem>>, vector<1x16xf32>,
      %get3A_663 = vector.shape_cast %get3A_662 : vector<1x16xf32> to vector<16xf32>
      %get3A_664 = arith.constant 0 : i32
      %get3A_665 = arith.index_cast %get3A_664 : i32 to index
      %get3A_666 = arith.index_cast %scan3A_628 : i32 to index
      %get3A_667 = arith.constant 32 : index
      %get3A_668 = tpu.vector_load %arg6[%get3A_665, %get3A_666, %get3A_667] {strides = array<i32>} : memref<2x128x64xf32, #tpu.memory_space<vmem>>, vector<1x1x16xf32>,
      %get3A_669 = vector.shape_cast %get3A_668 : vector<1x1x16xf32> to vector<16xf32>
      %add3A_670 = arith.addf %get3A_663, %get3A_669 : vector<16xf32>
      %swap3A_671 = arith.index_cast %scan3A_628 : i32 to index
      %swap3A_672 = arith.constant 32 : index
      %swap3A_673 = tpu.vector_load %arg7[%swap3A_671, %swap3A_672] {strides = array<i32>} : memref<128x64xf32, #tpu.memory_space<vmem>>, vector<1x16xf32>,
      %swap3A_674 = vector.shape_cast %swap3A_673 : vector<1x16xf32> to vector<16xf32>
      %swap3A_675 = vector.shape_cast %add3A_670 : vector<16xf32> to vector<1x16xf32>
      tpu.vector_store %arg7[%swap3A_671, %swap3A_672], %swap3A_675 {strides = array<i32>} : memref<128x64xf32, #tpu.memory_space<vmem>>, vector<1x16xf32>,
      %get3A_676 = arith.index_cast %scan3A_628 : i32 to index
      %get3A_677 = arith.constant 48 : index
      %get3A_678 = tpu.vector_load %arg7[%get3A_676, %get3A_677] {strides = array<i32>} : memref<128x64xf32, #tpu.memory_space<vmem>>, vector<1x16xf32>,
      %get3A_679 = vector.shape_cast %get3A_678 : vector<1x16xf32> to vector<16xf32>
      %get3A_680 = arith.constant 0 : i32
      %get3A_681 = arith.index_cast %get3A_680 : i32 to index
      %get3A_682 = arith.index_cast %scan3A_628 : i32 to index
      %get3A_683 = arith.constant 48 : index
      %get3A_684 = tpu.vector_load %arg6[%get3A_681, %get3A_682, %get3A_683] {strides = array<i32>} : memref<2x128x64xf32, #tpu.memory_space<vmem>>, vector<1x1x16xf32>,
      %get3A_685 = vector.shape_cast %get3A_684 : vector<1x1x16xf32> to vector<16xf32>
      %add3A_686 = arith.addf %get3A_679, %get3A_685 : vector<16xf32>
      %swap3A_687 = arith.index_cast %scan3A_628 : i32 to index
      %swap3A_688 = arith.constant 48 : index
      %swap3A_689 = tpu.vector_load %arg7[%swap3A_687, %swap3A_688] {strides = array<i32>} : memref<128x64xf32, #tpu.memory_space<vmem>>, vector<1x16xf32>,
      %swap3A_690 = vector.shape_cast %swap3A_689 : vector<1x16xf32> to vector<16xf32>
      %swap3A_691 = vector.shape_cast %add3A_686 : vector<16xf32> to vector<1x16xf32>
      tpu.vector_store %arg7[%swap3A_687, %swap3A_688], %swap3A_691 {strides = array<i32>} : memref<128x64xf32, #tpu.memory_space<vmem>>, vector<1x16xf32>,
      %scan3A_692 = arith.constant 0 : i32
      scf.yield %scan3A_692 : i32
    }
    %scan3A_414 = arith.constant 128 : i32
    %dma_wait3A_415 = arith.constant 13 : i32
    %dma_wait3A_416 = arith.constant 1 : i32
    %dma_wait3A_417 = arith.constant 0 : i32
    %dma_wait3A_418 = arith.constant 0 : i32
    %dma_wait3A_419 = tpu.memref_slice %arg6[%dma_wait3A_416, %dma_wait3A_417, %dma_wait3A_418] : memref<2x128x64xf32, #tpu.memory_space<vmem>> -> memref<1x128x64xf32, #tpu.memory_space<vmem>>
    %dma_wait3A_420 = tpu.memref_squeeze %dma_wait3A_419 : memref<1x128x64xf32, #tpu.memory_space<vmem>> -> memref<128x64xf32, #tpu.memory_space<vmem>>
    %dma_wait3A_421 = arith.constant 0 : i32
    %dma_wait3A_422 = tpu.memref_slice %arg5[%dma_wait3A_415, %dma_wait3A_421] : memref<20x128xi32, #tpu.memory_space<vmem>> -> memref<1x128xi32, #tpu.memory_space<vmem>>
    %dma_wait3A_423 = tpu.memref_squeeze %dma_wait3A_422 : memref<1x128xi32, #tpu.memory_space<vmem>> -> memref<128xi32, #tpu.memory_space<vmem>>
    %dma_wait3A_424 = arith.constant 0 : i32
    %dma_wait3A_425 = arith.constant 0 : i32
    %dma_wait3A_426 = tpu.memref_slice %arg3[%dma_wait3A_424, %dma_wait3A_425] : memref<100000x64xf32, #tpu.memory_space<hbm>> -> memref<100000x64xf32, #tpu.memory_space<hbm>>
    tpu.wait_indirect_dma semaphore(%arg8 : memref<!tpu.dma_semaphore, #tpu.memory_space<semaphore_mem>>) src(%dma_wait3A_426 : memref<100000x64xf32, #tpu.memory_space<hbm>>) dst(%dma_wait3A_420 : memref<128x64xf32, #tpu.memory_space<vmem>>)
    %dma_start3A_427 = arith.constant 14 : i32
    %dma_start3A_428 = arith.constant 0 : i32
    %dma_start3A_429 = arith.constant 0 : i32
    %dma_start3A_430 = arith.constant 0 : i32
    %dma_start3A_431 = tpu.memref_slice %arg6[%dma_start3A_428, %dma_start3A_429, %dma_start3A_430] : memref<2x128x64xf32, #tpu.memory_space<vmem>> -> memref<1x128x64xf32, #tpu.memory_space<vmem>>
    %dma_start3A_432 = tpu.memref_squeeze %dma_start3A_431 : memref<1x128x64xf32, #tpu.memory_space<vmem>> -> memref<128x64xf32, #tpu.memory_space<vmem>>
    %dma_start3A_433 = arith.constant 0 : i32
    %dma_start3A_434 = tpu.memref_slice %arg5[%dma_start3A_427, %dma_start3A_433] : memref<20x128xi32, #tpu.memory_space<vmem>> -> memref<1x128xi32, #tpu.memory_space<vmem>>
    %dma_start3A_435 = tpu.memref_squeeze %dma_start3A_434 : memref<1x128xi32, #tpu.memory_space<vmem>> -> memref<128xi32, #tpu.memory_space<vmem>>
    %dma_start3A_436 = arith.constant 0 : i32
    %dma_start3A_437 = arith.constant 0 : i32
    %dma_start3A_438 = tpu.memref_slice %arg3[%dma_start3A_436, %dma_start3A_437] : memref<100000x64xf32, #tpu.memory_space<hbm>> -> memref<100000x64xf32, #tpu.memory_space<hbm>>
    tpu.enqueue_indirect_dma source(%dma_start3A_438 : memref<100000x64xf32, #tpu.memory_space<hbm>>) target(%dma_start3A_432 : memref<128x64xf32, #tpu.memory_space<vmem>>) offsets(%dma_start3A_435 : memref<128xi32, #tpu.memory_space<vmem>>) semaphore(%arg8 : memref<!tpu.dma_semaphore, #tpu.memory_space<semaphore_mem>>)
    %scan3A_439 = arith.constant 0 : i32
    %scan3A_440 = arith.constant 0 : i32
    %scan3A_441 = arith.constant 128 : i32
    %scan3A_442 = arith.addi %scan3A_440, %scan3A_441 : i32
    %scan3A_443 = arith.constant 1 : i32
    %scan3A_444 = scf.for %scan3A_628 = %scan3A_440 to %scan3A_442 step %scan3A_443 iter_args(%scan3A_629 = %scan3A_439) -> (i32)  : i32 {
      %get3A = arith.index_cast %scan3A_628 : i32 to index
      %get3A_630 = arith.constant 0 : index
      %get3A_631 = tpu.vector_load %arg7[%get3A, %get3A_630] {strides = array<i32>} : memref<128x64xf32, #tpu.memory_space<vmem>>, vector<1x16xf32>,
      %get3A_632 = vector.shape_cast %get3A_631 : vector<1x16xf32> to vector<16xf32>
      %get3A_633 = arith.constant 1 : i32
      %get3A_634 = arith.index_cast %get3A_633 : i32 to index
      %get3A_635 = arith.index_cast %scan3A_628 : i32 to index
      %get3A_636 = arith.constant 0 : index
      %get3A_637 = tpu.vector_load %arg6[%get3A_634, %get3A_635, %get3A_636] {strides = array<i32>} : memref<2x128x64xf32, #tpu.memory_space<vmem>>, vector<1x1x16xf32>,
      %get3A_638 = vector.shape_cast %get3A_637 : vector<1x1x16xf32> to vector<16xf32>
      %add3A_639 = arith.addf %get3A_632, %get3A_638 : vector<16xf32>
      %swap3A = arith.index_cast %scan3A_628 : i32 to index
      %swap3A_640 = arith.constant 0 : index
      %swap3A_641 = tpu.vector_load %arg7[%swap3A, %swap3A_640] {strides = array<i32>} : memref<128x64xf32, #tpu.memory_space<vmem>>, vector<1x16xf32>,
      %swap3A_642 = vector.shape_cast %swap3A_641 : vector<1x16xf32> to vector<16xf32>
      %swap3A_643 = vector.shape_cast %add3A_639 : vector<16xf32> to vector<1x16xf32>
      tpu.vector_store %arg7[%swap3A, %swap3A_640], %swap3A_643 {strides = array<i32>} : memref<128x64xf32, #tpu.memory_space<vmem>>, vector<1x16xf32>,
      %get3A_644 = arith.index_cast %scan3A_628 : i32 to index
      %get3A_645 = arith.constant 16 : index
      %get3A_646 = tpu.vector_load %arg7[%get3A_644, %get3A_645] {strides = array<i32>} : memref<128x64xf32, #tpu.memory_space<vmem>>, vector<1x16xf32>,
      %get3A_647 = vector.shape_cast %get3A_646 : vector<1x16xf32> to vector<16xf32>
      %get3A_648 = arith.constant 1 : i32
      %get3A_649 = arith.index_cast %get3A_648 : i32 to index
      %get3A_650 = arith.index_cast %scan3A_628 : i32 to index
      %get3A_651 = arith.constant 16 : index
      %get3A_652 = tpu.vector_load %arg6[%get3A_649, %get3A_650, %get3A_651] {strides = array<i32>} : memref<2x128x64xf32, #tpu.memory_space<vmem>>, vector<1x1x16xf32>,
      %get3A_653 = vector.shape_cast %get3A_652 : vector<1x1x16xf32> to vector<16xf32>
      %add3A_654 = arith.addf %get3A_647, %get3A_653 : vector<16xf32>
      %swap3A_655 = arith.index_cast %scan3A_628 : i32 to index
      %swap3A_656 = arith.constant 16 : index
      %swap3A_657 = tpu.vector_load %arg7[%swap3A_655, %swap3A_656] {strides = array<i32>} : memref<128x64xf32, #tpu.memory_space<vmem>>, vector<1x16xf32>,
      %swap3A_658 = vector.shape_cast %swap3A_657 : vector<1x16xf32> to vector<16xf32>
      %swap3A_659 = vector.shape_cast %add3A_654 : vector<16xf32> to vector<1x16xf32>
      tpu.vector_store %arg7[%swap3A_655, %swap3A_656], %swap3A_659 {strides = array<i32>} : memref<128x64xf32, #tpu.memory_space<vmem>>, vector<1x16xf32>,
      %get3A_660 = arith.index_cast %scan3A_628 : i32 to index
      %get3A_661 = arith.constant 32 : index
      %get3A_662 = tpu.vector_load %arg7[%get3A_660, %get3A_661] {strides = array<i32>} : memref<128x64xf32, #tpu.memory_space<vmem>>, vector<1x16xf32>,
      %get3A_663 = vector.shape_cast %get3A_662 : vector<1x16xf32> to vector<16xf32>
      %get3A_664 = arith.constant 1 : i32
      %get3A_665 = arith.index_cast %get3A_664 : i32 to index
      %get3A_666 = arith.index_cast %scan3A_628 : i32 to index
      %get3A_667 = arith.constant 32 : index
      %get3A_668 = tpu.vector_load %arg6[%get3A_665, %get3A_666, %get3A_667] {strides = array<i32>} : memref<2x128x64xf32, #tpu.memory_space<vmem>>, vector<1x1x16xf32>,
      %get3A_669 = vector.shape_cast %get3A_668 : vector<1x1x16xf32> to vector<16xf32>
      %add3A_670 = arith.addf %get3A_663, %get3A_669 : vector<16xf32>
      %swap3A_671 = arith.index_cast %scan3A_628 : i32 to index
      %swap3A_672 = arith.constant 32 : index
      %swap3A_673 = tpu.vector_load %arg7[%swap3A_671, %swap3A_672] {strides = array<i32>} : memref<128x64xf32, #tpu.memory_space<vmem>>, vector<1x16xf32>,
      %swap3A_674 = vector.shape_cast %swap3A_673 : vector<1x16xf32> to vector<16xf32>
      %swap3A_675 = vector.shape_cast %add3A_670 : vector<16xf32> to vector<1x16xf32>
      tpu.vector_store %arg7[%swap3A_671, %swap3A_672], %swap3A_675 {strides = array<i32>} : memref<128x64xf32, #tpu.memory_space<vmem>>, vector<1x16xf32>,
      %get3A_676 = arith.index_cast %scan3A_628 : i32 to index
      %get3A_677 = arith.constant 48 : index
      %get3A_678 = tpu.vector_load %arg7[%get3A_676, %get3A_677] {strides = array<i32>} : memref<128x64xf32, #tpu.memory_space<vmem>>, vector<1x16xf32>,
      %get3A_679 = vector.shape_cast %get3A_678 : vector<1x16xf32> to vector<16xf32>
      %get3A_680 = arith.constant 1 : i32
      %get3A_681 = arith.index_cast %get3A_680 : i32 to index
      %get3A_682 = arith.index_cast %scan3A_628 : i32 to index
      %get3A_683 = arith.constant 48 : index
      %get3A_684 = tpu.vector_load %arg6[%get3A_681, %get3A_682, %get3A_683] {strides = array<i32>} : memref<2x128x64xf32, #tpu.memory_space<vmem>>, vector<1x1x16xf32>,
      %get3A_685 = vector.shape_cast %get3A_684 : vector<1x1x16xf32> to vector<16xf32>
      %add3A_686 = arith.addf %get3A_679, %get3A_685 : vector<16xf32>
      %swap3A_687 = arith.index_cast %scan3A_628 : i32 to index
      %swap3A_688 = arith.constant 48 : index
      %swap3A_689 = tpu.vector_load %arg7[%swap3A_687, %swap3A_688] {strides = array<i32>} : memref<128x64xf32, #tpu.memory_space<vmem>>, vector<1x16xf32>,
      %swap3A_690 = vector.shape_cast %swap3A_689 : vector<1x16xf32> to vector<16xf32>
      %swap3A_691 = vector.shape_cast %add3A_686 : vector<16xf32> to vector<1x16xf32>
      tpu.vector_store %arg7[%swap3A_687, %swap3A_688], %swap3A_691 {strides = array<i32>} : memref<128x64xf32, #tpu.memory_space<vmem>>, vector<1x16xf32>,
      %scan3A_692 = arith.constant 0 : i32
      scf.yield %scan3A_692 : i32
    }
    %scan3A_445 = arith.constant 128 : i32
    %dma_wait3A_446 = arith.constant 14 : i32
    %dma_wait3A_447 = arith.constant 0 : i32
    %dma_wait3A_448 = arith.constant 0 : i32
    %dma_wait3A_449 = arith.constant 0 : i32
    %dma_wait3A_450 = tpu.memref_slice %arg6[%dma_wait3A_447, %dma_wait3A_448, %dma_wait3A_449] : memref<2x128x64xf32, #tpu.memory_space<vmem>> -> memref<1x128x64xf32, #tpu.memory_space<vmem>>
    %dma_wait3A_451 = tpu.memref_squeeze %dma_wait3A_450 : memref<1x128x64xf32, #tpu.memory_space<vmem>> -> memref<128x64xf32, #tpu.memory_space<vmem>>
    %dma_wait3A_452 = arith.constant 0 : i32
    %dma_wait3A_453 = tpu.memref_slice %arg5[%dma_wait3A_446, %dma_wait3A_452] : memref<20x128xi32, #tpu.memory_space<vmem>> -> memref<1x128xi32, #tpu.memory_space<vmem>>
    %dma_wait3A_454 = tpu.memref_squeeze %dma_wait3A_453 : memref<1x128xi32, #tpu.memory_space<vmem>> -> memref<128xi32, #tpu.memory_space<vmem>>
    %dma_wait3A_455 = arith.constant 0 : i32
    %dma_wait3A_456 = arith.constant 0 : i32
    %dma_wait3A_457 = tpu.memref_slice %arg3[%dma_wait3A_455, %dma_wait3A_456] : memref<100000x64xf32, #tpu.memory_space<hbm>> -> memref<100000x64xf32, #tpu.memory_space<hbm>>
    tpu.wait_indirect_dma semaphore(%arg8 : memref<!tpu.dma_semaphore, #tpu.memory_space<semaphore_mem>>) src(%dma_wait3A_457 : memref<100000x64xf32, #tpu.memory_space<hbm>>) dst(%dma_wait3A_451 : memref<128x64xf32, #tpu.memory_space<vmem>>)
    %dma_start3A_458 = arith.constant 15 : i32
    %dma_start3A_459 = arith.constant 1 : i32
    %dma_start3A_460 = arith.constant 0 : i32
    %dma_start3A_461 = arith.constant 0 : i32
    %dma_start3A_462 = tpu.memref_slice %arg6[%dma_start3A_459, %dma_start3A_460, %dma_start3A_461] : memref<2x128x64xf32, #tpu.memory_space<vmem>> -> memref<1x128x64xf32, #tpu.memory_space<vmem>>
    %dma_start3A_463 = tpu.memref_squeeze %dma_start3A_462 : memref<1x128x64xf32, #tpu.memory_space<vmem>> -> memref<128x64xf32, #tpu.memory_space<vmem>>
    %dma_start3A_464 = arith.constant 0 : i32
    %dma_start3A_465 = tpu.memref_slice %arg5[%dma_start3A_458, %dma_start3A_464] : memref<20x128xi32, #tpu.memory_space<vmem>> -> memref<1x128xi32, #tpu.memory_space<vmem>>
    %dma_start3A_466 = tpu.memref_squeeze %dma_start3A_465 : memref<1x128xi32, #tpu.memory_space<vmem>> -> memref<128xi32, #tpu.memory_space<vmem>>
    %dma_start3A_467 = arith.constant 0 : i32
    %dma_start3A_468 = arith.constant 0 : i32
    %dma_start3A_469 = tpu.memref_slice %arg3[%dma_start3A_467, %dma_start3A_468] : memref<100000x64xf32, #tpu.memory_space<hbm>> -> memref<100000x64xf32, #tpu.memory_space<hbm>>
    tpu.enqueue_indirect_dma source(%dma_start3A_469 : memref<100000x64xf32, #tpu.memory_space<hbm>>) target(%dma_start3A_463 : memref<128x64xf32, #tpu.memory_space<vmem>>) offsets(%dma_start3A_466 : memref<128xi32, #tpu.memory_space<vmem>>) semaphore(%arg8 : memref<!tpu.dma_semaphore, #tpu.memory_space<semaphore_mem>>)
    %scan3A_470 = arith.constant 0 : i32
    %scan3A_471 = arith.constant 0 : i32
    %scan3A_472 = arith.constant 128 : i32
    %scan3A_473 = arith.addi %scan3A_471, %scan3A_472 : i32
    %scan3A_474 = arith.constant 1 : i32
    %scan3A_475 = scf.for %scan3A_628 = %scan3A_471 to %scan3A_473 step %scan3A_474 iter_args(%scan3A_629 = %scan3A_470) -> (i32)  : i32 {
      %get3A = arith.index_cast %scan3A_628 : i32 to index
      %get3A_630 = arith.constant 0 : index
      %get3A_631 = tpu.vector_load %arg7[%get3A, %get3A_630] {strides = array<i32>} : memref<128x64xf32, #tpu.memory_space<vmem>>, vector<1x16xf32>,
      %get3A_632 = vector.shape_cast %get3A_631 : vector<1x16xf32> to vector<16xf32>
      %get3A_633 = arith.constant 0 : i32
      %get3A_634 = arith.index_cast %get3A_633 : i32 to index
      %get3A_635 = arith.index_cast %scan3A_628 : i32 to index
      %get3A_636 = arith.constant 0 : index
      %get3A_637 = tpu.vector_load %arg6[%get3A_634, %get3A_635, %get3A_636] {strides = array<i32>} : memref<2x128x64xf32, #tpu.memory_space<vmem>>, vector<1x1x16xf32>,
      %get3A_638 = vector.shape_cast %get3A_637 : vector<1x1x16xf32> to vector<16xf32>
      %add3A_639 = arith.addf %get3A_632, %get3A_638 : vector<16xf32>
      %swap3A = arith.index_cast %scan3A_628 : i32 to index
      %swap3A_640 = arith.constant 0 : index
      %swap3A_641 = tpu.vector_load %arg7[%swap3A, %swap3A_640] {strides = array<i32>} : memref<128x64xf32, #tpu.memory_space<vmem>>, vector<1x16xf32>,
      %swap3A_642 = vector.shape_cast %swap3A_641 : vector<1x16xf32> to vector<16xf32>
      %swap3A_643 = vector.shape_cast %add3A_639 : vector<16xf32> to vector<1x16xf32>
      tpu.vector_store %arg7[%swap3A, %swap3A_640], %swap3A_643 {strides = array<i32>} : memref<128x64xf32, #tpu.memory_space<vmem>>, vector<1x16xf32>,
      %get3A_644 = arith.index_cast %scan3A_628 : i32 to index
      %get3A_645 = arith.constant 16 : index
      %get3A_646 = tpu.vector_load %arg7[%get3A_644, %get3A_645] {strides = array<i32>} : memref<128x64xf32, #tpu.memory_space<vmem>>, vector<1x16xf32>,
      %get3A_647 = vector.shape_cast %get3A_646 : vector<1x16xf32> to vector<16xf32>
      %get3A_648 = arith.constant 0 : i32
      %get3A_649 = arith.index_cast %get3A_648 : i32 to index
      %get3A_650 = arith.index_cast %scan3A_628 : i32 to index
      %get3A_651 = arith.constant 16 : index
      %get3A_652 = tpu.vector_load %arg6[%get3A_649, %get3A_650, %get3A_651] {strides = array<i32>} : memref<2x128x64xf32, #tpu.memory_space<vmem>>, vector<1x1x16xf32>,
      %get3A_653 = vector.shape_cast %get3A_652 : vector<1x1x16xf32> to vector<16xf32>
      %add3A_654 = arith.addf %get3A_647, %get3A_653 : vector<16xf32>
      %swap3A_655 = arith.index_cast %scan3A_628 : i32 to index
      %swap3A_656 = arith.constant 16 : index
      %swap3A_657 = tpu.vector_load %arg7[%swap3A_655, %swap3A_656] {strides = array<i32>} : memref<128x64xf32, #tpu.memory_space<vmem>>, vector<1x16xf32>,
      %swap3A_658 = vector.shape_cast %swap3A_657 : vector<1x16xf32> to vector<16xf32>
      %swap3A_659 = vector.shape_cast %add3A_654 : vector<16xf32> to vector<1x16xf32>
      tpu.vector_store %arg7[%swap3A_655, %swap3A_656], %swap3A_659 {strides = array<i32>} : memref<128x64xf32, #tpu.memory_space<vmem>>, vector<1x16xf32>,
      %get3A_660 = arith.index_cast %scan3A_628 : i32 to index
      %get3A_661 = arith.constant 32 : index
      %get3A_662 = tpu.vector_load %arg7[%get3A_660, %get3A_661] {strides = array<i32>} : memref<128x64xf32, #tpu.memory_space<vmem>>, vector<1x16xf32>,
      %get3A_663 = vector.shape_cast %get3A_662 : vector<1x16xf32> to vector<16xf32>
      %get3A_664 = arith.constant 0 : i32
      %get3A_665 = arith.index_cast %get3A_664 : i32 to index
      %get3A_666 = arith.index_cast %scan3A_628 : i32 to index
      %get3A_667 = arith.constant 32 : index
      %get3A_668 = tpu.vector_load %arg6[%get3A_665, %get3A_666, %get3A_667] {strides = array<i32>} : memref<2x128x64xf32, #tpu.memory_space<vmem>>, vector<1x1x16xf32>,
      %get3A_669 = vector.shape_cast %get3A_668 : vector<1x1x16xf32> to vector<16xf32>
      %add3A_670 = arith.addf %get3A_663, %get3A_669 : vector<16xf32>
      %swap3A_671 = arith.index_cast %scan3A_628 : i32 to index
      %swap3A_672 = arith.constant 32 : index
      %swap3A_673 = tpu.vector_load %arg7[%swap3A_671, %swap3A_672] {strides = array<i32>} : memref<128x64xf32, #tpu.memory_space<vmem>>, vector<1x16xf32>,
      %swap3A_674 = vector.shape_cast %swap3A_673 : vector<1x16xf32> to vector<16xf32>
      %swap3A_675 = vector.shape_cast %add3A_670 : vector<16xf32> to vector<1x16xf32>
      tpu.vector_store %arg7[%swap3A_671, %swap3A_672], %swap3A_675 {strides = array<i32>} : memref<128x64xf32, #tpu.memory_space<vmem>>, vector<1x16xf32>,
      %get3A_676 = arith.index_cast %scan3A_628 : i32 to index
      %get3A_677 = arith.constant 48 : index
      %get3A_678 = tpu.vector_load %arg7[%get3A_676, %get3A_677] {strides = array<i32>} : memref<128x64xf32, #tpu.memory_space<vmem>>, vector<1x16xf32>,
      %get3A_679 = vector.shape_cast %get3A_678 : vector<1x16xf32> to vector<16xf32>
      %get3A_680 = arith.constant 0 : i32
      %get3A_681 = arith.index_cast %get3A_680 : i32 to index
      %get3A_682 = arith.index_cast %scan3A_628 : i32 to index
      %get3A_683 = arith.constant 48 : index
      %get3A_684 = tpu.vector_load %arg6[%get3A_681, %get3A_682, %get3A_683] {strides = array<i32>} : memref<2x128x64xf32, #tpu.memory_space<vmem>>, vector<1x1x16xf32>,
      %get3A_685 = vector.shape_cast %get3A_684 : vector<1x1x16xf32> to vector<16xf32>
      %add3A_686 = arith.addf %get3A_679, %get3A_685 : vector<16xf32>
      %swap3A_687 = arith.index_cast %scan3A_628 : i32 to index
      %swap3A_688 = arith.constant 48 : index
      %swap3A_689 = tpu.vector_load %arg7[%swap3A_687, %swap3A_688] {strides = array<i32>} : memref<128x64xf32, #tpu.memory_space<vmem>>, vector<1x16xf32>,
      %swap3A_690 = vector.shape_cast %swap3A_689 : vector<1x16xf32> to vector<16xf32>
      %swap3A_691 = vector.shape_cast %add3A_686 : vector<16xf32> to vector<1x16xf32>
      tpu.vector_store %arg7[%swap3A_687, %swap3A_688], %swap3A_691 {strides = array<i32>} : memref<128x64xf32, #tpu.memory_space<vmem>>, vector<1x16xf32>,
      %scan3A_692 = arith.constant 0 : i32
      scf.yield %scan3A_692 : i32
    }
    %scan3A_476 = arith.constant 128 : i32
    %dma_wait3A_477 = arith.constant 15 : i32
    %dma_wait3A_478 = arith.constant 1 : i32
    %dma_wait3A_479 = arith.constant 0 : i32
    %dma_wait3A_480 = arith.constant 0 : i32
    %dma_wait3A_481 = tpu.memref_slice %arg6[%dma_wait3A_478, %dma_wait3A_479, %dma_wait3A_480] : memref<2x128x64xf32, #tpu.memory_space<vmem>> -> memref<1x128x64xf32, #tpu.memory_space<vmem>>
    %dma_wait3A_482 = tpu.memref_squeeze %dma_wait3A_481 : memref<1x128x64xf32, #tpu.memory_space<vmem>> -> memref<128x64xf32, #tpu.memory_space<vmem>>
    %dma_wait3A_483 = arith.constant 0 : i32
    %dma_wait3A_484 = tpu.memref_slice %arg5[%dma_wait3A_477, %dma_wait3A_483] : memref<20x128xi32, #tpu.memory_space<vmem>> -> memref<1x128xi32, #tpu.memory_space<vmem>>
    %dma_wait3A_485 = tpu.memref_squeeze %dma_wait3A_484 : memref<1x128xi32, #tpu.memory_space<vmem>> -> memref<128xi32, #tpu.memory_space<vmem>>
    %dma_wait3A_486 = arith.constant 0 : i32
    %dma_wait3A_487 = arith.constant 0 : i32
    %dma_wait3A_488 = tpu.memref_slice %arg3[%dma_wait3A_486, %dma_wait3A_487] : memref<100000x64xf32, #tpu.memory_space<hbm>> -> memref<100000x64xf32, #tpu.memory_space<hbm>>
    tpu.wait_indirect_dma semaphore(%arg8 : memref<!tpu.dma_semaphore, #tpu.memory_space<semaphore_mem>>) src(%dma_wait3A_488 : memref<100000x64xf32, #tpu.memory_space<hbm>>) dst(%dma_wait3A_482 : memref<128x64xf32, #tpu.memory_space<vmem>>)
    %dma_start3A_489 = arith.constant 16 : i32
    %dma_start3A_490 = arith.constant 0 : i32
    %dma_start3A_491 = arith.constant 0 : i32
    %dma_start3A_492 = arith.constant 0 : i32
    %dma_start3A_493 = tpu.memref_slice %arg6[%dma_start3A_490, %dma_start3A_491, %dma_start3A_492] : memref<2x128x64xf32, #tpu.memory_space<vmem>> -> memref<1x128x64xf32, #tpu.memory_space<vmem>>
    %dma_start3A_494 = tpu.memref_squeeze %dma_start3A_493 : memref<1x128x64xf32, #tpu.memory_space<vmem>> -> memref<128x64xf32, #tpu.memory_space<vmem>>
    %dma_start3A_495 = arith.constant 0 : i32
    %dma_start3A_496 = tpu.memref_slice %arg5[%dma_start3A_489, %dma_start3A_495] : memref<20x128xi32, #tpu.memory_space<vmem>> -> memref<1x128xi32, #tpu.memory_space<vmem>>
    %dma_start3A_497 = tpu.memref_squeeze %dma_start3A_496 : memref<1x128xi32, #tpu.memory_space<vmem>> -> memref<128xi32, #tpu.memory_space<vmem>>
    %dma_start3A_498 = arith.constant 0 : i32
    %dma_start3A_499 = arith.constant 0 : i32
    %dma_start3A_500 = tpu.memref_slice %arg3[%dma_start3A_498, %dma_start3A_499] : memref<100000x64xf32, #tpu.memory_space<hbm>> -> memref<100000x64xf32, #tpu.memory_space<hbm>>
    tpu.enqueue_indirect_dma source(%dma_start3A_500 : memref<100000x64xf32, #tpu.memory_space<hbm>>) target(%dma_start3A_494 : memref<128x64xf32, #tpu.memory_space<vmem>>) offsets(%dma_start3A_497 : memref<128xi32, #tpu.memory_space<vmem>>) semaphore(%arg8 : memref<!tpu.dma_semaphore, #tpu.memory_space<semaphore_mem>>)
    %scan3A_501 = arith.constant 0 : i32
    %scan3A_502 = arith.constant 0 : i32
    %scan3A_503 = arith.constant 128 : i32
    %scan3A_504 = arith.addi %scan3A_502, %scan3A_503 : i32
    %scan3A_505 = arith.constant 1 : i32
    %scan3A_506 = scf.for %scan3A_628 = %scan3A_502 to %scan3A_504 step %scan3A_505 iter_args(%scan3A_629 = %scan3A_501) -> (i32)  : i32 {
      %get3A = arith.index_cast %scan3A_628 : i32 to index
      %get3A_630 = arith.constant 0 : index
      %get3A_631 = tpu.vector_load %arg7[%get3A, %get3A_630] {strides = array<i32>} : memref<128x64xf32, #tpu.memory_space<vmem>>, vector<1x16xf32>,
      %get3A_632 = vector.shape_cast %get3A_631 : vector<1x16xf32> to vector<16xf32>
      %get3A_633 = arith.constant 1 : i32
      %get3A_634 = arith.index_cast %get3A_633 : i32 to index
      %get3A_635 = arith.index_cast %scan3A_628 : i32 to index
      %get3A_636 = arith.constant 0 : index
      %get3A_637 = tpu.vector_load %arg6[%get3A_634, %get3A_635, %get3A_636] {strides = array<i32>} : memref<2x128x64xf32, #tpu.memory_space<vmem>>, vector<1x1x16xf32>,
      %get3A_638 = vector.shape_cast %get3A_637 : vector<1x1x16xf32> to vector<16xf32>
      %add3A_639 = arith.addf %get3A_632, %get3A_638 : vector<16xf32>
      %swap3A = arith.index_cast %scan3A_628 : i32 to index
      %swap3A_640 = arith.constant 0 : index
      %swap3A_641 = tpu.vector_load %arg7[%swap3A, %swap3A_640] {strides = array<i32>} : memref<128x64xf32, #tpu.memory_space<vmem>>, vector<1x16xf32>,
      %swap3A_642 = vector.shape_cast %swap3A_641 : vector<1x16xf32> to vector<16xf32>
      %swap3A_643 = vector.shape_cast %add3A_639 : vector<16xf32> to vector<1x16xf32>
      tpu.vector_store %arg7[%swap3A, %swap3A_640], %swap3A_643 {strides = array<i32>} : memref<128x64xf32, #tpu.memory_space<vmem>>, vector<1x16xf32>,
      %get3A_644 = arith.index_cast %scan3A_628 : i32 to index
      %get3A_645 = arith.constant 16 : index
      %get3A_646 = tpu.vector_load %arg7[%get3A_644, %get3A_645] {strides = array<i32>} : memref<128x64xf32, #tpu.memory_space<vmem>>, vector<1x16xf32>,
      %get3A_647 = vector.shape_cast %get3A_646 : vector<1x16xf32> to vector<16xf32>
      %get3A_648 = arith.constant 1 : i32
      %get3A_649 = arith.index_cast %get3A_648 : i32 to index
      %get3A_650 = arith.index_cast %scan3A_628 : i32 to index
      %get3A_651 = arith.constant 16 : index
      %get3A_652 = tpu.vector_load %arg6[%get3A_649, %get3A_650, %get3A_651] {strides = array<i32>} : memref<2x128x64xf32, #tpu.memory_space<vmem>>, vector<1x1x16xf32>,
      %get3A_653 = vector.shape_cast %get3A_652 : vector<1x1x16xf32> to vector<16xf32>
      %add3A_654 = arith.addf %get3A_647, %get3A_653 : vector<16xf32>
      %swap3A_655 = arith.index_cast %scan3A_628 : i32 to index
      %swap3A_656 = arith.constant 16 : index
      %swap3A_657 = tpu.vector_load %arg7[%swap3A_655, %swap3A_656] {strides = array<i32>} : memref<128x64xf32, #tpu.memory_space<vmem>>, vector<1x16xf32>,
      %swap3A_658 = vector.shape_cast %swap3A_657 : vector<1x16xf32> to vector<16xf32>
      %swap3A_659 = vector.shape_cast %add3A_654 : vector<16xf32> to vector<1x16xf32>
      tpu.vector_store %arg7[%swap3A_655, %swap3A_656], %swap3A_659 {strides = array<i32>} : memref<128x64xf32, #tpu.memory_space<vmem>>, vector<1x16xf32>,
      %get3A_660 = arith.index_cast %scan3A_628 : i32 to index
      %get3A_661 = arith.constant 32 : index
      %get3A_662 = tpu.vector_load %arg7[%get3A_660, %get3A_661] {strides = array<i32>} : memref<128x64xf32, #tpu.memory_space<vmem>>, vector<1x16xf32>,
      %get3A_663 = vector.shape_cast %get3A_662 : vector<1x16xf32> to vector<16xf32>
      %get3A_664 = arith.constant 1 : i32
      %get3A_665 = arith.index_cast %get3A_664 : i32 to index
      %get3A_666 = arith.index_cast %scan3A_628 : i32 to index
      %get3A_667 = arith.constant 32 : index
      %get3A_668 = tpu.vector_load %arg6[%get3A_665, %get3A_666, %get3A_667] {strides = array<i32>} : memref<2x128x64xf32, #tpu.memory_space<vmem>>, vector<1x1x16xf32>,
      %get3A_669 = vector.shape_cast %get3A_668 : vector<1x1x16xf32> to vector<16xf32>
      %add3A_670 = arith.addf %get3A_663, %get3A_669 : vector<16xf32>
      %swap3A_671 = arith.index_cast %scan3A_628 : i32 to index
      %swap3A_672 = arith.constant 32 : index
      %swap3A_673 = tpu.vector_load %arg7[%swap3A_671, %swap3A_672] {strides = array<i32>} : memref<128x64xf32, #tpu.memory_space<vmem>>, vector<1x16xf32>,
      %swap3A_674 = vector.shape_cast %swap3A_673 : vector<1x16xf32> to vector<16xf32>
      %swap3A_675 = vector.shape_cast %add3A_670 : vector<16xf32> to vector<1x16xf32>
      tpu.vector_store %arg7[%swap3A_671, %swap3A_672], %swap3A_675 {strides = array<i32>} : memref<128x64xf32, #tpu.memory_space<vmem>>, vector<1x16xf32>,
      %get3A_676 = arith.index_cast %scan3A_628 : i32 to index
      %get3A_677 = arith.constant 48 : index
      %get3A_678 = tpu.vector_load %arg7[%get3A_676, %get3A_677] {strides = array<i32>} : memref<128x64xf32, #tpu.memory_space<vmem>>, vector<1x16xf32>,
      %get3A_679 = vector.shape_cast %get3A_678 : vector<1x16xf32> to vector<16xf32>
      %get3A_680 = arith.constant 1 : i32
      %get3A_681 = arith.index_cast %get3A_680 : i32 to index
      %get3A_682 = arith.index_cast %scan3A_628 : i32 to index
      %get3A_683 = arith.constant 48 : index
      %get3A_684 = tpu.vector_load %arg6[%get3A_681, %get3A_682, %get3A_683] {strides = array<i32>} : memref<2x128x64xf32, #tpu.memory_space<vmem>>, vector<1x1x16xf32>,
      %get3A_685 = vector.shape_cast %get3A_684 : vector<1x1x16xf32> to vector<16xf32>
      %add3A_686 = arith.addf %get3A_679, %get3A_685 : vector<16xf32>
      %swap3A_687 = arith.index_cast %scan3A_628 : i32 to index
      %swap3A_688 = arith.constant 48 : index
      %swap3A_689 = tpu.vector_load %arg7[%swap3A_687, %swap3A_688] {strides = array<i32>} : memref<128x64xf32, #tpu.memory_space<vmem>>, vector<1x16xf32>,
      %swap3A_690 = vector.shape_cast %swap3A_689 : vector<1x16xf32> to vector<16xf32>
      %swap3A_691 = vector.shape_cast %add3A_686 : vector<16xf32> to vector<1x16xf32>
      tpu.vector_store %arg7[%swap3A_687, %swap3A_688], %swap3A_691 {strides = array<i32>} : memref<128x64xf32, #tpu.memory_space<vmem>>, vector<1x16xf32>,
      %scan3A_692 = arith.constant 0 : i32
      scf.yield %scan3A_692 : i32
    }
    %scan3A_507 = arith.constant 128 : i32
    %dma_wait3A_508 = arith.constant 16 : i32
    %dma_wait3A_509 = arith.constant 0 : i32
    %dma_wait3A_510 = arith.constant 0 : i32
    %dma_wait3A_511 = arith.constant 0 : i32
    %dma_wait3A_512 = tpu.memref_slice %arg6[%dma_wait3A_509, %dma_wait3A_510, %dma_wait3A_511] : memref<2x128x64xf32, #tpu.memory_space<vmem>> -> memref<1x128x64xf32, #tpu.memory_space<vmem>>
    %dma_wait3A_513 = tpu.memref_squeeze %dma_wait3A_512 : memref<1x128x64xf32, #tpu.memory_space<vmem>> -> memref<128x64xf32, #tpu.memory_space<vmem>>
    %dma_wait3A_514 = arith.constant 0 : i32
    %dma_wait3A_515 = tpu.memref_slice %arg5[%dma_wait3A_508, %dma_wait3A_514] : memref<20x128xi32, #tpu.memory_space<vmem>> -> memref<1x128xi32, #tpu.memory_space<vmem>>
    %dma_wait3A_516 = tpu.memref_squeeze %dma_wait3A_515 : memref<1x128xi32, #tpu.memory_space<vmem>> -> memref<128xi32, #tpu.memory_space<vmem>>
    %dma_wait3A_517 = arith.constant 0 : i32
    %dma_wait3A_518 = arith.constant 0 : i32
    %dma_wait3A_519 = tpu.memref_slice %arg3[%dma_wait3A_517, %dma_wait3A_518] : memref<100000x64xf32, #tpu.memory_space<hbm>> -> memref<100000x64xf32, #tpu.memory_space<hbm>>
    tpu.wait_indirect_dma semaphore(%arg8 : memref<!tpu.dma_semaphore, #tpu.memory_space<semaphore_mem>>) src(%dma_wait3A_519 : memref<100000x64xf32, #tpu.memory_space<hbm>>) dst(%dma_wait3A_513 : memref<128x64xf32, #tpu.memory_space<vmem>>)
    %dma_start3A_520 = arith.constant 17 : i32
    %dma_start3A_521 = arith.constant 1 : i32
    %dma_start3A_522 = arith.constant 0 : i32
    %dma_start3A_523 = arith.constant 0 : i32
    %dma_start3A_524 = tpu.memref_slice %arg6[%dma_start3A_521, %dma_start3A_522, %dma_start3A_523] : memref<2x128x64xf32, #tpu.memory_space<vmem>> -> memref<1x128x64xf32, #tpu.memory_space<vmem>>
    %dma_start3A_525 = tpu.memref_squeeze %dma_start3A_524 : memref<1x128x64xf32, #tpu.memory_space<vmem>> -> memref<128x64xf32, #tpu.memory_space<vmem>>
    %dma_start3A_526 = arith.constant 0 : i32
    %dma_start3A_527 = tpu.memref_slice %arg5[%dma_start3A_520, %dma_start3A_526] : memref<20x128xi32, #tpu.memory_space<vmem>> -> memref<1x128xi32, #tpu.memory_space<vmem>>
    %dma_start3A_528 = tpu.memref_squeeze %dma_start3A_527 : memref<1x128xi32, #tpu.memory_space<vmem>> -> memref<128xi32, #tpu.memory_space<vmem>>
    %dma_start3A_529 = arith.constant 0 : i32
    %dma_start3A_530 = arith.constant 0 : i32
    %dma_start3A_531 = tpu.memref_slice %arg3[%dma_start3A_529, %dma_start3A_530] : memref<100000x64xf32, #tpu.memory_space<hbm>> -> memref<100000x64xf32, #tpu.memory_space<hbm>>
    tpu.enqueue_indirect_dma source(%dma_start3A_531 : memref<100000x64xf32, #tpu.memory_space<hbm>>) target(%dma_start3A_525 : memref<128x64xf32, #tpu.memory_space<vmem>>) offsets(%dma_start3A_528 : memref<128xi32, #tpu.memory_space<vmem>>) semaphore(%arg8 : memref<!tpu.dma_semaphore, #tpu.memory_space<semaphore_mem>>)
    %scan3A_532 = arith.constant 0 : i32
    %scan3A_533 = arith.constant 0 : i32
    %scan3A_534 = arith.constant 128 : i32
    %scan3A_535 = arith.addi %scan3A_533, %scan3A_534 : i32
    %scan3A_536 = arith.constant 1 : i32
    %scan3A_537 = scf.for %scan3A_628 = %scan3A_533 to %scan3A_535 step %scan3A_536 iter_args(%scan3A_629 = %scan3A_532) -> (i32)  : i32 {
      %get3A = arith.index_cast %scan3A_628 : i32 to index
      %get3A_630 = arith.constant 0 : index
      %get3A_631 = tpu.vector_load %arg7[%get3A, %get3A_630] {strides = array<i32>} : memref<128x64xf32, #tpu.memory_space<vmem>>, vector<1x16xf32>,
      %get3A_632 = vector.shape_cast %get3A_631 : vector<1x16xf32> to vector<16xf32>
      %get3A_633 = arith.constant 0 : i32
      %get3A_634 = arith.index_cast %get3A_633 : i32 to index
      %get3A_635 = arith.index_cast %scan3A_628 : i32 to index
      %get3A_636 = arith.constant 0 : index
      %get3A_637 = tpu.vector_load %arg6[%get3A_634, %get3A_635, %get3A_636] {strides = array<i32>} : memref<2x128x64xf32, #tpu.memory_space<vmem>>, vector<1x1x16xf32>,
      %get3A_638 = vector.shape_cast %get3A_637 : vector<1x1x16xf32> to vector<16xf32>
      %add3A_639 = arith.addf %get3A_632, %get3A_638 : vector<16xf32>
      %swap3A = arith.index_cast %scan3A_628 : i32 to index
      %swap3A_640 = arith.constant 0 : index
      %swap3A_641 = tpu.vector_load %arg7[%swap3A, %swap3A_640] {strides = array<i32>} : memref<128x64xf32, #tpu.memory_space<vmem>>, vector<1x16xf32>,
      %swap3A_642 = vector.shape_cast %swap3A_641 : vector<1x16xf32> to vector<16xf32>
      %swap3A_643 = vector.shape_cast %add3A_639 : vector<16xf32> to vector<1x16xf32>
      tpu.vector_store %arg7[%swap3A, %swap3A_640], %swap3A_643 {strides = array<i32>} : memref<128x64xf32, #tpu.memory_space<vmem>>, vector<1x16xf32>,
      %get3A_644 = arith.index_cast %scan3A_628 : i32 to index
      %get3A_645 = arith.constant 16 : index
      %get3A_646 = tpu.vector_load %arg7[%get3A_644, %get3A_645] {strides = array<i32>} : memref<128x64xf32, #tpu.memory_space<vmem>>, vector<1x16xf32>,
      %get3A_647 = vector.shape_cast %get3A_646 : vector<1x16xf32> to vector<16xf32>
      %get3A_648 = arith.constant 0 : i32
      %get3A_649 = arith.index_cast %get3A_648 : i32 to index
      %get3A_650 = arith.index_cast %scan3A_628 : i32 to index
      %get3A_651 = arith.constant 16 : index
      %get3A_652 = tpu.vector_load %arg6[%get3A_649, %get3A_650, %get3A_651] {strides = array<i32>} : memref<2x128x64xf32, #tpu.memory_space<vmem>>, vector<1x1x16xf32>,
      %get3A_653 = vector.shape_cast %get3A_652 : vector<1x1x16xf32> to vector<16xf32>
      %add3A_654 = arith.addf %get3A_647, %get3A_653 : vector<16xf32>
      %swap3A_655 = arith.index_cast %scan3A_628 : i32 to index
      %swap3A_656 = arith.constant 16 : index
      %swap3A_657 = tpu.vector_load %arg7[%swap3A_655, %swap3A_656] {strides = array<i32>} : memref<128x64xf32, #tpu.memory_space<vmem>>, vector<1x16xf32>,
      %swap3A_658 = vector.shape_cast %swap3A_657 : vector<1x16xf32> to vector<16xf32>
      %swap3A_659 = vector.shape_cast %add3A_654 : vector<16xf32> to vector<1x16xf32>
      tpu.vector_store %arg7[%swap3A_655, %swap3A_656], %swap3A_659 {strides = array<i32>} : memref<128x64xf32, #tpu.memory_space<vmem>>, vector<1x16xf32>,
      %get3A_660 = arith.index_cast %scan3A_628 : i32 to index
      %get3A_661 = arith.constant 32 : index
      %get3A_662 = tpu.vector_load %arg7[%get3A_660, %get3A_661] {strides = array<i32>} : memref<128x64xf32, #tpu.memory_space<vmem>>, vector<1x16xf32>,
      %get3A_663 = vector.shape_cast %get3A_662 : vector<1x16xf32> to vector<16xf32>
      %get3A_664 = arith.constant 0 : i32
      %get3A_665 = arith.index_cast %get3A_664 : i32 to index
      %get3A_666 = arith.index_cast %scan3A_628 : i32 to index
      %get3A_667 = arith.constant 32 : index
      %get3A_668 = tpu.vector_load %arg6[%get3A_665, %get3A_666, %get3A_667] {strides = array<i32>} : memref<2x128x64xf32, #tpu.memory_space<vmem>>, vector<1x1x16xf32>,
      %get3A_669 = vector.shape_cast %get3A_668 : vector<1x1x16xf32> to vector<16xf32>
      %add3A_670 = arith.addf %get3A_663, %get3A_669 : vector<16xf32>
      %swap3A_671 = arith.index_cast %scan3A_628 : i32 to index
      %swap3A_672 = arith.constant 32 : index
      %swap3A_673 = tpu.vector_load %arg7[%swap3A_671, %swap3A_672] {strides = array<i32>} : memref<128x64xf32, #tpu.memory_space<vmem>>, vector<1x16xf32>,
      %swap3A_674 = vector.shape_cast %swap3A_673 : vector<1x16xf32> to vector<16xf32>
      %swap3A_675 = vector.shape_cast %add3A_670 : vector<16xf32> to vector<1x16xf32>
      tpu.vector_store %arg7[%swap3A_671, %swap3A_672], %swap3A_675 {strides = array<i32>} : memref<128x64xf32, #tpu.memory_space<vmem>>, vector<1x16xf32>,
      %get3A_676 = arith.index_cast %scan3A_628 : i32 to index
      %get3A_677 = arith.constant 48 : index
      %get3A_678 = tpu.vector_load %arg7[%get3A_676, %get3A_677] {strides = array<i32>} : memref<128x64xf32, #tpu.memory_space<vmem>>, vector<1x16xf32>,
      %get3A_679 = vector.shape_cast %get3A_678 : vector<1x16xf32> to vector<16xf32>
      %get3A_680 = arith.constant 0 : i32
      %get3A_681 = arith.index_cast %get3A_680 : i32 to index
      %get3A_682 = arith.index_cast %scan3A_628 : i32 to index
      %get3A_683 = arith.constant 48 : index
      %get3A_684 = tpu.vector_load %arg6[%get3A_681, %get3A_682, %get3A_683] {strides = array<i32>} : memref<2x128x64xf32, #tpu.memory_space<vmem>>, vector<1x1x16xf32>,
      %get3A_685 = vector.shape_cast %get3A_684 : vector<1x1x16xf32> to vector<16xf32>
      %add3A_686 = arith.addf %get3A_679, %get3A_685 : vector<16xf32>
      %swap3A_687 = arith.index_cast %scan3A_628 : i32 to index
      %swap3A_688 = arith.constant 48 : index
      %swap3A_689 = tpu.vector_load %arg7[%swap3A_687, %swap3A_688] {strides = array<i32>} : memref<128x64xf32, #tpu.memory_space<vmem>>, vector<1x16xf32>,
      %swap3A_690 = vector.shape_cast %swap3A_689 : vector<1x16xf32> to vector<16xf32>
      %swap3A_691 = vector.shape_cast %add3A_686 : vector<16xf32> to vector<1x16xf32>
      tpu.vector_store %arg7[%swap3A_687, %swap3A_688], %swap3A_691 {strides = array<i32>} : memref<128x64xf32, #tpu.memory_space<vmem>>, vector<1x16xf32>,
      %scan3A_692 = arith.constant 0 : i32
      scf.yield %scan3A_692 : i32
    }
    %scan3A_538 = arith.constant 128 : i32
    %dma_wait3A_539 = arith.constant 17 : i32
    %dma_wait3A_540 = arith.constant 1 : i32
    %dma_wait3A_541 = arith.constant 0 : i32
    %dma_wait3A_542 = arith.constant 0 : i32
    %dma_wait3A_543 = tpu.memref_slice %arg6[%dma_wait3A_540, %dma_wait3A_541, %dma_wait3A_542] : memref<2x128x64xf32, #tpu.memory_space<vmem>> -> memref<1x128x64xf32, #tpu.memory_space<vmem>>
    %dma_wait3A_544 = tpu.memref_squeeze %dma_wait3A_543 : memref<1x128x64xf32, #tpu.memory_space<vmem>> -> memref<128x64xf32, #tpu.memory_space<vmem>>
    %dma_wait3A_545 = arith.constant 0 : i32
    %dma_wait3A_546 = tpu.memref_slice %arg5[%dma_wait3A_539, %dma_wait3A_545] : memref<20x128xi32, #tpu.memory_space<vmem>> -> memref<1x128xi32, #tpu.memory_space<vmem>>
    %dma_wait3A_547 = tpu.memref_squeeze %dma_wait3A_546 : memref<1x128xi32, #tpu.memory_space<vmem>> -> memref<128xi32, #tpu.memory_space<vmem>>
    %dma_wait3A_548 = arith.constant 0 : i32
    %dma_wait3A_549 = arith.constant 0 : i32
    %dma_wait3A_550 = tpu.memref_slice %arg3[%dma_wait3A_548, %dma_wait3A_549] : memref<100000x64xf32, #tpu.memory_space<hbm>> -> memref<100000x64xf32, #tpu.memory_space<hbm>>
    tpu.wait_indirect_dma semaphore(%arg8 : memref<!tpu.dma_semaphore, #tpu.memory_space<semaphore_mem>>) src(%dma_wait3A_550 : memref<100000x64xf32, #tpu.memory_space<hbm>>) dst(%dma_wait3A_544 : memref<128x64xf32, #tpu.memory_space<vmem>>)
    %dma_start3A_551 = arith.constant 18 : i32
    %dma_start3A_552 = arith.constant 0 : i32
    %dma_start3A_553 = arith.constant 0 : i32
    %dma_start3A_554 = arith.constant 0 : i32
    %dma_start3A_555 = tpu.memref_slice %arg6[%dma_start3A_552, %dma_start3A_553, %dma_start3A_554] : memref<2x128x64xf32, #tpu.memory_space<vmem>> -> memref<1x128x64xf32, #tpu.memory_space<vmem>>
    %dma_start3A_556 = tpu.memref_squeeze %dma_start3A_555 : memref<1x128x64xf32, #tpu.memory_space<vmem>> -> memref<128x64xf32, #tpu.memory_space<vmem>>
    %dma_start3A_557 = arith.constant 0 : i32
    %dma_start3A_558 = tpu.memref_slice %arg5[%dma_start3A_551, %dma_start3A_557] : memref<20x128xi32, #tpu.memory_space<vmem>> -> memref<1x128xi32, #tpu.memory_space<vmem>>
    %dma_start3A_559 = tpu.memref_squeeze %dma_start3A_558 : memref<1x128xi32, #tpu.memory_space<vmem>> -> memref<128xi32, #tpu.memory_space<vmem>>
    %dma_start3A_560 = arith.constant 0 : i32
    %dma_start3A_561 = arith.constant 0 : i32
    %dma_start3A_562 = tpu.memref_slice %arg3[%dma_start3A_560, %dma_start3A_561] : memref<100000x64xf32, #tpu.memory_space<hbm>> -> memref<100000x64xf32, #tpu.memory_space<hbm>>
    tpu.enqueue_indirect_dma source(%dma_start3A_562 : memref<100000x64xf32, #tpu.memory_space<hbm>>) target(%dma_start3A_556 : memref<128x64xf32, #tpu.memory_space<vmem>>) offsets(%dma_start3A_559 : memref<128xi32, #tpu.memory_space<vmem>>) semaphore(%arg8 : memref<!tpu.dma_semaphore, #tpu.memory_space<semaphore_mem>>)
    %scan3A_563 = arith.constant 0 : i32
    %scan3A_564 = arith.constant 0 : i32
    %scan3A_565 = arith.constant 128 : i32
    %scan3A_566 = arith.addi %scan3A_564, %scan3A_565 : i32
    %scan3A_567 = arith.constant 1 : i32
    %scan3A_568 = scf.for %scan3A_628 = %scan3A_564 to %scan3A_566 step %scan3A_567 iter_args(%scan3A_629 = %scan3A_563) -> (i32)  : i32 {
      %get3A = arith.index_cast %scan3A_628 : i32 to index
      %get3A_630 = arith.constant 0 : index
      %get3A_631 = tpu.vector_load %arg7[%get3A, %get3A_630] {strides = array<i32>} : memref<128x64xf32, #tpu.memory_space<vmem>>, vector<1x16xf32>,
      %get3A_632 = vector.shape_cast %get3A_631 : vector<1x16xf32> to vector<16xf32>
      %get3A_633 = arith.constant 1 : i32
      %get3A_634 = arith.index_cast %get3A_633 : i32 to index
      %get3A_635 = arith.index_cast %scan3A_628 : i32 to index
      %get3A_636 = arith.constant 0 : index
      %get3A_637 = tpu.vector_load %arg6[%get3A_634, %get3A_635, %get3A_636] {strides = array<i32>} : memref<2x128x64xf32, #tpu.memory_space<vmem>>, vector<1x1x16xf32>,
      %get3A_638 = vector.shape_cast %get3A_637 : vector<1x1x16xf32> to vector<16xf32>
      %add3A_639 = arith.addf %get3A_632, %get3A_638 : vector<16xf32>
      %swap3A = arith.index_cast %scan3A_628 : i32 to index
      %swap3A_640 = arith.constant 0 : index
      %swap3A_641 = tpu.vector_load %arg7[%swap3A, %swap3A_640] {strides = array<i32>} : memref<128x64xf32, #tpu.memory_space<vmem>>, vector<1x16xf32>,
      %swap3A_642 = vector.shape_cast %swap3A_641 : vector<1x16xf32> to vector<16xf32>
      %swap3A_643 = vector.shape_cast %add3A_639 : vector<16xf32> to vector<1x16xf32>
      tpu.vector_store %arg7[%swap3A, %swap3A_640], %swap3A_643 {strides = array<i32>} : memref<128x64xf32, #tpu.memory_space<vmem>>, vector<1x16xf32>,
      %get3A_644 = arith.index_cast %scan3A_628 : i32 to index
      %get3A_645 = arith.constant 16 : index
      %get3A_646 = tpu.vector_load %arg7[%get3A_644, %get3A_645] {strides = array<i32>} : memref<128x64xf32, #tpu.memory_space<vmem>>, vector<1x16xf32>,
      %get3A_647 = vector.shape_cast %get3A_646 : vector<1x16xf32> to vector<16xf32>
      %get3A_648 = arith.constant 1 : i32
      %get3A_649 = arith.index_cast %get3A_648 : i32 to index
      %get3A_650 = arith.index_cast %scan3A_628 : i32 to index
      %get3A_651 = arith.constant 16 : index
      %get3A_652 = tpu.vector_load %arg6[%get3A_649, %get3A_650, %get3A_651] {strides = array<i32>} : memref<2x128x64xf32, #tpu.memory_space<vmem>>, vector<1x1x16xf32>,
      %get3A_653 = vector.shape_cast %get3A_652 : vector<1x1x16xf32> to vector<16xf32>
      %add3A_654 = arith.addf %get3A_647, %get3A_653 : vector<16xf32>
      %swap3A_655 = arith.index_cast %scan3A_628 : i32 to index
      %swap3A_656 = arith.constant 16 : index
      %swap3A_657 = tpu.vector_load %arg7[%swap3A_655, %swap3A_656] {strides = array<i32>} : memref<128x64xf32, #tpu.memory_space<vmem>>, vector<1x16xf32>,
      %swap3A_658 = vector.shape_cast %swap3A_657 : vector<1x16xf32> to vector<16xf32>
      %swap3A_659 = vector.shape_cast %add3A_654 : vector<16xf32> to vector<1x16xf32>
      tpu.vector_store %arg7[%swap3A_655, %swap3A_656], %swap3A_659 {strides = array<i32>} : memref<128x64xf32, #tpu.memory_space<vmem>>, vector<1x16xf32>,
      %get3A_660 = arith.index_cast %scan3A_628 : i32 to index
      %get3A_661 = arith.constant 32 : index
      %get3A_662 = tpu.vector_load %arg7[%get3A_660, %get3A_661] {strides = array<i32>} : memref<128x64xf32, #tpu.memory_space<vmem>>, vector<1x16xf32>,
      %get3A_663 = vector.shape_cast %get3A_662 : vector<1x16xf32> to vector<16xf32>
      %get3A_664 = arith.constant 1 : i32
      %get3A_665 = arith.index_cast %get3A_664 : i32 to index
      %get3A_666 = arith.index_cast %scan3A_628 : i32 to index
      %get3A_667 = arith.constant 32 : index
      %get3A_668 = tpu.vector_load %arg6[%get3A_665, %get3A_666, %get3A_667] {strides = array<i32>} : memref<2x128x64xf32, #tpu.memory_space<vmem>>, vector<1x1x16xf32>,
      %get3A_669 = vector.shape_cast %get3A_668 : vector<1x1x16xf32> to vector<16xf32>
      %add3A_670 = arith.addf %get3A_663, %get3A_669 : vector<16xf32>
      %swap3A_671 = arith.index_cast %scan3A_628 : i32 to index
      %swap3A_672 = arith.constant 32 : index
      %swap3A_673 = tpu.vector_load %arg7[%swap3A_671, %swap3A_672] {strides = array<i32>} : memref<128x64xf32, #tpu.memory_space<vmem>>, vector<1x16xf32>,
      %swap3A_674 = vector.shape_cast %swap3A_673 : vector<1x16xf32> to vector<16xf32>
      %swap3A_675 = vector.shape_cast %add3A_670 : vector<16xf32> to vector<1x16xf32>
      tpu.vector_store %arg7[%swap3A_671, %swap3A_672], %swap3A_675 {strides = array<i32>} : memref<128x64xf32, #tpu.memory_space<vmem>>, vector<1x16xf32>,
      %get3A_676 = arith.index_cast %scan3A_628 : i32 to index
      %get3A_677 = arith.constant 48 : index
      %get3A_678 = tpu.vector_load %arg7[%get3A_676, %get3A_677] {strides = array<i32>} : memref<128x64xf32, #tpu.memory_space<vmem>>, vector<1x16xf32>,
      %get3A_679 = vector.shape_cast %get3A_678 : vector<1x16xf32> to vector<16xf32>
      %get3A_680 = arith.constant 1 : i32
      %get3A_681 = arith.index_cast %get3A_680 : i32 to index
      %get3A_682 = arith.index_cast %scan3A_628 : i32 to index
      %get3A_683 = arith.constant 48 : index
      %get3A_684 = tpu.vector_load %arg6[%get3A_681, %get3A_682, %get3A_683] {strides = array<i32>} : memref<2x128x64xf32, #tpu.memory_space<vmem>>, vector<1x1x16xf32>,
      %get3A_685 = vector.shape_cast %get3A_684 : vector<1x1x16xf32> to vector<16xf32>
      %add3A_686 = arith.addf %get3A_679, %get3A_685 : vector<16xf32>
      %swap3A_687 = arith.index_cast %scan3A_628 : i32 to index
      %swap3A_688 = arith.constant 48 : index
      %swap3A_689 = tpu.vector_load %arg7[%swap3A_687, %swap3A_688] {strides = array<i32>} : memref<128x64xf32, #tpu.memory_space<vmem>>, vector<1x16xf32>,
      %swap3A_690 = vector.shape_cast %swap3A_689 : vector<1x16xf32> to vector<16xf32>
      %swap3A_691 = vector.shape_cast %add3A_686 : vector<16xf32> to vector<1x16xf32>
      tpu.vector_store %arg7[%swap3A_687, %swap3A_688], %swap3A_691 {strides = array<i32>} : memref<128x64xf32, #tpu.memory_space<vmem>>, vector<1x16xf32>,
      %scan3A_692 = arith.constant 0 : i32
      scf.yield %scan3A_692 : i32
    }
    %scan3A_569 = arith.constant 128 : i32
    %dma_wait3A_570 = arith.constant 18 : i32
    %dma_wait3A_571 = arith.constant 0 : i32
    %dma_wait3A_572 = arith.constant 0 : i32
    %dma_wait3A_573 = arith.constant 0 : i32
    %dma_wait3A_574 = tpu.memref_slice %arg6[%dma_wait3A_571, %dma_wait3A_572, %dma_wait3A_573] : memref<2x128x64xf32, #tpu.memory_space<vmem>> -> memref<1x128x64xf32, #tpu.memory_space<vmem>>
    %dma_wait3A_575 = tpu.memref_squeeze %dma_wait3A_574 : memref<1x128x64xf32, #tpu.memory_space<vmem>> -> memref<128x64xf32, #tpu.memory_space<vmem>>
    %dma_wait3A_576 = arith.constant 0 : i32
    %dma_wait3A_577 = tpu.memref_slice %arg5[%dma_wait3A_570, %dma_wait3A_576] : memref<20x128xi32, #tpu.memory_space<vmem>> -> memref<1x128xi32, #tpu.memory_space<vmem>>
    %dma_wait3A_578 = tpu.memref_squeeze %dma_wait3A_577 : memref<1x128xi32, #tpu.memory_space<vmem>> -> memref<128xi32, #tpu.memory_space<vmem>>
    %dma_wait3A_579 = arith.constant 0 : i32
    %dma_wait3A_580 = arith.constant 0 : i32
    %dma_wait3A_581 = tpu.memref_slice %arg3[%dma_wait3A_579, %dma_wait3A_580] : memref<100000x64xf32, #tpu.memory_space<hbm>> -> memref<100000x64xf32, #tpu.memory_space<hbm>>
    tpu.wait_indirect_dma semaphore(%arg8 : memref<!tpu.dma_semaphore, #tpu.memory_space<semaphore_mem>>) src(%dma_wait3A_581 : memref<100000x64xf32, #tpu.memory_space<hbm>>) dst(%dma_wait3A_575 : memref<128x64xf32, #tpu.memory_space<vmem>>)
    %dma_start3A_582 = arith.constant 19 : i32
    %dma_start3A_583 = arith.constant 1 : i32
    %dma_start3A_584 = arith.constant 0 : i32
    %dma_start3A_585 = arith.constant 0 : i32
    %dma_start3A_586 = tpu.memref_slice %arg6[%dma_start3A_583, %dma_start3A_584, %dma_start3A_585] : memref<2x128x64xf32, #tpu.memory_space<vmem>> -> memref<1x128x64xf32, #tpu.memory_space<vmem>>
    %dma_start3A_587 = tpu.memref_squeeze %dma_start3A_586 : memref<1x128x64xf32, #tpu.memory_space<vmem>> -> memref<128x64xf32, #tpu.memory_space<vmem>>
    %dma_start3A_588 = arith.constant 0 : i32
    %dma_start3A_589 = tpu.memref_slice %arg5[%dma_start3A_582, %dma_start3A_588] : memref<20x128xi32, #tpu.memory_space<vmem>> -> memref<1x128xi32, #tpu.memory_space<vmem>>
    %dma_start3A_590 = tpu.memref_squeeze %dma_start3A_589 : memref<1x128xi32, #tpu.memory_space<vmem>> -> memref<128xi32, #tpu.memory_space<vmem>>
    %dma_start3A_591 = arith.constant 0 : i32
    %dma_start3A_592 = arith.constant 0 : i32
    %dma_start3A_593 = tpu.memref_slice %arg3[%dma_start3A_591, %dma_start3A_592] : memref<100000x64xf32, #tpu.memory_space<hbm>> -> memref<100000x64xf32, #tpu.memory_space<hbm>>
    tpu.enqueue_indirect_dma source(%dma_start3A_593 : memref<100000x64xf32, #tpu.memory_space<hbm>>) target(%dma_start3A_587 : memref<128x64xf32, #tpu.memory_space<vmem>>) offsets(%dma_start3A_590 : memref<128xi32, #tpu.memory_space<vmem>>) semaphore(%arg8 : memref<!tpu.dma_semaphore, #tpu.memory_space<semaphore_mem>>)
    %scan3A_594 = arith.constant 0 : i32
    %scan3A_595 = arith.constant 0 : i32
    %scan3A_596 = arith.constant 128 : i32
    %scan3A_597 = arith.addi %scan3A_595, %scan3A_596 : i32
    %scan3A_598 = arith.constant 1 : i32
    %scan3A_599 = scf.for %scan3A_628 = %scan3A_595 to %scan3A_597 step %scan3A_598 iter_args(%scan3A_629 = %scan3A_594) -> (i32)  : i32 {
      %get3A = arith.index_cast %scan3A_628 : i32 to index
      %get3A_630 = arith.constant 0 : index
      %get3A_631 = tpu.vector_load %arg7[%get3A, %get3A_630] {strides = array<i32>} : memref<128x64xf32, #tpu.memory_space<vmem>>, vector<1x16xf32>,
      %get3A_632 = vector.shape_cast %get3A_631 : vector<1x16xf32> to vector<16xf32>
      %get3A_633 = arith.constant 0 : i32
      %get3A_634 = arith.index_cast %get3A_633 : i32 to index
      %get3A_635 = arith.index_cast %scan3A_628 : i32 to index
      %get3A_636 = arith.constant 0 : index
      %get3A_637 = tpu.vector_load %arg6[%get3A_634, %get3A_635, %get3A_636] {strides = array<i32>} : memref<2x128x64xf32, #tpu.memory_space<vmem>>, vector<1x1x16xf32>,
      %get3A_638 = vector.shape_cast %get3A_637 : vector<1x1x16xf32> to vector<16xf32>
      %add3A_639 = arith.addf %get3A_632, %get3A_638 : vector<16xf32>
      %swap3A = arith.index_cast %scan3A_628 : i32 to index
      %swap3A_640 = arith.constant 0 : index
      %swap3A_641 = tpu.vector_load %arg7[%swap3A, %swap3A_640] {strides = array<i32>} : memref<128x64xf32, #tpu.memory_space<vmem>>, vector<1x16xf32>,
      %swap3A_642 = vector.shape_cast %swap3A_641 : vector<1x16xf32> to vector<16xf32>
      %swap3A_643 = vector.shape_cast %add3A_639 : vector<16xf32> to vector<1x16xf32>
      tpu.vector_store %arg7[%swap3A, %swap3A_640], %swap3A_643 {strides = array<i32>} : memref<128x64xf32, #tpu.memory_space<vmem>>, vector<1x16xf32>,
      %get3A_644 = arith.index_cast %scan3A_628 : i32 to index
      %get3A_645 = arith.constant 16 : index
      %get3A_646 = tpu.vector_load %arg7[%get3A_644, %get3A_645] {strides = array<i32>} : memref<128x64xf32, #tpu.memory_space<vmem>>, vector<1x16xf32>,
      %get3A_647 = vector.shape_cast %get3A_646 : vector<1x16xf32> to vector<16xf32>
      %get3A_648 = arith.constant 0 : i32
      %get3A_649 = arith.index_cast %get3A_648 : i32 to index
      %get3A_650 = arith.index_cast %scan3A_628 : i32 to index
      %get3A_651 = arith.constant 16 : index
      %get3A_652 = tpu.vector_load %arg6[%get3A_649, %get3A_650, %get3A_651] {strides = array<i32>} : memref<2x128x64xf32, #tpu.memory_space<vmem>>, vector<1x1x16xf32>,
      %get3A_653 = vector.shape_cast %get3A_652 : vector<1x1x16xf32> to vector<16xf32>
      %add3A_654 = arith.addf %get3A_647, %get3A_653 : vector<16xf32>
      %swap3A_655 = arith.index_cast %scan3A_628 : i32 to index
      %swap3A_656 = arith.constant 16 : index
      %swap3A_657 = tpu.vector_load %arg7[%swap3A_655, %swap3A_656] {strides = array<i32>} : memref<128x64xf32, #tpu.memory_space<vmem>>, vector<1x16xf32>,
      %swap3A_658 = vector.shape_cast %swap3A_657 : vector<1x16xf32> to vector<16xf32>
      %swap3A_659 = vector.shape_cast %add3A_654 : vector<16xf32> to vector<1x16xf32>
      tpu.vector_store %arg7[%swap3A_655, %swap3A_656], %swap3A_659 {strides = array<i32>} : memref<128x64xf32, #tpu.memory_space<vmem>>, vector<1x16xf32>,
      %get3A_660 = arith.index_cast %scan3A_628 : i32 to index
      %get3A_661 = arith.constant 32 : index
      %get3A_662 = tpu.vector_load %arg7[%get3A_660, %get3A_661] {strides = array<i32>} : memref<128x64xf32, #tpu.memory_space<vmem>>, vector<1x16xf32>,
      %get3A_663 = vector.shape_cast %get3A_662 : vector<1x16xf32> to vector<16xf32>
      %get3A_664 = arith.constant 0 : i32
      %get3A_665 = arith.index_cast %get3A_664 : i32 to index
      %get3A_666 = arith.index_cast %scan3A_628 : i32 to index
      %get3A_667 = arith.constant 32 : index
      %get3A_668 = tpu.vector_load %arg6[%get3A_665, %get3A_666, %get3A_667] {strides = array<i32>} : memref<2x128x64xf32, #tpu.memory_space<vmem>>, vector<1x1x16xf32>,
      %get3A_669 = vector.shape_cast %get3A_668 : vector<1x1x16xf32> to vector<16xf32>
      %add3A_670 = arith.addf %get3A_663, %get3A_669 : vector<16xf32>
      %swap3A_671 = arith.index_cast %scan3A_628 : i32 to index
      %swap3A_672 = arith.constant 32 : index
      %swap3A_673 = tpu.vector_load %arg7[%swap3A_671, %swap3A_672] {strides = array<i32>} : memref<128x64xf32, #tpu.memory_space<vmem>>, vector<1x16xf32>,
      %swap3A_674 = vector.shape_cast %swap3A_673 : vector<1x16xf32> to vector<16xf32>
      %swap3A_675 = vector.shape_cast %add3A_670 : vector<16xf32> to vector<1x16xf32>
      tpu.vector_store %arg7[%swap3A_671, %swap3A_672], %swap3A_675 {strides = array<i32>} : memref<128x64xf32, #tpu.memory_space<vmem>>, vector<1x16xf32>,
      %get3A_676 = arith.index_cast %scan3A_628 : i32 to index
      %get3A_677 = arith.constant 48 : index
      %get3A_678 = tpu.vector_load %arg7[%get3A_676, %get3A_677] {strides = array<i32>} : memref<128x64xf32, #tpu.memory_space<vmem>>, vector<1x16xf32>,
      %get3A_679 = vector.shape_cast %get3A_678 : vector<1x16xf32> to vector<16xf32>
      %get3A_680 = arith.constant 0 : i32
      %get3A_681 = arith.index_cast %get3A_680 : i32 to index
      %get3A_682 = arith.index_cast %scan3A_628 : i32 to index
      %get3A_683 = arith.constant 48 : index
      %get3A_684 = tpu.vector_load %arg6[%get3A_681, %get3A_682, %get3A_683] {strides = array<i32>} : memref<2x128x64xf32, #tpu.memory_space<vmem>>, vector<1x1x16xf32>,
      %get3A_685 = vector.shape_cast %get3A_684 : vector<1x1x16xf32> to vector<16xf32>
      %add3A_686 = arith.addf %get3A_679, %get3A_685 : vector<16xf32>
      %swap3A_687 = arith.index_cast %scan3A_628 : i32 to index
      %swap3A_688 = arith.constant 48 : index
      %swap3A_689 = tpu.vector_load %arg7[%swap3A_687, %swap3A_688] {strides = array<i32>} : memref<128x64xf32, #tpu.memory_space<vmem>>, vector<1x16xf32>,
      %swap3A_690 = vector.shape_cast %swap3A_689 : vector<1x16xf32> to vector<16xf32>
      %swap3A_691 = vector.shape_cast %add3A_686 : vector<16xf32> to vector<1x16xf32>
      tpu.vector_store %arg7[%swap3A_687, %swap3A_688], %swap3A_691 {strides = array<i32>} : memref<128x64xf32, #tpu.memory_space<vmem>>, vector<1x16xf32>,
      %scan3A_692 = arith.constant 0 : i32
      scf.yield %scan3A_692 : i32
    }
    %scan3A_600 = arith.constant 128 : i32
    %dma_wait3A_601 = arith.constant 19 : i32
    %dma_wait3A_602 = arith.constant 1 : i32
    %dma_wait3A_603 = arith.constant 0 : i32
    %dma_wait3A_604 = arith.constant 0 : i32
    %dma_wait3A_605 = tpu.memref_slice %arg6[%dma_wait3A_602, %dma_wait3A_603, %dma_wait3A_604] : memref<2x128x64xf32, #tpu.memory_space<vmem>> -> memref<1x128x64xf32, #tpu.memory_space<vmem>>
    %dma_wait3A_606 = tpu.memref_squeeze %dma_wait3A_605 : memref<1x128x64xf32, #tpu.memory_space<vmem>> -> memref<128x64xf32, #tpu.memory_space<vmem>>
    %dma_wait3A_607 = arith.constant 0 : i32
    %dma_wait3A_608 = tpu.memref_slice %arg5[%dma_wait3A_601, %dma_wait3A_607] : memref<20x128xi32, #tpu.memory_space<vmem>> -> memref<1x128xi32, #tpu.memory_space<vmem>>
    %dma_wait3A_609 = tpu.memref_squeeze %dma_wait3A_608 : memref<1x128xi32, #tpu.memory_space<vmem>> -> memref<128xi32, #tpu.memory_space<vmem>>
    %dma_wait3A_610 = arith.constant 0 : i32
    %dma_wait3A_611 = arith.constant 0 : i32
    %dma_wait3A_612 = tpu.memref_slice %arg3[%dma_wait3A_610, %dma_wait3A_611] : memref<100000x64xf32, #tpu.memory_space<hbm>> -> memref<100000x64xf32, #tpu.memory_space<hbm>>
    tpu.wait_indirect_dma semaphore(%arg8 : memref<!tpu.dma_semaphore, #tpu.memory_space<semaphore_mem>>) src(%dma_wait3A_612 : memref<100000x64xf32, #tpu.memory_space<hbm>>) dst(%dma_wait3A_606 : memref<128x64xf32, #tpu.memory_space<vmem>>)
    %scan3A_613 = arith.constant 0 : i32
    %scan3A_614 = arith.constant 0 : i32
    %scan3A_615 = arith.constant 128 : i32
    %scan3A_616 = arith.addi %scan3A_614, %scan3A_615 : i32
    %scan3A_617 = arith.constant 1 : i32
    %scan3A_618 = scf.for %scan3A_628 = %scan3A_614 to %scan3A_616 step %scan3A_617 iter_args(%scan3A_629 = %scan3A_613) -> (i32)  : i32 {
      %get3A = arith.index_cast %scan3A_628 : i32 to index
      %get3A_630 = arith.constant 0 : index
      %get3A_631 = tpu.vector_load %arg7[%get3A, %get3A_630] {strides = array<i32>} : memref<128x64xf32, #tpu.memory_space<vmem>>, vector<1x16xf32>,
      %get3A_632 = vector.shape_cast %get3A_631 : vector<1x16xf32> to vector<16xf32>
      %get3A_633 = arith.constant 1 : i32
      %get3A_634 = arith.index_cast %get3A_633 : i32 to index
      %get3A_635 = arith.index_cast %scan3A_628 : i32 to index
      %get3A_636 = arith.constant 0 : index
      %get3A_637 = tpu.vector_load %arg6[%get3A_634, %get3A_635, %get3A_636] {strides = array<i32>} : memref<2x128x64xf32, #tpu.memory_space<vmem>>, vector<1x1x16xf32>,
      %get3A_638 = vector.shape_cast %get3A_637 : vector<1x1x16xf32> to vector<16xf32>
      %add3A_639 = arith.addf %get3A_632, %get3A_638 : vector<16xf32>
      %swap3A = arith.index_cast %scan3A_628 : i32 to index
      %swap3A_640 = arith.constant 0 : index
      %swap3A_641 = tpu.vector_load %arg7[%swap3A, %swap3A_640] {strides = array<i32>} : memref<128x64xf32, #tpu.memory_space<vmem>>, vector<1x16xf32>,
      %swap3A_642 = vector.shape_cast %swap3A_641 : vector<1x16xf32> to vector<16xf32>
      %swap3A_643 = vector.shape_cast %add3A_639 : vector<16xf32> to vector<1x16xf32>
      tpu.vector_store %arg7[%swap3A, %swap3A_640], %swap3A_643 {strides = array<i32>} : memref<128x64xf32, #tpu.memory_space<vmem>>, vector<1x16xf32>,
      %get3A_644 = arith.index_cast %scan3A_628 : i32 to index
      %get3A_645 = arith.constant 16 : index
      %get3A_646 = tpu.vector_load %arg7[%get3A_644, %get3A_645] {strides = array<i32>} : memref<128x64xf32, #tpu.memory_space<vmem>>, vector<1x16xf32>,
      %get3A_647 = vector.shape_cast %get3A_646 : vector<1x16xf32> to vector<16xf32>
      %get3A_648 = arith.constant 1 : i32
      %get3A_649 = arith.index_cast %get3A_648 : i32 to index
      %get3A_650 = arith.index_cast %scan3A_628 : i32 to index
      %get3A_651 = arith.constant 16 : index
      %get3A_652 = tpu.vector_load %arg6[%get3A_649, %get3A_650, %get3A_651] {strides = array<i32>} : memref<2x128x64xf32, #tpu.memory_space<vmem>>, vector<1x1x16xf32>,
      %get3A_653 = vector.shape_cast %get3A_652 : vector<1x1x16xf32> to vector<16xf32>
      %add3A_654 = arith.addf %get3A_647, %get3A_653 : vector<16xf32>
      %swap3A_655 = arith.index_cast %scan3A_628 : i32 to index
      %swap3A_656 = arith.constant 16 : index
      %swap3A_657 = tpu.vector_load %arg7[%swap3A_655, %swap3A_656] {strides = array<i32>} : memref<128x64xf32, #tpu.memory_space<vmem>>, vector<1x16xf32>,
      %swap3A_658 = vector.shape_cast %swap3A_657 : vector<1x16xf32> to vector<16xf32>
      %swap3A_659 = vector.shape_cast %add3A_654 : vector<16xf32> to vector<1x16xf32>
      tpu.vector_store %arg7[%swap3A_655, %swap3A_656], %swap3A_659 {strides = array<i32>} : memref<128x64xf32, #tpu.memory_space<vmem>>, vector<1x16xf32>,
      %get3A_660 = arith.index_cast %scan3A_628 : i32 to index
      %get3A_661 = arith.constant 32 : index
      %get3A_662 = tpu.vector_load %arg7[%get3A_660, %get3A_661] {strides = array<i32>} : memref<128x64xf32, #tpu.memory_space<vmem>>, vector<1x16xf32>,
      %get3A_663 = vector.shape_cast %get3A_662 : vector<1x16xf32> to vector<16xf32>
      %get3A_664 = arith.constant 1 : i32
      %get3A_665 = arith.index_cast %get3A_664 : i32 to index
      %get3A_666 = arith.index_cast %scan3A_628 : i32 to index
      %get3A_667 = arith.constant 32 : index
      %get3A_668 = tpu.vector_load %arg6[%get3A_665, %get3A_666, %get3A_667] {strides = array<i32>} : memref<2x128x64xf32, #tpu.memory_space<vmem>>, vector<1x1x16xf32>,
      %get3A_669 = vector.shape_cast %get3A_668 : vector<1x1x16xf32> to vector<16xf32>
      %add3A_670 = arith.addf %get3A_663, %get3A_669 : vector<16xf32>
      %swap3A_671 = arith.index_cast %scan3A_628 : i32 to index
      %swap3A_672 = arith.constant 32 : index
      %swap3A_673 = tpu.vector_load %arg7[%swap3A_671, %swap3A_672] {strides = array<i32>} : memref<128x64xf32, #tpu.memory_space<vmem>>, vector<1x16xf32>,
      %swap3A_674 = vector.shape_cast %swap3A_673 : vector<1x16xf32> to vector<16xf32>
      %swap3A_675 = vector.shape_cast %add3A_670 : vector<16xf32> to vector<1x16xf32>
      tpu.vector_store %arg7[%swap3A_671, %swap3A_672], %swap3A_675 {strides = array<i32>} : memref<128x64xf32, #tpu.memory_space<vmem>>, vector<1x16xf32>,
      %get3A_676 = arith.index_cast %scan3A_628 : i32 to index
      %get3A_677 = arith.constant 48 : index
      %get3A_678 = tpu.vector_load %arg7[%get3A_676, %get3A_677] {strides = array<i32>} : memref<128x64xf32, #tpu.memory_space<vmem>>, vector<1x16xf32>,
      %get3A_679 = vector.shape_cast %get3A_678 : vector<1x16xf32> to vector<16xf32>
      %get3A_680 = arith.constant 1 : i32
      %get3A_681 = arith.index_cast %get3A_680 : i32 to index
      %get3A_682 = arith.index_cast %scan3A_628 : i32 to index
      %get3A_683 = arith.constant 48 : index
      %get3A_684 = tpu.vector_load %arg6[%get3A_681, %get3A_682, %get3A_683] {strides = array<i32>} : memref<2x128x64xf32, #tpu.memory_space<vmem>>, vector<1x1x16xf32>,
      %get3A_685 = vector.shape_cast %get3A_684 : vector<1x1x16xf32> to vector<16xf32>
      %add3A_686 = arith.addf %get3A_679, %get3A_685 : vector<16xf32>
      %swap3A_687 = arith.index_cast %scan3A_628 : i32 to index
      %swap3A_688 = arith.constant 48 : index
      %swap3A_689 = tpu.vector_load %arg7[%swap3A_687, %swap3A_688] {strides = array<i32>} : memref<128x64xf32, #tpu.memory_space<vmem>>, vector<1x16xf32>,
      %swap3A_690 = vector.shape_cast %swap3A_689 : vector<1x16xf32> to vector<16xf32>
      %swap3A_691 = vector.shape_cast %add3A_686 : vector<16xf32> to vector<1x16xf32>
      tpu.vector_store %arg7[%swap3A_687, %swap3A_688], %swap3A_691 {strides = array<i32>} : memref<128x64xf32, #tpu.memory_space<vmem>>, vector<1x16xf32>,
      %scan3A_692 = arith.constant 0 : i32
      scf.yield %scan3A_692 : i32
    }
    %scan3A_619 = arith.constant 128 : i32
    %dma_start3A_620 = arith.constant 0 : i32
    %dma_start3A_621 = tpu.memref_slice %arg4[%mul3A_2, %dma_start3A_620] : memref<4096x64xf32, #tpu.memory_space<hbm>> -> memref<128x64xf32, #tpu.memory_space<hbm>>
    %dma_start3A_622 = arith.constant 0 : i32
    %dma_start3A_623 = tpu.memref_slice %arg4[%mul3A_2, %dma_start3A_622] : memref<4096x64xf32, #tpu.memory_space<hbm>> -> memref<128x64xf32, #tpu.memory_space<hbm>>
    tpu.enqueue_dma source(%arg7 : memref<128x64xf32, #tpu.memory_space<vmem>>) target(%dma_start3A_623 : memref<128x64xf32, #tpu.memory_space<hbm>>) target_semaphore(%arg9 : memref<!tpu.dma_semaphore, #tpu.memory_space<semaphore_mem>>)
    %dma_wait3A_624 = arith.constant 0 : i32
    %dma_wait3A_625 = tpu.memref_slice %arg4[%mul3A_2, %dma_wait3A_624] : memref<4096x64xf32, #tpu.memory_space<hbm>> -> memref<128x64xf32, #tpu.memory_space<hbm>>
    %dma_wait3A_626 = arith.constant 0 : i32
    %dma_wait3A_627 = tpu.memref_slice %arg4[%mul3A_2, %dma_wait3A_626] : memref<4096x64xf32, #tpu.memory_space<hbm>> -> memref<128x64xf32, #tpu.memory_space<hbm>>
    tpu.wait_dma2 semaphore(%arg9 : memref<!tpu.dma_semaphore, #tpu.memory_space<semaphore_mem>>) src(%arg7 : memref<128x64xf32, #tpu.memory_space<vmem>>) dst(%dma_wait3A_627 : memref<128x64xf32, #tpu.memory_space<hbm>>)
    return
  }
}

module attributes {stable_mosaic.version = 14 : i64} {
  func.func @_ce_body(%arg0: i32, %arg1: memref<4096x64xbf16, #tpu.memory_space<vmem>>, %arg2: memref<64x4096xf32, #tpu.memory_space<vmem>>, %arg3: memref<1x4096xf32, #tpu.memory_space<vmem>>, %arg4: memref<4096x1xf32, #tpu.memory_space<vmem>>, %arg5: memref<4096x1xf32, #tpu.memory_space<vmem>>) attributes {dimension_semantics = [#tpu.dimension_semantics<arbitrary>], iteration_bounds = array<i64: 25>, scalar_prefetch = 0 : i64, scratch_operands = 1 : i64, tpu.core_type = #tpu.core_type<tc>, window_params = [{pipeline_mode = #tpu.pipeline_mode<synchronous>, transform_indices = @transform_0, window_bounds = array<i64: 4096, 64>}, {transform_indices = @transform_1, window_bounds = array<i64: 64, 4096>}, {transform_indices = @transform_2, window_bounds = array<i64: 1, 4096>}, {pipeline_mode = #tpu.pipeline_mode<synchronous>, transform_indices = @transform_3, window_bounds = array<i64: 4096, 1>}]} {
    %mul3A = arith.constant 4096 : i32
    %mul3A_0 = arith.muli %arg0, %mul3A : i32
    %add3A = arith.constant 0 : i32
    %add3A_1 = arith.addi %mul3A_0, %add3A : i32
    %iota3A = tpu.iota {dimensions = array<i32: 1>} : vector<64x2048xi32>
    %add3A_2 = vector.broadcast %add3A_1 : i32 to vector<64x2048xi32>
    %add3A_3 = arith.addi %add3A_2, %iota3A : vector<64x2048xi32>
    %lt3A = arith.constant 100000 : i32
    %lt3A_4 = vector.broadcast %lt3A : i32 to vector<64x2048xi32>
    %lt3A_5 = arith.cmpi slt, %add3A_3, %lt3A_4 : vector<64x2048xi32>
    %get3A = arith.constant 0 : index
    %get3A_6 = arith.constant 0 : index
    %get3A_7 = vector.load %arg2[%get3A, %get3A_6] : memref<64x4096xf32, #tpu.memory_space<vmem>>, vector<64x2048xf32>
    %jit3A = arith.constant 0.000000e+00 : f32
    %broadcast_in_dim3A = vector.broadcast %jit3A : f32 to vector<64x2048xf32>
    %select_n3A = arith.select %lt3A_5, %get3A_7, %broadcast_in_dim3A : vector<64x2048xi1>, vector<64x2048xf32>
    %convert_element_type3A = arith.truncf %select_n3A : vector<64x2048xf32> to vector<64x2048xbf16>
    %get3A_8 = arith.constant 0 : index
    %get3A_9 = arith.constant 0 : index
    %get3A_10 = vector.load %arg1[%get3A_8, %get3A_9] : memref<4096x64xbf16, #tpu.memory_space<vmem>>, vector<4096x64xbf16>
    %dot_general3A = arith.constant dense<0.000000e+00> : vector<4096x2048xf32>
    %dot_general3A_11 = tpu.matmul %get3A_10, %convert_element_type3A, %dot_general3A {dimension_numbers = #tpu.dot_dimension_numbers<[1], [0], [0], [1], [0, 0, 1, 1], [], []>, transpose_lhs_hint = false} : vector<4096x64xbf16>, vector<64x2048xbf16>, vector<4096x2048xf32> -> vector<4096x2048xf32>
    %get3A_12 = arith.constant 0 : index
    %get3A_13 = arith.constant 0 : index
    %get3A_14 = vector.load %arg3[%get3A_12, %get3A_13] : memref<1x4096xf32, #tpu.memory_space<vmem>>, vector<1x2048xf32>
    %add3A_15 = vector.broadcast %get3A_14 : vector<1x2048xf32> to vector<4096x2048xf32>
    %add3A_16 = arith.addf %dot_general3A_11, %add3A_15 : vector<4096x2048xf32>
    %exp23A = math.exp2 %add3A_16 : vector<4096x2048xf32>
    %reduce_sum3A = arith.constant dense<0.000000e+00> : vector<4096xf32>
    %reduce_sum3A_17 = vector.multi_reduction <add>, %exp23A, %reduce_sum3A [1] : vector<4096x2048xf32> to vector<4096xf32>
    %broadcast_in_dim3A_18 = vector.shape_cast %reduce_sum3A_17 : vector<4096xf32> to vector<4096x1xf32>
    %mul3A_19 = arith.constant 4096 : i32
    %mul3A_20 = arith.muli %arg0, %mul3A_19 : i32
    %add3A_21 = arith.constant 2048 : i32
    %add3A_22 = arith.addi %mul3A_20, %add3A_21 : i32
    %iota3A_23 = tpu.iota {dimensions = array<i32: 1>} : vector<64x2048xi32>
    %add3A_24 = vector.broadcast %add3A_22 : i32 to vector<64x2048xi32>
    %add3A_25 = arith.addi %add3A_24, %iota3A_23 : vector<64x2048xi32>
    %lt3A_26 = arith.constant 100000 : i32
    %lt3A_27 = vector.broadcast %lt3A_26 : i32 to vector<64x2048xi32>
    %lt3A_28 = arith.cmpi slt, %add3A_25, %lt3A_27 : vector<64x2048xi32>
    %get3A_29 = arith.constant 0 : index
    %get3A_30 = arith.constant 2048 : index
    %get3A_31 = vector.load %arg2[%get3A_29, %get3A_30] : memref<64x4096xf32, #tpu.memory_space<vmem>>, vector<64x2048xf32>
    %jit3A_32 = arith.constant 0.000000e+00 : f32
    %broadcast_in_dim3A_33 = vector.broadcast %jit3A_32 : f32 to vector<64x2048xf32>
    %select_n3A_34 = arith.select %lt3A_28, %get3A_31, %broadcast_in_dim3A_33 : vector<64x2048xi1>, vector<64x2048xf32>
    %convert_element_type3A_35 = arith.truncf %select_n3A_34 : vector<64x2048xf32> to vector<64x2048xbf16>
    %get3A_36 = arith.constant 0 : index
    %get3A_37 = arith.constant 0 : index
    %get3A_38 = vector.load %arg1[%get3A_36, %get3A_37] : memref<4096x64xbf16, #tpu.memory_space<vmem>>, vector<4096x64xbf16>
    %dot_general3A_39 = arith.constant dense<0.000000e+00> : vector<4096x2048xf32>
    %dot_general3A_40 = tpu.matmul %get3A_38, %convert_element_type3A_35, %dot_general3A_39 {dimension_numbers = #tpu.dot_dimension_numbers<[1], [0], [0], [1], [0, 0, 1, 1], [], []>, transpose_lhs_hint = false} : vector<4096x64xbf16>, vector<64x2048xbf16>, vector<4096x2048xf32> -> vector<4096x2048xf32>
    %get3A_41 = arith.constant 0 : index
    %get3A_42 = arith.constant 2048 : index
    %get3A_43 = vector.load %arg3[%get3A_41, %get3A_42] : memref<1x4096xf32, #tpu.memory_space<vmem>>, vector<1x2048xf32>
    %add3A_44 = vector.broadcast %get3A_43 : vector<1x2048xf32> to vector<4096x2048xf32>
    %add3A_45 = arith.addf %dot_general3A_40, %add3A_44 : vector<4096x2048xf32>
    %exp23A_46 = math.exp2 %add3A_45 : vector<4096x2048xf32>
    %reduce_sum3A_47 = arith.constant dense<0.000000e+00> : vector<4096xf32>
    %reduce_sum3A_48 = vector.multi_reduction <add>, %exp23A_46, %reduce_sum3A_47 [1] : vector<4096x2048xf32> to vector<4096xf32>
    %broadcast_in_dim3A_49 = vector.shape_cast %reduce_sum3A_48 : vector<4096xf32> to vector<4096x1xf32>
    %add3A_50 = arith.addf %broadcast_in_dim3A_18, %broadcast_in_dim3A_49 : vector<4096x1xf32>
    %eq3A = arith.constant 0 : i32
    %eq3A_51 = arith.cmpi eq, %arg0, %eq3A : i32
    %convert_element_type3A_52 = arith.extui %eq3A_51 : i1 to i32
    %cond3A = arith.constant 0 : i32
    %cond3A_53 = arith.cmpi ne, %convert_element_type3A_52, %cond3A : i32
    scf.if %cond3A_53 {
      %swap3A = arith.constant 0 : index
      %swap3A_63 = arith.constant 0 : index
      %swap3A_64 = vector.load %arg5[%swap3A, %swap3A_63] : memref<4096x1xf32, #tpu.memory_space<vmem>>, vector<4096x1xf32>
      tpu.vector_store %arg5[%swap3A, %swap3A_63], %add3A_50 {strides = array<i32>} : memref<4096x1xf32, #tpu.memory_space<vmem>>, vector<4096x1xf32>,
    } else {
    }
    %gt3A = arith.constant 0 : i32
    %gt3A_54 = arith.cmpi sgt, %arg0, %gt3A : i32
    %convert_element_type3A_55 = arith.extui %gt3A_54 : i1 to i32
    %cond3A_56 = arith.constant 0 : i32
    %cond3A_57 = arith.cmpi ne, %convert_element_type3A_55, %cond3A_56 : i32
    scf.if %cond3A_57 {
      %get3A_63 = arith.constant 0 : index
      %get3A_64 = arith.constant 0 : index
      %get3A_65 = vector.load %arg5[%get3A_63, %get3A_64] : memref<4096x1xf32, #tpu.memory_space<vmem>>, vector<4096x1xf32>
      %add3A_66 = arith.addf %get3A_65, %add3A_50 : vector<4096x1xf32>
      %swap3A = arith.constant 0 : index
      %swap3A_67 = arith.constant 0 : index
      %swap3A_68 = vector.load %arg5[%swap3A, %swap3A_67] : memref<4096x1xf32, #tpu.memory_space<vmem>>, vector<4096x1xf32>
      tpu.vector_store %arg5[%swap3A, %swap3A_67], %add3A_66 {strides = array<i32>} : memref<4096x1xf32, #tpu.memory_space<vmem>>, vector<4096x1xf32>,
    } else {
    }
    %eq3A_58 = arith.constant 24 : i32
    %eq3A_59 = arith.cmpi eq, %arg0, %eq3A_58 : i32
    %convert_element_type3A_60 = arith.extui %eq3A_59 : i1 to i32
    %cond3A_61 = arith.constant 0 : i32
    %cond3A_62 = arith.cmpi ne, %convert_element_type3A_60, %cond3A_61 : i32
    scf.if %cond3A_62 {
      %get3A_63 = arith.constant 0 : index
      %get3A_64 = arith.constant 0 : index
      %get3A_65 = vector.load %arg5[%get3A_63, %get3A_64] : memref<4096x1xf32, #tpu.memory_space<vmem>>, vector<4096x1xf32>
      %swap3A = arith.constant 0 : index
      %swap3A_66 = arith.constant 0 : index
      %swap3A_67 = vector.load %arg4[%swap3A, %swap3A_66] : memref<4096x1xf32, #tpu.memory_space<vmem>>, vector<4096x1xf32>
      tpu.vector_store %arg4[%swap3A, %swap3A_66], %get3A_65 {strides = array<i32>} : memref<4096x1xf32, #tpu.memory_space<vmem>>, vector<4096x1xf32>,
    } else {
    }
    return
  }
  func.func @transform_0(%arg0: i32) -> (i32, i32) {
    %c0_i32 = arith.constant 0 : i32
    %c0_i32_0 = arith.constant 0 : i32
    %c0_i32_1 = arith.constant 0 : i32
    return %c0_i32, %c0_i32_0 : i32, i32
  }
  func.func @transform_1(%arg0: i32) -> (i32, i32) {
    %c0_i32 = arith.constant 0 : i32
    %c0_i32_0 = arith.constant 0 : i32
    return %c0_i32, %arg0 : i32, i32
  }
  func.func @transform_2(%arg0: i32) -> (i32, i32) {
    %c0_i32 = arith.constant 0 : i32
    %c0_i32_0 = arith.constant 0 : i32
    return %c0_i32, %arg0 : i32, i32
  }
  func.func @transform_3(%arg0: i32) -> (i32, i32) {
    %c0_i32 = arith.constant 0 : i32
    %c0_i32_0 = arith.constant 0 : i32
    %c0_i32_1 = arith.constant 0 : i32
    return %c0_i32, %c0_i32_0 : i32, i32
  }
}

module attributes {stable_mosaic.version = 14 : i64} {
  func.func @_join_body(%arg0: memref<4096x1xf32, #tpu.memory_space<vmem>>, %arg1: memref<4096x64xf32, #tpu.memory_space<vmem>>, %arg2: memref<4096x64xf32, #tpu.memory_space<vmem>>, %arg3: memref<4096x1xf32, #tpu.memory_space<vmem>>, %arg4: memref<1x1xf32, #tpu.memory_space<vmem>>) attributes {dimension_semantics = [], scalar_prefetch = 0 : i64, scratch_operands = 0 : i64, tpu.core_type = #tpu.core_type<tc>} {
    %get3A = arith.constant 0 : index
    %get3A_0 = arith.constant 0 : index
    %get3A_1 = vector.load %arg0[%get3A, %get3A_0] : memref<4096x1xf32, #tpu.memory_space<vmem>>, vector<4096x1xf32>
    %log3A = math.log %get3A_1 : vector<4096x1xf32>
    %get3A_2 = arith.constant 0 : index
    %get3A_3 = arith.constant 0 : index
    %get3A_4 = vector.load %arg1[%get3A_2, %get3A_3] : memref<4096x64xf32, #tpu.memory_space<vmem>>, vector<4096x64xf32>
    %get3A_5 = arith.constant 0 : index
    %get3A_6 = arith.constant 0 : index
    %get3A_7 = vector.load %arg2[%get3A_5, %get3A_6] : memref<4096x64xf32, #tpu.memory_space<vmem>>, vector<4096x64xf32>
    %mul3A = arith.mulf %get3A_4, %get3A_7 : vector<4096x64xf32>
    %reduce_sum3A = arith.constant dense<0.000000e+00> : vector<4096xf32>
    %reduce_sum3A_8 = vector.multi_reduction <add>, %mul3A, %reduce_sum3A [1] : vector<4096x64xf32> to vector<4096xf32>
    %broadcast_in_dim3A = vector.shape_cast %reduce_sum3A_8 : vector<4096xf32> to vector<4096x1xf32>
    %get3A_9 = arith.constant 0 : index
    %get3A_10 = arith.constant 0 : index
    %get3A_11 = vector.load %arg3[%get3A_9, %get3A_10] : memref<4096x1xf32, #tpu.memory_space<vmem>>, vector<4096x1xf32>
    %add3A = arith.addf %broadcast_in_dim3A, %get3A_11 : vector<4096x1xf32>
    %sub3A = arith.subf %log3A, %add3A : vector<4096x1xf32>
    %reduce_sum3A_12 = vector.shape_cast %sub3A : vector<4096x1xf32> to vector<1x4096x1xf32>
    %reduce_sum3A_13 = arith.constant dense<0.000000e+00> : vector<1xf32>
    %reduce_sum3A_14 = vector.multi_reduction <add>, %reduce_sum3A_12, %reduce_sum3A_13 [1, 2] : vector<1x4096x1xf32> to vector<1xf32>
    %reduce_sum3A_15 = vector.shape_cast %reduce_sum3A_14 : vector<1xf32> to vector<1x1x1xf32>
    %reduce_sum3A_16 = vector.extract %reduce_sum3A_15[0, 0, 0] : f32 from vector<1x1x1xf32>
    %div3A = arith.constant 4.096000e+03 : f32
    %div3A_17 = arith.divf %reduce_sum3A_16, %div3A : f32
    %reshape3A = vector.broadcast %div3A_17 : f32 to vector<1x1xf32>
    %swap3A = arith.constant 0 : index
    %swap3A_18 = arith.constant 0 : index
    %swap3A_19 = vector.load %arg4[%swap3A, %swap3A_18] : memref<1x1xf32, #tpu.memory_space<vmem>>, vector<1x1xf32>
    tpu.vector_store %arg4[%swap3A, %swap3A_18], %reshape3A {strides = array<i32>} : memref<1x1xf32, #tpu.memory_space<vmem>>, vector<1x1xf32>,
    return
  }
}

</mosaic_0001>

<sc_bundles>
// kernel: gather_offload_async_start.1
scs
__scs_entry_jumppad:
0x0: {  	(pc) =	sbr.rel $0x88, $3  }
0x1: {  	(tag) =	ssettag $0x0;
	lr =	simm.s32 $0x1  }
0x2: {  	[smem:$0x3F9C] =	sst lr;
	_ =	strace $0xD0000000  }
0x3: {  	_ = 	snop  }
0x4: {  	_ = 	snop  }
0x5: {  	_ = 	snop  }
0x6: {  	_ = 	snop  }
0x7: {  	_ = 	snop  }
__scs_overlays_trampoline_lowered:
0x8: {  	[smem:$0x3FAB] =	sst s0  }
0x9: {  	[smem:$0x3FAC] =	sst s1  }
0xa: {  	[smem:$0x3FAD] =	sst s2  }
0xb: {  	[smem:$0x3FAE] =	sst s3  }
0xc: {  	[smem:$0x3FAF] =	sst s4  }
0xd: {  	[smem:$0x3FB0] =	sst s5  }
0xe: {  	[smem:$0x3FB1] =	sst s6  }
0xf: {  	[smem:$0x3FB2] =	sst s7  }
0x10: {  	[smem:$0x3FB3] =	sst s8  }
0x11: {  	[smem:$0x3FB4] =	sst s9;
	s0 =	simm.s32 @!p0 $0x0  }
0x12: {  	s1 =	sld [smem:$0x3F9A];
	s0 =	simm.s32 @p0 $0x1  }
0x13: {  	[smem:$0x3FB5] =	sst s0;
	s0 =	simm.s32 @!p1 $0x0  }
0x14: {  	s2 =	sld [smem:$0x3F99];
	s0 =	simm.s32 @p1 $0x1  }
0x15: {  	[smem:$0x3FB6] =	sst s0;
	s0 =	simm.s32 @!p2 $0x0  }
0x16: {  	s3 =	sld [smem:$0x3FDB];
	s0 =	simm.s32 @p2 $0x1  }
0x17: {  	s4 =	simm.s32 $0x1BF5;
	[smem:$0x3FB8] =	sst s0  }
0x18: {  	s0 =	sld [smem:$0x3F9B];
	_ =	swait.ge [sflag:s4], $0x0  }
0x19: {  	s7 =	sld [smem:$0x3F9C]  }
0x1a: {  	s8 =	sadd.s32 $0xFFFFE003, lr  }
0x1b: {  	s9 =	sadd.s32 $0xFFFFFEF7, lr;
	s5 =	simm.s32 $0xFFFFFFFF;
	p2 =	slt.u32 s8, $0xFFFFF086  }
0x1c: {  	p1 =	slt.u32 s9, $0xF7A;
	s5 =	simm.s32 @!p2 $0x0  }
0x1d: {  	s5 =	simm.s32 @p1 $0x1;
	p0 =	seq.s32 s7, s2  }
0x1e: {  	s7 =	smul.u32 @!p0 $0xF7A, s2;
	p2 =	seq.s32 @!p0 s5, $0x0  }
0x1f: {  	s9 =	smul.u32 $0xF7A, s1;
	s8 =	simm.s32 @!p0 $0x1BF5;
	p2 =	por !p2, p0  }
0x20: {  	[sflag:s8] =	ssyncset.s32 @!p0 $0xFFFFF086;
	s6 =	sadd.s32 @!p0 s3, s7;
	s7 =	simm.s32 @!p0 $0x108  }
0x21: {  	s3 =	sadd.s32 s3, s9;
	s6 =	sadd.s32 @!p0 $0x88, s6;
	s7 =	simm.s32 @p2 $0x1082  }
0x22: {  	[simem:s7], [sflag:s8] =	dma.local @!p0 [hbm:s6], $0xF7A  }
0x23: {  	s9 =	sor.u32 $0xD0000000, s2;
	s6 =	simm.s32 $0x108;
	_ =	swait.ge @!p0 [sflag:s8], $0x0  }
0x24: {  	s3 =	sadd.s32 $0x88, s3;
	s6 =	simm.s32 @!p1 $0x1082;
	[sflag:s4] =	ssyncset.s32 $0xFFFFF086  }
0x25: {  	[simem:s6], [sflag:s4] =	dma.local [hbm:s3], $0xF7A  }
0x26: {  	[smem:$0x3F9C] =	sst s1;
	(tag) =	ssettag s2;
	_ =	strace s9  }
0x27: {  	s1 =	sld [smem:$0x3FAC]  }
0x28: {  	s2 =	sld [smem:$0x3FAD]  }
0x29: {  	s4 =	sld [smem:$0x3FAF]  }
0x2a: {  	p0 =	seq.s32 s5, $0x0;
	s5 =	sld [smem:$0x3FB0]  }
0x2b: {  	s6 =	sld [smem:$0x3FB1]  }
0x2c: {  	s7 =	sld [smem:$0x3FB2]  }
0x2d: {  	s3 =	simm.s32 $0x108;
	s8 =	sld [smem:$0x3FB3]  }
0x2e: {  	s3 =	simm.s32 @!p0 $0x1082;
	s9 =	sld [smem:$0x3FB4]  }
0x2f: {  	lr =	sadd.s32 s0, s3;
	s0 =	sld [smem:$0x3FAB]  }
0x30: {  	s3 =	sld [smem:$0x3FAE]  }
0x31: {  	[smem:$0x3FB7] =	sst s10  }
0x32: {  	s10 =	sld [smem:$0x3FB5];
	_ =	sdelay $0x3  }
0x33: {  	p0 =	seq.s32 s10, $0x1;
	s10 =	sld [smem:$0x3FB7];
	_ =	sdelay $0x3  }
0x34: {  	[smem:$0x3FB7] =	sst s10  }
0x35: {  	s10 =	sld [smem:$0x3FB6];
	_ =	sdelay $0x3  }
0x36: {  	p1 =	seq.s32 s10, $0x1;
	s10 =	sld [smem:$0x3FB7];
	_ =	sdelay $0x3  }
0x37: {  	[smem:$0x3FB7] =	sst s10  }
0x38: {  	s10 =	sld [smem:$0x3FB8]  }
0x39: {  	_ = 	snop;
	(pc) =	sbr.ind lr, $3  }
0x3a: {  	_ = 	snop  }
0x3b: {  	_ = 	snop  }
0x3c: {  	p2 =	seq.s32 s10, $0x1;
	s10 =	sld [smem:$0x3FB7]  }
0x3d: {  	_ =	shalt  }
0x3e: {  	_ =	shalt  }
0x3f: {  	_ =	shalt  }
0x40: {  	_ =	shalt  }
0x41: {  	_ =	shalt  }
0x42: {  	_ =	shalt  }
0x43: {  	_ =	shalt  }
0x44: {  	_ =	shalt  }
0x45: {  	_ =	shalt  }
0x46: {  	_ =	shalt  }
0x47: {  	_ =	shalt  }
0x48: {  	_ =	shalt  }
0x49: {  	_ =	shalt  }
0x4a: {  	_ =	shalt  }
0x4b: {  	_ =	shalt  }
0x4c: {  	_ =	shalt  }
0x4d: {  	_ =	shalt  }
0x4e: {  	_ =	shalt  }
0x4f: {  	_ =	shalt  }
0x50: {  	_ =	shalt  }
0x51: {  	_ =	shalt  }
0x52: {  	_ =	shalt  }
0x53: {  	_ =	shalt  }
0x54: {  	_ =	shalt  }
0x55: {  	_ =	shalt  }
0x56: {  	_ =	shalt  }
0x57: {  	_ =	shalt  }
0x58: {  	_ =	shalt  }
0x59: {  	_ =	shalt  }
0x5a: {  	_ =	shalt  }
0x5b: {  	_ =	shalt  }
0x5c: {  	_ =	shalt  }
0x5d: {  	_ =	shalt  }
0x5e: {  	_ =	shalt  }
0x5f: {  	_ =	shalt  }
0x60: {  	_ =	shalt  }
0x61: {  	_ =	shalt  }
0x62: {  	_ =	shalt  }
0x63: {  	_ =	shalt  }
0x64: {  	_ =	shalt  }
0x65: {  	_ =	shalt  }
0x66: {  	_ =	shalt  }
0x67: {  	_ =	shalt  }
0x68: {  	_ =	shalt  }
0x69: {  	_ =	shalt  }
0x6a: {  	_ =	shalt  }
0x6b: {  	_ =	shalt  }
0x6c: {  	_ =	shalt  }
0x6d: {  	_ =	shalt  }
0x6e: {  	_ =	shalt  }
0x6f: {  	_ =	shalt  }
0x70: {  	_ =	shalt  }
0x71: {  	_ =	shalt  }
0x72: {  	_ =	shalt  }
0x73: {  	_ =	shalt  }
0x74: {  	_ =	shalt  }
0x75: {  	_ =	shalt  }
0x76: {  	_ =	shalt  }
0x77: {  	_ =	shalt  }
0x78: {  	_ =	shalt  }
0x79: {  	_ =	shalt  }
0x7a: {  	_ =	shalt  }
0x7b: {  	_ =	shalt  }
0x7c: {  	_ =	shalt  }
0x7d: {  	_ =	shalt  }
0x7e: {  	_ =	shalt  }
0x7f: {  	_ =	shalt  }
0x80: {  	_ =	shalt  }
0x81: {  	_ =	shalt  }
0x82: {  	_ =	shalt  }
0x83: {  	_ =	shalt  }
0x84: {  	_ =	shalt  }
0x85: {  	_ =	shalt  }
0x86: {  	_ =	shalt  }
0x87: {  	_ =	shalt  }
.Lfunc_end0:
.L_simem_size_0:
called_computation.1_lowered:
.L_overlay_start_0:
0x88: {  	s2 =	sld [smem:$0x3FD9]  }
0x89: {  	s3 =	sld [smem:$0x3FFE];
	_ =	sdelay $0x1  }
0x8a: {  	s1 =	srdreg.scid  }
0x8b: {  	s0 =	sand.u32 $0x1, s1  }
0x8c: {  	s17 =	sshll.u32 s0, $0xA;
	s2 =	sadd.s32 s3, s2  }
0x8d: {  	s2 =	sadd.s32 s2, s17  }
0x8e: {  	[smem:$0x3FC3] =	sst s2  }
0x8f: {  	_ = 	snop  }
0x90: {  	s2 =	sld [smem:$0x3FC5];
	(tm) =	ssettm $0x1  }
0x91: {  	s18 =	sld [smem:$0x3FFB];
	_ =	sdelay $0x3  }
0x92: {  	_ =	strace s18  }
0x93: {  	s3 =	sld [smem:$0x3FFC];
	_ =	sdelay $0x3  }
0x94: {  	_ =	strace s3  }
0x95: {  	s3 =	sld [smem:$0x3FFD];
	_ =	sdelay $0x3  }
0x96: {  	_ =	strace s3  }
0x97: {  	_ =	strace $0x8FFFFFFF  }
0x98: {  	s19 =	sld [smem:$0x3FDB];
	_ =	sdelay $0x1  }
0x99: {  	s4 =	simm.s32 $_scs_section_size  }
0x9a: {  	s5 =	simm.s32 $_size__tile_overlayer_lowered;
	s6 =	simm.s32 $_tile_overlayer_lowered  }
0x9b: {  	s22 =	simm.s32 $0x1BFF;
	s21 =	sshll.u32 s6, $0x1;
	s3 =	sadd.s32 s4, s19  }
0x9c: {  	s7 =	simm.s32 $0x0;
	s20 =	sshll.u32 s5, $0x1;
	s5 =	sadd.s32 s21, s3  }
0x9d: {  	[timem:s7], [sflag:s22] =	dma.local [hbm:s5], s20  }
0x9e: {  	_ =	swait.ge [sflag:s22], s20  }
0x9f: {  	s4 =	ssub.s32 $0x0, s20;
	[sflag:s22] =	ssyncset.done $0x0  }
0xa0: {  	[sflag:s22] =	ssyncadd.s32 s4;
	_ =	sdelay $0x1  }
0xa1: {  	s23 =	simm.s32 $0x1B8B  }
0xa2: {  	_ =	swait.ge [sflag:s23], $0x1  }
0xa3: {  	[sflag:s23] =	ssyncset.done $0x0  }
0xa4: {  	s25 =	simm.s32 $0x1B8E;
	s24 =	sld [smem:$0x3FFE];
	[sflag:s23] =	ssyncadd.s32 $0xFFFFFFFF  }
0xa5: {  	s26 =	simm.s32 $execute0_lowered;
	[smem:$0x3FD2] =	sst s25  }
0xa6: {  	s5 =	sshll.u32 s26, $0x1;
	_ =	strace $0x80000046;
	[dreg:$0x1] =	wrdreg $0xFFFFFFFF  }
0xa7: {  	s28 =	simm.s32 $_size_execute0_lowered;
	s3 =	sadd.s32 s3, s5;
	[dreg:$0x0] =	wrdreg $0x0  }
0xa8: {  	s5 =	sshll.u32 s28, $0x1;
	[dreg:$0x2] =	wrdreg s3  }
0xa9: {  	[dreg:$0x3] =	wrdreg s5  }
0xaa: {  	[dreg:$0x4] =	wrdreg $0xC0  }
0xab: {  	_ =	task [dreg:s7], $0x5FFFF  }
0xac: {  	[dreg:$0x1] =	wrdreg $0xFFFFFFFF  }
0xad: {  	[dreg:$0x0] =	wrdreg $0x60  }
0xae: {  	[dreg:$0x2] =	wrdreg s2  }
0xaf: {  	[dreg:$0x3] =	wrdreg s24  }
0xb0: {  	[dreg:$0x4] =	wrdreg $0xA  }
0xb1: {  	_ =	task.clear_ibuf [dreg:s7], $0x5FFFF;
	_ =	strace $0x90000046  }
0xb2: {  	s29 =	simm.s32 $0xA;
	_ =	strace $0x80000048  }
0xb3: {  	_ =	swait.ge [sflag:s29], $0x1  }
0xb4: {  	[sflag:s29] =	ssyncadd.s32 $0xFFFFFFFF  }
0xb5: {  	_ =	strace $0x90000048  }
0xb6: {  	_ =	sfence  }
0xb7: {  	s30 =	sld [smem:$0x0];
	_ =	sdelay $0x2  }
0xb8: {  	s31 =	sshll.u32 s1, $0xD;
	s1 =	sshrl.u32 s1, $0x2  }
0xb9: {  	s3 =	sand.u32 $0x4000, s31;
	s1 =	sadd.s32 s1, s30  }
0xba: {  	s0 =	sor.u32 s3, s0;
	s1 =	sshll.u32 s1, $0x11  }
0xbb: {  	s0 =	sor.u32 s1, s0  }
0xbc: {  	s0 =	sadd.s32 $0x8F2B, s0  }
0xbd: {  	[sflag:s0] =	ssyncadd.remote.s32 $0x1  }
0xbe: {  	_ =	sfence.sel $0xFFFF  }
0xbf: {  	[dreg:$0x0] =	wrdreg $0xFFFFFFFF;
	(pc) =	sbr.abs _section_cstart, $3  }
0xc0: {  	[dreg:$0x1] =	wrdreg $0xFFFFFFFF  }
0xc1: {  	_ =	task.clear_ibuf [dreg:s7], $0x2FFFF;
	_ =	strace $0x9FFFFFFF  }
0xc2: {  	(tm) =	ssettm $0x7FFFFFFF  }
0xc3: {  	_ =	shalt  }
tec
execute0_lowered:
.L_overlay_start_1:
0x0: {  	(tag) =	ssettag $0x1  }
0x1: {  	s1 =	srdreg.scid;
	s2 =	rddreg [dreg:$0x0]  }
0x2: {  	s0 =	stileid.u32;
	s5 =	rddreg [dreg:$0x1];
	s6 =	simm.s32 $0x1  }
0x3: {  	s9 =	simm.s32 $0x1;
	s10 =	simm.s32 $0x3;
	s1 =	sshll.u32 s1, $0x6  }
0x4: {  	s13 =	simm.s32 $0x0;
	s3 =	sshll.u32 s0, $0x7;
	s4 =	sand.u32 $0x40, s1  }
0x5: {  	s12 =	simm.s32 $0x0;
	s1 =	rddreg [dreg:$0x2];
	s3 =	sor.u32 s3, s4  }
0x6: {  	_ =	strace $0x80000047;
	s4 =	sadd.s32 $0x3200, s5;
	s8 =	ssub.s32 $0x1000, s3  }
.Ltmp0:
0x7: {  	s5 =	sadd.s32 $0x3400, s5;
	s7 =	sand.u32 $0x7C0, s8;
	(pc) =	sbr.rel .LBB2_1-.Ltmp0, $4  }
0x8: {  	[sflag:s6] =	ssyncpa.u1 $0x0;
	s11 =	smov.u32 s3;
	p0 =	sne.s32 s7, $0x0  }
0x9: {  	s8 =	sshrl.u32 s8, $0xB;
	s7 =	simm.s32 $0x2;
	s9 =	simm.s32 @!p0 $0x0  }
0xa: {  	[sflag:s7] =	ssyncpa.u1 $0x0;
	p0 =	por $0x0, $0x0;
	s8 =	sadd.s32 s9, s8  }
0xb: {  	vm0 =	vmmov $0xffff;
	[sflag:s10] =	ssyncpa.u1 $0x0;
	s10 =	simm.s32 $0x0;
	s9 =	sadd.s32 $0x1, s8  }
.LBB2_4:
0xc: {  	v2 =	vnsel vm1, $0x0, v2  }
0xd: {  	vm1 =	vgt.s32 v0, $0x0;
	v2 =	vmin.u32 v2, $0x1869F  }
0xe: {  	v0 =	vnsel vm1, $0x0, v0  }
0xf: {  	v0 =	vmin.u32 v0, $0x1869F  }
0x10: {  	[tilespmem:s15], [sflag:$0x1] =	stream.indirect_vreg.gather [hbm4b:s2+s10], $0x1, v1, vm0, $0x4038;
	[tilespmem:$0x100] =	vst v63  }
0x11: {  	(ifvalue) =	ssetifvalue $0x7FFFFFFF  }
0x12: {  	[tilespmem:s16], [sflag:$0x1] =	stream.indirect_vreg.gather [hbm4b:s2+s10], $0x1, v2, vm0, $0x4038;
	[tilespmem:$0x100] =	vst v63  }
0x13: {  	s29 =	sadd.s32 $0x10, s16;
	(ifvalue) =	ssetifvalue $0x7FFFFFFF  }
0x14: {  	[tilespmem:s29], [sflag:$0x1] =	stream.indirect_vreg.gather [hbm4b:s2+s10], $0x1, v0, vm0, $0x4038;
	[tilespmem:$0x100] =	vst v63  }
0x15: {  	_ =	swait.ge [sflag:s6], $0x40  }
0x16: {  	s30 =	sshrl.u32 s13, $0x3;
	[sflag:s6] =	ssyncset.done $0x0  }
0x17: {  	s31 =	sand.u32 $0x7, s13;
	s15 =	sadd.s32 s5, s30;
	[sflag:s6] =	ssyncadd.s32 $0xFFFFFFC0  }
0x18: {  	[hbm4b:s15+s31] =	stream.linear.scatter [tilespmem:s14], [sflag:$0x3], $0x40, $0x38;
	[tilespmem:$0x100] =	vst v63  }
.LBB2_5:
0x19: {  	s15 =	sadd.s32 $0x800, s11  }
0x1a: {  	p2 =	sgt.s32 s15, $0xFFF  }
0x1b: {  	s15 =	smov.u32 @p2 s3;
	p2 =	sne.s32 s12, s9  }
.Ltmp1:
0x1c: {  	p1 =	slt.u32 s12, $0x2;
	(pc) =	sbr.rel @!p2 .LBB2_6-.Ltmp1, $4  }
0x1d: {  	s14 =	simm.s32 @!p1 $0x3  }
0x1e: {  	s16 =	sadd.s32 $0x1, s12;
	_ =	swait.ge @!p1 [sflag:s14], $0x40  }
0x1f: {  	s13 =	smov.u32 s11;
	p0 =	por !p0, !p0;
	[sflag:s14] =	ssyncset.done @!p1 $0x0  }
0x20: {  	s12 =	smov.u32 s16;
	s11 =	smov.u32 s15;
	[sflag:s14] =	ssyncadd.s32 @!p1 $0xFFFFFFC0  }
.LBB2_1:
0x21: {  	p1 =	sge.u32 s12, s8  }
0x22: {  	s14 =	sxor.u32 @!p1 $0xFFFFFFFF, s12  }
0x23: {  	s31 =	sadd.s32 $0xFFFFFFFF, s12;
	s15 =	sshrl.u32 @!p1 s11, $0x3;
	s14 =	sshll.u32 @!p1 s14, $0x6  }
0x24: {  	s16 =	sand.u32 @!p1 $0x7, s11;
	s15 =	sadd.s32 @!p1 s4, s15;
	s14 =	sand.u32 @!p1 $0x40, s14  }
0x25: {  	[tilespmem:s14], [sflag:$0x2] =	stream.linear.gather @!p1 [hbm4b:s15+s16], $0x40, $0x38;
	[tilespmem:$0x100] =	vst v63  }
0x26: {  	p1 =	sge.u32 s31, s8  }
.Ltmp2:
0x27: {  	_ = 	snop;
	(pc) =	sbr.rel @p1 .LBB2_5-.Ltmp2, $1  }
0x28: {  	_ =	sdelay $0x3  }
0x29: {  	s14 =	simm.s32 $0x1  }
0x2a: {  	_ =	swait.ge [sflag:s7], $0x40;
	s14 =	simm.s32 @!p0 $0x0  }
0x2b: {  	[sflag:s7] =	ssyncset.done $0x0;
	s14 =	sshll.u32 s14, $0x6  }
0x2c: {  	[sflag:s7] =	ssyncadd.s32 $0xFFFFFFC0;
	(ifvalue) =	ssetifvalue $0x7FFFFFFF;
	v0 =	vld.msk [tilespmem:s14+$0x0 ss:$0x1], $0xffff;
	_ =	sdelay $0x4  }
0x2d: {  	s15 =	sadd.s32 $0x10, s14;
	vm1 =	vgt.s32 v0, $0x0  }
0x2e: {  	v2 =	vld.msk [tilespmem:s15+$0x0 ss:$0x1], $0xffff;
	v1 =	vnsel vm1, $0x0, v0  }
0x2f: {  	v1 =	vmin.u32 v1, $0x1869F;
	_ =	sdelay $0x1  }
0x30: {  	s16 =	sshll.u32 s12, $0x6;
	s18 =	simm.s32 $0x20  }
0x31: {  	s16 =	sand.u32 $0x40, s16;
	s17 =	sadd.s32 $0x10, s15;
	s15 =	sor.u32 $0x80, s14  }
0x32: {  	s14 =	sor.u32 $0x80, s16;
	s16 =	sadd.s32 $0x10, s15;
	v0 =	vld.msk [tilespmem:s17+$0x0 ss:$0x1], $0xffff;
	vm1 =	vgt.s32 v2, $0x0;
	(ifvalue) =	ssetifvalue $0x7FFFFFFF  }
.LBB2_3:
0x33: {  	[tilespmem:s15], [sflag:$0x1] =	stream.indirect_vreg.gather [hbm4b:s2+s10], $0x1, v1, vm0, $0x4038;
	[tilespmem:$0x100] =	vst v63  }
0x34: {  	s18 =	sadd.s32 $0x10, s18  }
0x35: {  	v2 =	vnsel vm1, $0x0, v2;
	p1 =	slt.u32 s18, $0x30  }
.Ltmp3:
0x36: {  	s15 =	smov.u32 s16;
	v1 =	vmin.u32 v2, $0x1869F;
	(pc) =	sbr.rel @p1 .LBB2_3-.Ltmp3, $3  }
0x37: {  	_ =	sdelay $0x1  }
0x38: {  	s17 =	sadd.s32 $0x10, s17  }
0x39: {  	vm1 =	vgt.s32 v0, $0x0;
	s16 =	sadd.s32 $0x10, s16;
	v2 =	vmov v0;
	(ifvalue) =	ssetifvalue $0x7FFFFFFF;
	v0 =	vld.msk [tilespmem:s17+$0x0 ss:$0x1], $0xffff  }
.Ltmp4:
0x3a: {  	_ = 	snop;
	(pc) =	sbr.rel .LBB2_4-.Ltmp4, $1  }
0x3b: {  	_ =	sdelay $0x3  }
.LBB2_6:
0x3c: {  	_ =	sfence.sel $0x180000  }
0x3d: {  	s2 =	simm.s32 $0x2;
	[bflag:$0x0] =	sbarrier.arrive $0xFFFF  }
0x3e: {  	s30 =	simm.s32 $0x3;
	[sflag:s2] =	ssyncpa.u1 $0x1  }
0x3f: {  	s31 =	simm.s32 $0x1;
	[sflag:s30] =	ssyncpa.u1 $0x1  }
0x40: {  	[sflag:s31] =	ssyncpa.u1 $0x1  }
0x41: {  	p0 =	sne.s32 s0, $0x0;
	_ =	strace $0x90000047  }
0x42: {  	s0 =	sadd.s32 @!p0 $0x100000, s1;
	[bflag:$0x2] =	sbarrier.arrive $0xFFFF  }
0x43: {  	[sflag:s0] =	ssyncadd.tile.s32 @!p0 $0x1;
	_ =	shalt  }
.Lfunc_end2:
_tile_overlayer_lowered:
.L_overlay_start_2:
0x44: {  	(tag) =	ssettag $0x2  }
0x45: {  	s0 =	rddreg [dreg:$0x0];
	s2 =	stileid.u32  }
0x46: {  	s1 =	rddreg [dreg:$0x1];
	p0 =	sne.s32 s2, $0x0  }
0x47: {  	s3 =	rddreg [dreg:$0x2];
	[bflag:$0x3] =	sbarrier.arrive $0xFFFF;
	s2 =	simm.s32 @!p0 $0x1C01  }
0x48: {  	[timem:s3], [sflag:s2] =	dma.local @!p0 [hbm:s0], s1  }
0x49: {  	s0 =	simm.s32 @!p0 $0x1  }
0x4a: {  	_ =	swait.ge @!p0 [sflag:s0], s1  }
0x4b: {  	s1 =	ssub.s32 @!p0 $0x0, s1;
	[sflag:s0] =	ssyncset.done @!p0 $0x0  }
0x4c: {  	[sflag:s0] =	ssyncadd.s32 @!p0 s1  }
0x4d: {  	[bflag:$0x3] =	sbarrier.arrive $0xFFFF  }
0x4e: {  	_ =	shalt  }

// kernel: gather_offload_async_start
scs
__scs_entry_jumppad:
0x0: {  	(pc) =	sbr.rel $0x88, $3  }
0x1: {  	(tag) =	ssettag $0x0;
	lr =	simm.s32 $0x1  }
0x2: {  	[smem:$0x3F9C] =	sst lr;
	_ =	strace $0xD0000000  }
0x3: {  	_ = 	snop  }
0x4: {  	_ = 	snop  }
0x5: {  	_ = 	snop  }
0x6: {  	_ = 	snop  }
0x7: {  	_ = 	snop  }
__scs_overlays_trampoline_lowered:
0x8: {  	[smem:$0x3FAB] =	sst s0  }
0x9: {  	[smem:$0x3FAC] =	sst s1  }
0xa: {  	[smem:$0x3FAD] =	sst s2  }
0xb: {  	[smem:$0x3FAE] =	sst s3  }
0xc: {  	[smem:$0x3FAF] =	sst s4  }
0xd: {  	[smem:$0x3FB0] =	sst s5  }
0xe: {  	[smem:$0x3FB1] =	sst s6  }
0xf: {  	[smem:$0x3FB2] =	sst s7  }
0x10: {  	[smem:$0x3FB3] =	sst s8  }
0x11: {  	[smem:$0x3FB4] =	sst s9;
	s0 =	simm.s32 @!p0 $0x0  }
0x12: {  	s1 =	sld [smem:$0x3F9A];
	s0 =	simm.s32 @p0 $0x1  }
0x13: {  	[smem:$0x3FB5] =	sst s0;
	s0 =	simm.s32 @!p1 $0x0  }
0x14: {  	s2 =	sld [smem:$0x3F99];
	s0 =	simm.s32 @p1 $0x1  }
0x15: {  	[smem:$0x3FB6] =	sst s0;
	s0 =	simm.s32 @!p2 $0x0  }
0x16: {  	s3 =	sld [smem:$0x3FDB];
	s0 =	simm.s32 @p2 $0x1  }
0x17: {  	s4 =	simm.s32 $0x1BF5;
	[smem:$0x3FB8] =	sst s0  }
0x18: {  	s0 =	sld [smem:$0x3F9B];
	_ =	swait.ge [sflag:s4], $0x0  }
0x19: {  	s7 =	sld [smem:$0x3F9C]  }
0x1a: {  	s8 =	sadd.s32 $0xFFFFE003, lr  }
0x1b: {  	s9 =	sadd.s32 $0xFFFFFEF7, lr;
	s5 =	simm.s32 $0xFFFFFFFF;
	p2 =	slt.u32 s8, $0xFFFFF086  }
0x1c: {  	p1 =	slt.u32 s9, $0xF7A;
	s5 =	simm.s32 @!p2 $0x0  }
0x1d: {  	s5 =	simm.s32 @p1 $0x1;
	p0 =	seq.s32 s7, s2  }
0x1e: {  	s7 =	smul.u32 @!p0 $0xF7A, s2;
	p2 =	seq.s32 @!p0 s5, $0x0  }
0x1f: {  	s9 =	smul.u32 $0xF7A, s1;
	s8 =	simm.s32 @!p0 $0x1BF5;
	p2 =	por !p2, p0  }
0x20: {  	[sflag:s8] =	ssyncset.s32 @!p0 $0xFFFFF086;
	s6 =	sadd.s32 @!p0 s3, s7;
	s7 =	simm.s32 @!p0 $0x108  }
0x21: {  	s3 =	sadd.s32 s3, s9;
	s6 =	sadd.s32 @!p0 $0x88, s6;
	s7 =	simm.s32 @p2 $0x1082  }
0x22: {  	[simem:s7], [sflag:s8] =	dma.local @!p0 [hbm:s6], $0xF7A  }
0x23: {  	s9 =	sor.u32 $0xD0000000, s2;
	s6 =	simm.s32 $0x108;
	_ =	swait.ge @!p0 [sflag:s8], $0x0  }
0x24: {  	s3 =	sadd.s32 $0x88, s3;
	s6 =	simm.s32 @!p1 $0x1082;
	[sflag:s4] =	ssyncset.s32 $0xFFFFF086  }
0x25: {  	[simem:s6], [sflag:s4] =	dma.local [hbm:s3], $0xF7A  }
0x26: {  	[smem:$0x3F9C] =	sst s1;
	(tag) =	ssettag s2;
	_ =	strace s9  }
0x27: {  	s1 =	sld [smem:$0x3FAC]  }
0x28: {  	s2 =	sld [smem:$0x3FAD]  }
0x29: {  	s4 =	sld [smem:$0x3FAF]  }
0x2a: {  	p0 =	seq.s32 s5, $0x0;
	s5 =	sld [smem:$0x3FB0]  }
0x2b: {  	s6 =	sld [smem:$0x3FB1]  }
0x2c: {  	s7 =	sld [smem:$0x3FB2]  }
0x2d: {  	s3 =	simm.s32 $0x108;
	s8 =	sld [smem:$0x3FB3]  }
0x2e: {  	s3 =	simm.s32 @!p0 $0x1082;
	s9 =	sld [smem:$0x3FB4]  }
0x2f: {  	lr =	sadd.s32 s0, s3;
	s0 =	sld [smem:$0x3FAB]  }
0x30: {  	s3 =	sld [smem:$0x3FAE]  }
0x31: {  	[smem:$0x3FB7] =	sst s10  }
0x32: {  	s10 =	sld [smem:$0x3FB5];
	_ =	sdelay $0x3  }
0x33: {  	p0 =	seq.s32 s10, $0x1;
	s10 =	sld [smem:$0x3FB7];
	_ =	sdelay $0x3  }
0x34: {  	[smem:$0x3FB7] =	sst s10  }
0x35: {  	s10 =	sld [smem:$0x3FB6];
	_ =	sdelay $0x3  }
0x36: {  	p1 =	seq.s32 s10, $0x1;
	s10 =	sld [smem:$0x3FB7];
	_ =	sdelay $0x3  }
0x37: {  	[smem:$0x3FB7] =	sst s10  }
0x38: {  	s10 =	sld [smem:$0x3FB8]  }
0x39: {  	_ = 	snop;
	(pc) =	sbr.ind lr, $3  }
0x3a: {  	_ = 	snop  }
0x3b: {  	_ = 	snop  }
0x3c: {  	p2 =	seq.s32 s10, $0x1;
	s10 =	sld [smem:$0x3FB7]  }
0x3d: {  	_ =	shalt  }
0x3e: {  	_ =	shalt  }
0x3f: {  	_ =	shalt  }
0x40: {  	_ =	shalt  }
0x41: {  	_ =	shalt  }
0x42: {  	_ =	shalt  }
0x43: {  	_ =	shalt  }
0x44: {  	_ =	shalt  }
0x45: {  	_ =	shalt  }
0x46: {  	_ =	shalt  }
0x47: {  	_ =	shalt  }
0x48: {  	_ =	shalt  }
0x49: {  	_ =	shalt  }
0x4a: {  	_ =	shalt  }
0x4b: {  	_ =	shalt  }
0x4c: {  	_ =	shalt  }
0x4d: {  	_ =	shalt  }
0x4e: {  	_ =	shalt  }
0x4f: {  	_ =	shalt  }
0x50: {  	_ =	shalt  }
0x51: {  	_ =	shalt  }
0x52: {  	_ =	shalt  }
0x53: {  	_ =	shalt  }
0x54: {  	_ =	shalt  }
0x55: {  	_ =	shalt  }
0x56: {  	_ =	shalt  }
0x57: {  	_ =	shalt  }
0x58: {  	_ =	shalt  }
0x59: {  	_ =	shalt  }
0x5a: {  	_ =	shalt  }
0x5b: {  	_ =	shalt  }
0x5c: {  	_ =	shalt  }
0x5d: {  	_ =	shalt  }
0x5e: {  	_ =	shalt  }
0x5f: {  	_ =	shalt  }
0x60: {  	_ =	shalt  }
0x61: {  	_ =	shalt  }
0x62: {  	_ =	shalt  }
0x63: {  	_ =	shalt  }
0x64: {  	_ =	shalt  }
0x65: {  	_ =	shalt  }
0x66: {  	_ =	shalt  }
0x67: {  	_ =	shalt  }
0x68: {  	_ =	shalt  }
0x69: {  	_ =	shalt  }
0x6a: {  	_ =	shalt  }
0x6b: {  	_ =	shalt  }
0x6c: {  	_ =	shalt  }
0x6d: {  	_ =	shalt  }
0x6e: {  	_ =	shalt  }
0x6f: {  	_ =	shalt  }
0x70: {  	_ =	shalt  }
0x71: {  	_ =	shalt  }
0x72: {  	_ =	shalt  }
0x73: {  	_ =	shalt  }
0x74: {  	_ =	shalt  }
0x75: {  	_ =	shalt  }
0x76: {  	_ =	shalt  }
0x77: {  	_ =	shalt  }
0x78: {  	_ =	shalt  }
0x79: {  	_ =	shalt  }
0x7a: {  	_ =	shalt  }
0x7b: {  	_ =	shalt  }
0x7c: {  	_ =	shalt  }
0x7d: {  	_ =	shalt  }
0x7e: {  	_ =	shalt  }
0x7f: {  	_ =	shalt  }
0x80: {  	_ =	shalt  }
0x81: {  	_ =	shalt  }
0x82: {  	_ =	shalt  }
0x83: {  	_ =	shalt  }
0x84: {  	_ =	shalt  }
0x85: {  	_ =	shalt  }
0x86: {  	_ =	shalt  }
0x87: {  	_ =	shalt  }
.Lfunc_end0:
.L_simem_size_0:
called_computation_lowered:
.L_overlay_start_0:
0x88: {  	s2 =	sld [smem:$0x3FD9]  }
0x89: {  	s3 =	sld [smem:$0x3FFE];
	_ =	sdelay $0x1  }
0x8a: {  	s1 =	srdreg.scid  }
0x8b: {  	s0 =	sand.u32 $0x1, s1  }
0x8c: {  	s17 =	sshll.u32 s0, $0xA;
	s2 =	sadd.s32 s3, s2  }
0x8d: {  	s2 =	sadd.s32 s2, s17  }
0x8e: {  	[smem:$0x3FC3] =	sst s2  }
0x8f: {  	_ = 	snop  }
0x90: {  	(tm) =	ssettm $0x1  }
0x91: {  	s18 =	sld [smem:$0x3FFB];
	_ =	sdelay $0x3  }
0x92: {  	_ =	strace s18  }
0x93: {  	s2 =	sld [smem:$0x3FFC];
	_ =	sdelay $0x3  }
0x94: {  	_ =	strace s2  }
0x95: {  	s2 =	sld [smem:$0x3FFD];
	_ =	sdelay $0x3  }
0x96: {  	_ =	strace s2  }
0x97: {  	_ =	strace $0x8FFFFFFF  }
0x98: {  	s19 =	sld [smem:$0x3FDB];
	_ =	sdelay $0x1  }
0x99: {  	s20 =	simm.s32 $_scs_section_size  }
0x9a: {  	s4 =	simm.s32 $_size__tile_overlayer_lowered;
	s5 =	simm.s32 $_tile_overlayer_lowered  }
0x9b: {  	s6 =	simm.s32 $0x1BFF;
	s21 =	sshll.u32 s5, $0x1;
	s3 =	sadd.s32 s20, s19  }
0x9c: {  	s22 =	simm.s32 $0x0;
	s4 =	sshll.u32 s4, $0x1;
	s5 =	sadd.s32 s21, s3  }
0x9d: {  	[timem:s22], [sflag:s6] =	dma.local [hbm:s5], s4  }
0x9e: {  	_ =	swait.ge [sflag:s6], s4  }
0x9f: {  	s4 =	ssub.s32 $0x0, s4;
	[sflag:s6] =	ssyncset.done $0x0  }
0xa0: {  	[sflag:s6] =	ssyncadd.s32 s4;
	_ =	sdelay $0x1  }
0xa1: {  	s23 =	simm.s32 $0x1B8B  }
0xa2: {  	_ =	swait.ge [sflag:s23], $0x1  }
0xa3: {  	[sflag:s23] =	ssyncset.done $0x0  }
0xa4: {  	[sflag:s23] =	ssyncadd.s32 $0xFFFFFFFF  }
0xa5: {  	s4 =	sld [smem:$0x0]  }
0xa6: {  	s5 =	sand.u32 $0xFFFFFFFE, s1  }
0xa7: {  	p0 =	sne.s32 s1, s5  }
0xa8: {  	s5 =	sshll.u32 @p0 s5, $0xE  }
0xa9: {  	s5 =	sadd.s32 @p0 $0x11B8D, s5;
	s6 =	sshll.u32 @p0 s4, $0x11  }
0xaa: {  	s5 =	sor.u32 @p0 s6, s5  }
0xab: {  	[sflag:s5] =	ssyncadd.remote.s32 @p0 $0x1;
	_ =	sdelay $0x1  }
0xac: {  	s5 =	simm.s32 @p0 $0x1B8D  }
0xad: {  	_ =	swait.eq @p0 [sflag:s5], $0x1  }
0xae: {  	[sflag:s5] =	ssyncadd.s32 @p0 $0xFFFFFFFF  }
0xaf: {  	s6 =	sshll.u32 @!p0 s1, $0xE  }
0xb0: {  	s6 =	sor.u32 @!p0 $0x4000, s6;
	s5 =	simm.s32 @!p0 $0x1B8D  }
0xb1: {  	s4 =	sshll.u32 @!p0 s4, $0x11;
	s6 =	sadd.s32 @!p0 $0x11B8D, s6;
	_ =	swait.eq @!p0 [sflag:s5], $0x1  }
0xb2: {  	s4 =	sor.u32 @!p0 s4, s6;
	[sflag:s5] =	ssyncadd.s32 @!p0 $0xFFFFFFFF  }
0xb3: {  	s25 =	simm.s32 $0x1B8E;
	s24 =	sld [smem:$0x3FFE];
	[sflag:s4] =	ssyncadd.remote.s32 @!p0 $0x1  }
0xb4: {  	s26 =	simm.s32 $execute0_lowered;
	[smem:$0x3FD2] =	sst s25  }
0xb5: {  	s5 =	sshll.u32 s26, $0x1;
	_ =	strace $0x80000049;
	[dreg:$0x1] =	wrdreg $0xFFFFFFFF  }
0xb6: {  	s28 =	simm.s32 $_size_execute0_lowered;
	s3 =	sadd.s32 s3, s5;
	[dreg:$0x0] =	wrdreg $0x0  }
0xb7: {  	s5 =	sshll.u32 s28, $0x1;
	[dreg:$0x2] =	wrdreg s3  }
0xb8: {  	[dreg:$0x3] =	wrdreg s5  }
0xb9: {  	[dreg:$0x4] =	wrdreg $0xC0  }
0xba: {  	_ =	task [dreg:s22], $0x5FFFF  }
0xbb: {  	[dreg:$0x1] =	wrdreg $0xFFFFFFFF  }
0xbc: {  	[dreg:$0x0] =	wrdreg $0x60  }
0xbd: {  	[dreg:$0x2] =	wrdreg s24  }
0xbe: {  	[dreg:$0x3] =	wrdreg $0x9  }
0xbf: {  	_ =	task.clear_ibuf [dreg:s22], $0x4FFFF;
	_ =	strace $0x90000049  }
0xc0: {  	s29 =	simm.s32 $0x9;
	_ =	strace $0x8000004B  }
0xc1: {  	_ =	swait.ge [sflag:s29], $0x1  }
0xc2: {  	[sflag:s29] =	ssyncadd.s32 $0xFFFFFFFF  }
0xc3: {  	_ =	strace $0x9000004B  }
0xc4: {  	_ =	sfence  }
0xc5: {  	s30 =	sld [smem:$0x0];
	_ =	sdelay $0x2  }
0xc6: {  	s31 =	sshll.u32 s1, $0xD;
	s1 =	sshrl.u32 s1, $0x2  }
0xc7: {  	s4 =	sand.u32 $0x4000, s31;
	s1 =	sadd.s32 s1, s30  }
0xc8: {  	s0 =	sor.u32 s4, s0;
	s1 =	sshll.u32 s1, $0x11  }
0xc9: {  	s0 =	sor.u32 s1, s0  }
0xca: {  	s0 =	sadd.s32 $0x8F2B, s0  }
0xcb: {  	[sflag:s0] =	ssyncadd.remote.s32 $0x1  }
0xcc: {  	_ =	sfence.sel $0xFFFF  }
0xcd: {  	[dreg:$0x0] =	wrdreg $0xFFFFFFFF;
	(pc) =	sbr.abs _section_cstart, $3  }
0xce: {  	[dreg:$0x1] =	wrdreg $0xFFFFFFFF  }
0xcf: {  	_ =	task.clear_ibuf [dreg:s22], $0x2FFFF;
	_ =	strace $0x9FFFFFFF  }
0xd0: {  	(tm) =	ssettm $0x7FFFFFFF  }
0xd1: {  	_ =	shalt  }
tec
execute0_lowered:
.L_overlay_start_1:
0x0: {  	(tag) =	ssettag $0x1  }
0x1: {  	s7 =	rddreg [dreg:$0x0]  }
0x2: {  	s0 =	rddreg [dreg:$0x1];
	_ =	strace $0x8000004A  }
0x3: {  	s1 =	srdreg.scid;
	s4 =	simm.s32 $0x1;
	s9 =	simm.s32 $0x3  }
0x4: {  	s12 =	simm.s32 $0x0;
	s10 =	simm.s32 $0x0;
	s5 =	sshll.u32 s1, $0x4  }
.Ltmp0:
0x5: {  	s1 =	stileid.u32;
	s5 =	sand.u32 $0x10, s5;
	(pc) =	sbr.rel .LBB2_1-.Ltmp0, $4  }
0x6: {  	s2 =	sadd.s32 $0x3600, s7;
	s3 =	sadd.s32 $0x3200, s7;
	s6 =	sor.u32 s1, s5  }
0x7: {  	[sflag:s4] =	ssyncpa.u1 $0x0;
	s5 =	simm.s32 $0x2;
	s6 =	sshll.u32 s6, $0x7  }
0x8: {  	s7 =	sadd.s32 $0x18A000, s7;
	[sflag:s5] =	ssyncpa.u1 $0x0;
	s8 =	sadd.s32 $0x80, s6  }
0x9: {  	vm0 =	vmmov $0xff;
	vm1 =	vcmask $0x3F20;
	[sflag:s9] =	ssyncpa.u1 $0x0;
	s9 =	simm.s32 $0x80;
	s11 =	smov.u32 s6  }
.LBB2_9:
0xa: {  	p0 =	seq.s32 s10, $0x2  }
.Ltmp1:
0xb: {  	_ = 	snop;
	(pc) =	sbr.rel @p0 .LBB2_11-.Ltmp1, $1  }
0xc: {  	_ =	sdelay $0x3  }
.LBB2_10:
0xd: {  	s12 =	sadd.s32 $0x80, s11  }
0xe: {  	s13 =	smov.u32 s6;
	p0 =	slt.s32 s12, s8  }
0xf: {  	s13 =	smov.u32 @p0 s12  }
0x10: {  	s10 =	sadd.s32 $0x1, s10;
	s12 =	smov.u32 s11;
	s11 =	smov.u32 s13  }
.LBB2_1:
0x11: {  	p0 =	sne.s32 s10, $0x0  }
.Ltmp2:
0x12: {  	_ = 	snop;
	(pc) =	sbr.rel @!p0 .LBB2_2-.Ltmp2, $1  }
0x13: {  	_ =	sdelay $0x3  }
0x14: {  	s13 =	sand.u32 $0x1, s10  }
0x15: {  	p0 =	seq.s32 s13, $0x0  }
.Ltmp3:
0x16: {  	_ = 	snop;
	(pc) =	sbr.rel @p0 .LBB2_9-.Ltmp3, $1  }
0x17: {  	_ =	sdelay $0x3  }
0x18: {  	_ =	swait.ge [sflag:s5], $0x80  }
0x19: {  	[sflag:s5] =	ssyncset.done $0x0  }
0x1a: {  	s13 =	simm.s32 $0x0;
	[sflag:s5] =	ssyncadd.s32 $0xFFFFFF80  }
0x1b: {  	v0 =	vld.msk [tilespmem:s13+$0x80 ss:$0x1], $0xffff;
	_ =	sdelay $0x4  }
0x1c: {  	vm2 =	vgt.s32 v0, $0x0  }
0x1d: {  	v0 =	vnsel vm2, $0x0, v0  }
0x1e: {  	v0 =	vmin.u32 v0, $0x1869F  }
0x1f: {  	v0 =	vshll.u32 v0, $0x4;
	_ =	sdelay $0x3  }
0x20: {  	s13 =	simm.s32 $0x4100  }
0x21: {  	[tilespmem:s13], [sflag:$0x1] =	stream.indirect_vreg.gather [hbm:s2], $0x80, v0, vm0, $0x38;
	[tilespmem:$0x8100] =	vst v63  }
0x22: {  	s14 =	simm.s32 $0x4500;
	s31 =	simm.s32 $0x10  }
0x23: {  	[tilespmem:s14], [sflag:$0x1] =	stream.indirect_vreg.gather [hbm:s2], $0x80, v0, vm1, $0x38;
	[tilespmem:$0x8100] =	vst v63  }
0x24: {  	s14 =	simm.s32 $0x80;
	v0 =	vld.msk [tilespmem:s31+$0x80 ss:$0x1], $0xffff  }
.LBB2_5:
0x25: {  	p0 =	sne.s32 s14, $0x1C0;
	_ =	sdelay $0x4  }
0x26: {  	vm2 =	vgt.s32 v0, $0x0  }
0x27: {  	v0 =	vnsel vm2, $0x0, v0  }
0x28: {  	v0 =	vmin.u32 v0, $0x1869F  }
0x29: {  	v0 =	vshll.u32 v0, $0x4;
	_ =	sdelay $0x3  }
.Ltmp4:
0x2a: {  	s13 =	sadd.s32 $0x800, s13;
	(pc) =	sbr.rel @p0 .LBB2_5-.Ltmp4, $4  }
0x2b: {  	[tilespmem:s13], [sflag:$0x1] =	stream.indirect_vreg.gather [hbm:s2], $0x80, v0, vm0, $0x38;
	[tilespmem:$0x8100] =	vst v63  }
0x2c: {  	s15 =	sshra.s32 s14, $0x2;
	s16 =	sadd.s32 $0x400, s13  }
0x2d: {  	[tilespmem:s16], [sflag:$0x1] =	stream.indirect_vreg.gather [hbm:s2], $0x80, v0, vm1, $0x38;
	[tilespmem:$0x8100] =	vst v63  }
0x2e: {  	s14 =	sadd.s32 $0x40, s14;
	v0 =	vld.msk [tilespmem:s15+$0x80 ss:$0x1], $0xffff  }
0x2f: {  	_ =	sdelay $0x3  }
0x30: {  	vm2 =	vgt.s32 v0, $0x0  }
0x31: {  	v0 =	vnsel vm2, $0x0, v0  }
0x32: {  	v0 =	vmin.u32 v0, $0x1869F  }
0x33: {  	v0 =	vshll.u32 v0, $0x4;
	_ =	sdelay $0x3  }
0x34: {  	s13 =	sadd.s32 $0x800, s13  }
0x35: {  	[tilespmem:s13], [sflag:$0x1] =	stream.indirect_vreg.gather [hbm:s2], $0x80, v0, vm0, $0x38;
	[tilespmem:$0x8100] =	vst v63  }
0x36: {  	s13 =	sadd.s32 $0x400, s13  }
0x37: {  	[tilespmem:s13], [sflag:$0x1] =	stream.indirect_vreg.gather [hbm:s2], $0x80, v0, vm1, $0x38;
	[tilespmem:$0x8100] =	vst v63  }
0x38: {  	s12 =	sshll.u32 s12, $0x4;
	s14 =	simm.s32 $0x80;
	_ =	swait.ge [sflag:s4], $0x4000  }
0x39: {  	s15 =	simm.s32 $0x4500;
	s12 =	sadd.s32 s12, s7;
	[sflag:s4] =	ssyncset.done $0x0  }
0x3a: {  	s16 =	sadd.s32 $0x0, s12;
	s13 =	simm.s32 $0x4100;
	[sflag:s4] =	ssyncadd.s32 $0xFFFFC000  }
.LBB2_7:
0x3b: {  	[hbm:s16] =	stream.linear.scatter [tilespmem:s13], [sflag:$0x3], $0x400, $0x38;
	[tilespmem:$0x8100] =	vst v63  }
0x3c: {  	s16 =	smov.u32 s14;
	s13 =	smov.u32 s15;
	p0 =	sne.s32 s14, $0x780  }
.Ltmp5:
0x3d: {  	s14 =	sadd.s32 $0x80, s14;
	(pc) =	sbr.rel @p0 .LBB2_7-.Ltmp5, $2  }
0x3e: {  	_ =	sdelay $0x2  }
0x3f: {  	s15 =	sadd.s32 $0x400, s15;
	s16 =	sadd.s32 s16, s12  }
.Ltmp6:
0x40: {  	(pc) =	sbr.rel .LBB2_9-.Ltmp6, $2  }
0x41: {  	_ =	sdelay $0x2  }
0x42: {  	[hbm:s16] =	stream.linear.scatter [tilespmem:s13], [sflag:$0x3], $0x400, $0x38;
	[tilespmem:$0x8100] =	vst v63  }
.LBB2_2:
.Ltmp7:
0x43: {  	(pc) =	sbr.rel .LBB2_10-.Ltmp7, $4  }
0x44: {  	_ = 	snop  }
0x45: {  	s12 =	sshrl.u32 s11, $0x3  }
0x46: {  	s13 =	sand.u32 $0x7, s11;
	s12 =	sadd.s32 s3, s12  }
0x47: {  	[tilespmem:s9], [sflag:$0x2] =	stream.linear.gather [hbm4b:s12+s13], $0x80, $0x38;
	[tilespmem:$0x8100] =	vst v63  }
.LBB2_11:
0x48: {  	s2 =	simm.s32 $0x3  }
0x49: {  	_ =	swait.ge [sflag:s2], $0x4000  }
0x4a: {  	[sflag:s2] =	ssyncset.done $0x0  }
0x4b: {  	[sflag:s2] =	ssyncadd.s32 $0xFFFFC000  }
0x4c: {  	_ =	sfence.sel $0x180000  }
0x4d: {  	s3 =	simm.s32 $0x2;
	[bflag:$0x0] =	sbarrier.arrive $0xFFFF  }
0x4e: {  	[sflag:s3] =	ssyncpa.u1 $0x1  }
0x4f: {  	s31 =	simm.s32 $0x1;
	[sflag:s2] =	ssyncpa.u1 $0x1  }
0x50: {  	[sflag:s31] =	ssyncpa.u1 $0x1  }
0x51: {  	p0 =	sne.s32 s1, $0x0;
	_ =	strace $0x9000004A  }
0x52: {  	s0 =	sadd.s32 @!p0 $0x100000, s0;
	[bflag:$0x2] =	sbarrier.arrive $0xFFFF  }
0x53: {  	[sflag:s0] =	ssyncadd.tile.s32 @!p0 $0x1;
	_ =	shalt  }
.Lfunc_end2:
_tile_overlayer_lowered:
.L_overlay_start_2:
0x54: {  	(tag) =	ssettag $0x2  }
0x55: {  	s0 =	rddreg [dreg:$0x0];
	s2 =	stileid.u32  }
0x56: {  	s1 =	rddreg [dreg:$0x1];
	p0 =	sne.s32 s2, $0x0  }
0x57: {  	s3 =	rddreg [dreg:$0x2];
	[bflag:$0x3] =	sbarrier.arrive $0xFFFF;
	s2 =	simm.s32 @!p0 $0x1C01  }
0x58: {  	[timem:s3], [sflag:s2] =	dma.local @!p0 [hbm:s0], s1  }
0x59: {  	s0 =	simm.s32 @!p0 $0x1  }
0x5a: {  	_ =	swait.ge @!p0 [sflag:s0], s1  }
0x5b: {  	s1 =	ssub.s32 @!p0 $0x0, s1;
	[sflag:s0] =	ssyncset.done @!p0 $0x0  }
0x5c: {  	[sflag:s0] =	ssyncadd.s32 @!p0 s1  }
0x5d: {  	[bflag:$0x3] =	sbarrier.arrive $0xFFFF  }
0x5e: {  	_ =	shalt  }

// kernel: kernel.5.cloned.1.call-start
scs
__scs_entry_jumppad:
0x0: {  	(pc) =	sbr.rel $0x88, $3  }
0x1: {  	(tag) =	ssettag $0x0;
	lr =	simm.s32 $0x1  }
0x2: {  	[smem:$0x3F9C] =	sst lr;
	_ =	strace $0xD0000000  }
0x3: {  	_ = 	snop  }
0x4: {  	_ = 	snop  }
0x5: {  	_ = 	snop  }
0x6: {  	_ = 	snop  }
0x7: {  	_ = 	snop  }
__scs_overlays_trampoline_lowered:
0x8: {  	[smem:$0x3FAB] =	sst s0  }
0x9: {  	[smem:$0x3FAC] =	sst s1  }
0xa: {  	[smem:$0x3FAD] =	sst s2  }
0xb: {  	[smem:$0x3FAE] =	sst s3  }
0xc: {  	[smem:$0x3FAF] =	sst s4  }
0xd: {  	[smem:$0x3FB0] =	sst s5  }
0xe: {  	[smem:$0x3FB1] =	sst s6  }
0xf: {  	[smem:$0x3FB2] =	sst s7  }
0x10: {  	[smem:$0x3FB3] =	sst s8  }
0x11: {  	[smem:$0x3FB4] =	sst s9;
	s0 =	simm.s32 @!p0 $0x0  }
0x12: {  	s1 =	sld [smem:$0x3F9A];
	s0 =	simm.s32 @p0 $0x1  }
0x13: {  	[smem:$0x3FB5] =	sst s0;
	s0 =	simm.s32 @!p1 $0x0  }
0x14: {  	s2 =	sld [smem:$0x3F99];
	s0 =	simm.s32 @p1 $0x1  }
0x15: {  	[smem:$0x3FB6] =	sst s0;
	s0 =	simm.s32 @!p2 $0x0  }
0x16: {  	s3 =	sld [smem:$0x3FDB];
	s0 =	simm.s32 @p2 $0x1  }
0x17: {  	s4 =	simm.s32 $0x1BF5;
	[smem:$0x3FB8] =	sst s0  }
0x18: {  	s0 =	sld [smem:$0x3F9B];
	_ =	swait.ge [sflag:s4], $0x0  }
0x19: {  	s7 =	sld [smem:$0x3F9C]  }
0x1a: {  	s8 =	sadd.s32 $0xFFFFE003, lr  }
0x1b: {  	s9 =	sadd.s32 $0xFFFFFEF7, lr;
	s5 =	simm.s32 $0xFFFFFFFF;
	p2 =	slt.u32 s8, $0xFFFFF086  }
0x1c: {  	p1 =	slt.u32 s9, $0xF7A;
	s5 =	simm.s32 @!p2 $0x0  }
0x1d: {  	s5 =	simm.s32 @p1 $0x1;
	p0 =	seq.s32 s7, s2  }
0x1e: {  	s7 =	smul.u32 @!p0 $0xF7A, s2;
	p2 =	seq.s32 @!p0 s5, $0x0  }
0x1f: {  	s9 =	smul.u32 $0xF7A, s1;
	s8 =	simm.s32 @!p0 $0x1BF5;
	p2 =	por !p2, p0  }
0x20: {  	[sflag:s8] =	ssyncset.s32 @!p0 $0xFFFFF086;
	s6 =	sadd.s32 @!p0 s3, s7;
	s7 =	simm.s32 @!p0 $0x108  }
0x21: {  	s3 =	sadd.s32 s3, s9;
	s6 =	sadd.s32 @!p0 $0x88, s6;
	s7 =	simm.s32 @p2 $0x1082  }
0x22: {  	[simem:s7], [sflag:s8] =	dma.local @!p0 [hbm:s6], $0xF7A  }
0x23: {  	s9 =	sor.u32 $0xD0000000, s2;
	s6 =	simm.s32 $0x108;
	_ =	swait.ge @!p0 [sflag:s8], $0x0  }
0x24: {  	s3 =	sadd.s32 $0x88, s3;
	s6 =	simm.s32 @!p1 $0x1082;
	[sflag:s4] =	ssyncset.s32 $0xFFFFF086  }
0x25: {  	[simem:s6], [sflag:s4] =	dma.local [hbm:s3], $0xF7A  }
0x26: {  	[smem:$0x3F9C] =	sst s1;
	(tag) =	ssettag s2;
	_ =	strace s9  }
0x27: {  	s1 =	sld [smem:$0x3FAC]  }
0x28: {  	s2 =	sld [smem:$0x3FAD]  }
0x29: {  	s4 =	sld [smem:$0x3FAF]  }
0x2a: {  	p0 =	seq.s32 s5, $0x0;
	s5 =	sld [smem:$0x3FB0]  }
0x2b: {  	s6 =	sld [smem:$0x3FB1]  }
0x2c: {  	s7 =	sld [smem:$0x3FB2]  }
0x2d: {  	s3 =	simm.s32 $0x108;
	s8 =	sld [smem:$0x3FB3]  }
0x2e: {  	s3 =	simm.s32 @!p0 $0x1082;
	s9 =	sld [smem:$0x3FB4]  }
0x2f: {  	lr =	sadd.s32 s0, s3;
	s0 =	sld [smem:$0x3FAB]  }
0x30: {  	s3 =	sld [smem:$0x3FAE]  }
0x31: {  	[smem:$0x3FB7] =	sst s10  }
0x32: {  	s10 =	sld [smem:$0x3FB5];
	_ =	sdelay $0x3  }
0x33: {  	p0 =	seq.s32 s10, $0x1;
	s10 =	sld [smem:$0x3FB7];
	_ =	sdelay $0x3  }
0x34: {  	[smem:$0x3FB7] =	sst s10  }
0x35: {  	s10 =	sld [smem:$0x3FB6];
	_ =	sdelay $0x3  }
0x36: {  	p1 =	seq.s32 s10, $0x1;
	s10 =	sld [smem:$0x3FB7];
	_ =	sdelay $0x3  }
0x37: {  	[smem:$0x3FB7] =	sst s10  }
0x38: {  	s10 =	sld [smem:$0x3FB8]  }
0x39: {  	_ = 	snop;
	(pc) =	sbr.ind lr, $3  }
0x3a: {  	_ = 	snop  }
0x3b: {  	_ = 	snop  }
0x3c: {  	p2 =	seq.s32 s10, $0x1;
	s10 =	sld [smem:$0x3FB7]  }
0x3d: {  	_ =	shalt  }
0x3e: {  	_ =	shalt  }
0x3f: {  	_ =	shalt  }
0x40: {  	_ =	shalt  }
0x41: {  	_ =	shalt  }
0x42: {  	_ =	shalt  }
0x43: {  	_ =	shalt  }
0x44: {  	_ =	shalt  }
0x45: {  	_ =	shalt  }
0x46: {  	_ =	shalt  }
0x47: {  	_ =	shalt  }
0x48: {  	_ =	shalt  }
0x49: {  	_ =	shalt  }
0x4a: {  	_ =	shalt  }
0x4b: {  	_ =	shalt  }
0x4c: {  	_ =	shalt  }
0x4d: {  	_ =	shalt  }
0x4e: {  	_ =	shalt  }
0x4f: {  	_ =	shalt  }
0x50: {  	_ =	shalt  }
0x51: {  	_ =	shalt  }
0x52: {  	_ =	shalt  }
0x53: {  	_ =	shalt  }
0x54: {  	_ =	shalt  }
0x55: {  	_ =	shalt  }
0x56: {  	_ =	shalt  }
0x57: {  	_ =	shalt  }
0x58: {  	_ =	shalt  }
0x59: {  	_ =	shalt  }
0x5a: {  	_ =	shalt  }
0x5b: {  	_ =	shalt  }
0x5c: {  	_ =	shalt  }
0x5d: {  	_ =	shalt  }
0x5e: {  	_ =	shalt  }
0x5f: {  	_ =	shalt  }
0x60: {  	_ =	shalt  }
0x61: {  	_ =	shalt  }
0x62: {  	_ =	shalt  }
0x63: {  	_ =	shalt  }
0x64: {  	_ =	shalt  }
0x65: {  	_ =	shalt  }
0x66: {  	_ =	shalt  }
0x67: {  	_ =	shalt  }
0x68: {  	_ =	shalt  }
0x69: {  	_ =	shalt  }
0x6a: {  	_ =	shalt  }
0x6b: {  	_ =	shalt  }
0x6c: {  	_ =	shalt  }
0x6d: {  	_ =	shalt  }
0x6e: {  	_ =	shalt  }
0x6f: {  	_ =	shalt  }
0x70: {  	_ =	shalt  }
0x71: {  	_ =	shalt  }
0x72: {  	_ =	shalt  }
0x73: {  	_ =	shalt  }
0x74: {  	_ =	shalt  }
0x75: {  	_ =	shalt  }
0x76: {  	_ =	shalt  }
0x77: {  	_ =	shalt  }
0x78: {  	_ =	shalt  }
0x79: {  	_ =	shalt  }
0x7a: {  	_ =	shalt  }
0x7b: {  	_ =	shalt  }
0x7c: {  	_ =	shalt  }
0x7d: {  	_ =	shalt  }
0x7e: {  	_ =	shalt  }
0x7f: {  	_ =	shalt  }
0x80: {  	_ =	shalt  }
0x81: {  	_ =	shalt  }
0x82: {  	_ =	shalt  }
0x83: {  	_ =	shalt  }
0x84: {  	_ =	shalt  }
0x85: {  	_ =	shalt  }
0x86: {  	_ =	shalt  }
0x87: {  	_ =	shalt  }
.Lfunc_end0:
.L_simem_size_0:
called_computation.2_lowered:
.L_overlay_start_0:
0x88: {  	s2 =	sld [smem:$0x3FD9]  }
0x89: {  	s3 =	sld [smem:$0x3FFE];
	_ =	sdelay $0x1  }
0x8a: {  	s1 =	srdreg.scid  }
0x8b: {  	s0 =	sand.u32 $0x1, s1  }
0x8c: {  	s17 =	sshll.u32 s0, $0xA;
	s2 =	sadd.s32 s3, s2  }
0x8d: {  	s2 =	sadd.s32 s2, s17  }
0x8e: {  	[smem:$0x3FC3] =	sst s2  }
0x8f: {  	_ = 	snop  }
0x90: {  	(tm) =	ssettm $0x1  }
0x91: {  	s18 =	sld [smem:$0x3FFB];
	_ =	sdelay $0x3  }
0x92: {  	_ =	strace s18  }
0x93: {  	s2 =	sld [smem:$0x3FFC];
	_ =	sdelay $0x3  }
0x94: {  	_ =	strace s2  }
0x95: {  	s2 =	sld [smem:$0x3FFD];
	_ =	sdelay $0x3  }
0x96: {  	_ =	strace s2  }
0x97: {  	_ =	strace $0x8FFFFFFF  }
0x98: {  	s19 =	sld [smem:$0x3FDB];
	_ =	sdelay $0x1  }
0x99: {  	s20 =	simm.s32 $_scs_section_size  }
0x9a: {  	s4 =	simm.s32 $_size__tile_overlayer_lowered;
	s5 =	simm.s32 $_tile_overlayer_lowered  }
0x9b: {  	s6 =	simm.s32 $0x1BFF;
	s21 =	sshll.u32 s5, $0x1;
	s3 =	sadd.s32 s20, s19  }
0x9c: {  	s22 =	simm.s32 $0x0;
	s4 =	sshll.u32 s4, $0x1;
	s5 =	sadd.s32 s21, s3  }
0x9d: {  	[timem:s22], [sflag:s6] =	dma.local [hbm:s5], s4  }
0x9e: {  	_ =	swait.ge [sflag:s6], s4  }
0x9f: {  	s4 =	ssub.s32 $0x0, s4;
	[sflag:s6] =	ssyncset.done $0x0  }
0xa0: {  	[sflag:s6] =	ssyncadd.s32 s4;
	_ =	sdelay $0x1  }
0xa1: {  	s23 =	simm.s32 $0x1B8B  }
0xa2: {  	_ =	swait.ge [sflag:s23], $0x1  }
0xa3: {  	[sflag:s23] =	ssyncset.done $0x0  }
0xa4: {  	[sflag:s23] =	ssyncadd.s32 $0xFFFFFFFF  }
0xa5: {  	s4 =	sld [smem:$0x0]  }
0xa6: {  	s5 =	sand.u32 $0xFFFFFFFE, s1  }
0xa7: {  	p0 =	sne.s32 s1, s5  }
0xa8: {  	s5 =	sshll.u32 @p0 s5, $0xE  }
0xa9: {  	s5 =	sadd.s32 @p0 $0x11B8D, s5;
	s6 =	sshll.u32 @p0 s4, $0x11  }
0xaa: {  	s5 =	sor.u32 @p0 s6, s5  }
0xab: {  	[sflag:s5] =	ssyncadd.remote.s32 @p0 $0x1;
	_ =	sdelay $0x1  }
0xac: {  	s5 =	simm.s32 @p0 $0x1B8D  }
0xad: {  	_ =	swait.eq @p0 [sflag:s5], $0x1  }
0xae: {  	[sflag:s5] =	ssyncadd.s32 @p0 $0xFFFFFFFF  }
0xaf: {  	s6 =	sshll.u32 @!p0 s1, $0xE  }
0xb0: {  	s6 =	sor.u32 @!p0 $0x4000, s6;
	s5 =	simm.s32 @!p0 $0x1B8D  }
0xb1: {  	s4 =	sshll.u32 @!p0 s4, $0x11;
	s6 =	sadd.s32 @!p0 $0x11B8D, s6;
	_ =	swait.eq @!p0 [sflag:s5], $0x1  }
0xb2: {  	s4 =	sor.u32 @!p0 s4, s6;
	[sflag:s5] =	ssyncadd.s32 @!p0 $0xFFFFFFFF  }
0xb3: {  	s25 =	simm.s32 $0x1B8E;
	s24 =	sld [smem:$0x3FFE];
	[sflag:s4] =	ssyncadd.remote.s32 @!p0 $0x1  }
0xb4: {  	s26 =	simm.s32 $execute0_lowered;
	[smem:$0x3FD2] =	sst s25  }
0xb5: {  	s5 =	sshll.u32 s26, $0x1;
	_ =	strace $0x8000004C;
	[dreg:$0x1] =	wrdreg $0xFFFFFFFF  }
0xb6: {  	s28 =	simm.s32 $_size_execute0_lowered;
	s3 =	sadd.s32 s3, s5;
	[dreg:$0x0] =	wrdreg $0x0  }
0xb7: {  	s5 =	sshll.u32 s28, $0x1;
	[dreg:$0x2] =	wrdreg s3  }
0xb8: {  	[dreg:$0x3] =	wrdreg s5  }
0xb9: {  	[dreg:$0x4] =	wrdreg $0xC0  }
0xba: {  	_ =	task [dreg:s22], $0x5FFFF  }
0xbb: {  	[dreg:$0x1] =	wrdreg $0xFFFFFFFF  }
0xbc: {  	[dreg:$0x0] =	wrdreg $0x60  }
0xbd: {  	[dreg:$0x2] =	wrdreg s24  }
0xbe: {  	[dreg:$0x3] =	wrdreg $0xB  }
0xbf: {  	_ =	task.clear_ibuf [dreg:s22], $0x4FFFF;
	_ =	strace $0x9000004C  }
0xc0: {  	s29 =	simm.s32 $0xB;
	_ =	strace $0x8000004E  }
0xc1: {  	_ =	swait.ge [sflag:s29], $0x1  }
0xc2: {  	[sflag:s29] =	ssyncadd.s32 $0xFFFFFFFF  }
0xc3: {  	_ =	strace $0x9000004E  }
0xc4: {  	_ =	sfence  }
0xc5: {  	s30 =	sld [smem:$0x0];
	_ =	sdelay $0x2  }
0xc6: {  	s31 =	sshll.u32 s1, $0xD;
	s1 =	sshrl.u32 s1, $0x2  }
0xc7: {  	s4 =	sand.u32 $0x4000, s31;
	s1 =	sadd.s32 s1, s30  }
0xc8: {  	s0 =	sor.u32 s4, s0;
	s1 =	sshll.u32 s1, $0x11  }
0xc9: {  	s0 =	sor.u32 s1, s0  }
0xca: {  	s0 =	sadd.s32 $0x8F2B, s0  }
0xcb: {  	[sflag:s0] =	ssyncadd.remote.s32 $0x1  }
0xcc: {  	_ =	sfence.sel $0xFFFF  }
0xcd: {  	[dreg:$0x0] =	wrdreg $0xFFFFFFFF;
	(pc) =	sbr.abs _section_cstart, $3  }
0xce: {  	[dreg:$0x1] =	wrdreg $0xFFFFFFFF  }
0xcf: {  	_ =	task.clear_ibuf [dreg:s22], $0x2FFFF;
	_ =	strace $0x9FFFFFFF  }
0xd0: {  	(tm) =	ssettm $0x7FFFFFFF  }
0xd1: {  	_ =	shalt  }
tec
execute0_lowered:
.L_overlay_start_1:
0x0: {  	(tag) =	ssettag $0x1  }
0x1: {  	s0 =	rddreg [dreg:$0x0];
	s1 =	srdreg.scid  }
0x2: {  	s3 =	stileid.u32;
	s2 =	simm.s32 $0x0;
	s7 =	simm.s32 $0x80  }
0x3: {  	s9 =	simm.s32 $0x3;
	s10 =	simm.s32 $0xA00;
	s11 =	simm.s32 $0x1  }
0x4: {  	s12 =	simm.s32 $0x2A00;
	s16 =	simm.s32 $0x280;
	s17 =	simm.s32 $0x300  }
0x5: {  	s18 =	simm.s32 $0x380;
	s19 =	simm.s32 $0x400;
	s20 =	simm.s32 $0x480  }
0x6: {  	s21 =	simm.s32 $0x500;
	s22 =	simm.s32 $0x580;
	s23 =	simm.s32 $0x600  }
0x7: {  	s24 =	simm.s32 $0x680;
	s25 =	simm.s32 $0x700;
	s26 =	simm.s32 $0x780  }
0x8: {  	s28 =	simm.s32 $0x800;
	s29 =	simm.s32 $0x880;
	s30 =	simm.s32 $0x900  }
0x9: {  	s31 =	simm.s32 $0x980;
	s8 =	simm.s32 $0x0;
	s1 =	sand.u32 $0x1, s1  }
0xa: {  	s3 =	sshll.u32 s3, $0x8;
	[smem:$0x7FF] =	sst s2;
	s4 =	sshll.u32 s1, $0x7  }
0xb: {  	_ =	strace $0x8000004D;
	s1 =	ssub.s32 $0x2, s1;
	s3 =	sor.u32 s4, s3  }
0xc: {  	s6 =	sshrl.u32 s1, $0x1;
	s4 =	sshrl.u32 s3, $0x3;
	s5 =	sshll.u32 s3, $0x3  }
0xd: {  	s3 =	sadd.s32 $0x323200, s0;
	s1 =	ssub.s32 s1, s6;
	s4 =	sadd.s32 s4, s0  }
0xe: {  	s0 =	sadd.s32 s5, s0;
	s6 =	smax.u32 s1, $0x1;
	s1 =	simm.s32 $0x2  }
0xf: {  	s4 =	sadd.s32 $0x19A000, s4;
	s5 =	sadd.s32 $0x19C800, s0;
	s0 =	simm.s32 $0x4A00  }
.LBB2_1:
0x10: {  	s13 =	simm.s32 $0x1000  }
0x11: {  	[tilespmem:s2], [sflag:$0x3] =	stream.strided.gather [hbm4b:s4+s7], $0xA00, s13, s7, $0x38;
	[tilespmem:$0x6A00] =	vst v63  }
0x12: {  	_ =	swait.ge [sflag:s9], $0xA00  }
0x13: {  	[sflag:s9] =	ssyncset.done $0x0  }
0x14: {  	[sflag:s9] =	ssyncadd.s32 $0xFFFFF600  }
0x15: {  	[tilespmem:s10], [sflag:$0x1] =	stream.indirect.gather [hbm4b:s3+s7], $0x40, s2, s7, $0xb8;
	[tilespmem:$0x6A00] =	vst v63  }
0x16: {  	_ =	swait.ge [sflag:s11], $0x2000  }
0x17: {  	[sflag:s11] =	ssyncset.done $0x0  }
0x18: {  	s13 =	simm.s32 $0x0;
	[sflag:s11] =	ssyncadd.s32 $0xFFFFE000  }
0x19: {  	[tilespmem:s12], [sflag:$0x1] =	stream.indirect.gather [hbm4b:s3+s7], $0x40, s7, s7, $0xb8;
	[tilespmem:$0x6A00] =	vst v63  }
0x1a: {  	v0 =	vld [tilespmem:s13+$0xA30]  }
0x1b: {  	v1 =	vld [tilespmem:s13+$0xA00]  }
0x1c: {  	v2 =	vld [tilespmem:s13+$0xA10]  }
0x1d: {  	s14 =	simm.s32 $0x100;
	v3 =	vld [tilespmem:s13+$0xA20]  }
.LBB2_2:
0x1e: {  	p0 =	sne.s32 s14, $0x7F00  }
.Ltmp0:
0x1f: {  	s15 =	sshra.s32 s14, $0x2;
	s14 =	sadd.s32 $0x100, s14;
	[tilespmem:s13+$0x4A30] =	vst v0;
	(pc) =	sbr.rel @p0 .LBB2_2-.Ltmp0, $4  }
0x20: {  	v0 =	vld [tilespmem:s15+$0xA30];
	[tilespmem:s13+$0x4A00] =	vst v1  }
0x21: {  	v1 =	vld [tilespmem:s15+$0xA00];
	[tilespmem:s13+$0x4A10] =	vst v2  }
0x22: {  	v2 =	vld [tilespmem:s15+$0xA10];
	[tilespmem:s13+$0x4A20] =	vst v3;
	s13 =	smov.u32 s15  }
0x23: {  	v3 =	vld [tilespmem:s13+$0xA20]  }
0x24: {  	_ = 	snop  }
0x25: {  	[tilespmem:s13+$0x4A30] =	vst v0  }
0x26: {  	[tilespmem:s13+$0x4A00] =	vst v1  }
0x27: {  	[tilespmem:s13+$0x4A10] =	vst v2  }
0x28: {  	[tilespmem:s13+$0x4A20] =	vst v3  }
0x29: {  	_ =	swait.ge [sflag:s11], $0x2000  }
0x2a: {  	[sflag:s11] =	ssyncset.done $0x0  }
0x2b: {  	s15 =	simm.s32 $0x100;
	s13 =	simm.s32 $0x0;
	[sflag:s11] =	ssyncadd.s32 $0xFFFFE000  }
0x2c: {  	[tilespmem:s10], [sflag:$0x1] =	stream.indirect.gather [hbm4b:s3+s7], $0x40, s15, s7, $0xb8;
	[tilespmem:$0x6A00] =	vst v63  }
0x2d: {  	v5 =	vld [tilespmem:s13+$0x2A00]  }
0x2e: {  	v6 =	vld [tilespmem:s13+$0x2A10]  }
0x2f: {  	v1 =	vld [tilespmem:s13+$0x2A20]  }
0x30: {  	v0 =	vld [tilespmem:s13+$0x2A30]  }
0x31: {  	v2 =	vld [tilespmem:s13+$0x4A00]  }
0x32: {  	v4 =	vld [tilespmem:s13+$0x4A10]  }
0x33: {  	s14 =	simm.s32 $0x100;
	v3 =	vld [tilespmem:s13+$0x4A20]  }
.LBB2_4:
0x34: {  	s15 =	sshra.s32 s14, $0x2;
	p0 =	sne.s32 s14, $0x7F00;
	v7 =	vld [tilespmem:s13+$0x4A30];
	v8 =	vmov v1  }
0x35: {  	v9 =	vld [tilespmem:s15+$0x2A00];
	v10 =	vmov v0  }
0x36: {  	v11 =	vld [tilespmem:s15+$0x2A10];
	v2 =	vadd.f32 v5, v2  }
.Ltmp1:
0x37: {  	v1 =	vld [tilespmem:s15+$0x2A20];
	v4 =	vadd.f32 v6, v4;
	(pc) =	sbr.rel @p0 .LBB2_4-.Ltmp1, $4  }
0x38: {  	v0 =	vld [tilespmem:s15+$0x2A30];
	[tilespmem:s13+$0x4A00] =	vst v2;
	v3 =	vadd.f32 v8, v3  }
0x39: {  	v2 =	vld [tilespmem:s15+$0x4A00];
	[tilespmem:s13+$0x4A10] =	vst v4;
	v7 =	vadd.f32 v10, v7  }
0x3a: {  	v4 =	vld [tilespmem:s15+$0x4A10];
	[tilespmem:s13+$0x4A20] =	vst v3;
	v5 =	vmov v9  }
0x3b: {  	s14 =	sadd.s32 $0x100, s14;
	v3 =	vld [tilespmem:s15+$0x4A20];
	[tilespmem:s13+$0x4A30] =	vst v7;
	v6 =	vmov v11;
	s13 =	smov.u32 s15  }
0x3c: {  	v7 =	vld [tilespmem:s13+$0x4A30];
	_ =	sdelay $0x1  }
0x3d: {  	v2 =	vadd.f32 v5, v2  }
0x3e: {  	v4 =	vadd.f32 v6, v4  }
0x3f: {  	[tilespmem:s13+$0x4A00] =	vst v2;
	v1 =	vadd.f32 v1, v3  }
0x40: {  	[tilespmem:s13+$0x4A10] =	vst v4;
	v0 =	vadd.f32 v0, v7  }
0x41: {  	[tilespmem:s13+$0x4A20] =	vst v1  }
0x42: {  	[tilespmem:s13+$0x4A30] =	vst v0  }
0x43: {  	_ =	swait.ge [sflag:s11], $0x2000  }
0x44: {  	[sflag:s11] =	ssyncset.done $0x0  }
0x45: {  	s15 =	simm.s32 $0x180;
	s13 =	simm.s32 $0x0;
	[sflag:s11] =	ssyncadd.s32 $0xFFFFE000  }
0x46: {  	[tilespmem:s12], [sflag:$0x1] =	stream.indirect.gather [hbm4b:s3+s7], $0x40, s15, s7, $0xb8;
	[tilespmem:$0x6A00] =	vst v63  }
0x47: {  	v5 =	vld [tilespmem:s13+$0xA00]  }
0x48: {  	v6 =	vld [tilespmem:s13+$0xA10]  }
0x49: {  	v1 =	vld [tilespmem:s13+$0xA20]  }
0x4a: {  	v0 =	vld [tilespmem:s13+$0xA30]  }
0x4b: {  	v2 =	vld [tilespmem:s13+$0x4A00]  }
0x4c: {  	v4 =	vld [tilespmem:s13+$0x4A10]  }
0x4d: {  	s14 =	simm.s32 $0x100;
	v3 =	vld [tilespmem:s13+$0x4A20]  }
.LBB2_6:
0x4e: {  	s15 =	sshra.s32 s14, $0x2;
	p0 =	sne.s32 s14, $0x7F00;
	v7 =	vld [tilespmem:s13+$0x4A30];
	v8 =	vmov v1  }
0x4f: {  	v9 =	vld [tilespmem:s15+$0xA00];
	v10 =	vmov v0  }
0x50: {  	v11 =	vld [tilespmem:s15+$0xA10];
	v2 =	vadd.f32 v5, v2  }
.Ltmp2:
0x51: {  	v1 =	vld [tilespmem:s15+$0xA20];
	v4 =	vadd.f32 v6, v4;
	(pc) =	sbr.rel @p0 .LBB2_6-.Ltmp2, $4  }
0x52: {  	v0 =	vld [tilespmem:s15+$0xA30];
	[tilespmem:s13+$0x4A00] =	vst v2;
	v3 =	vadd.f32 v8, v3  }
0x53: {  	v2 =	vld [tilespmem:s15+$0x4A00];
	[tilespmem:s13+$0x4A10] =	vst v4;
	v7 =	vadd.f32 v10, v7  }
0x54: {  	v4 =	vld [tilespmem:s15+$0x4A10];
	[tilespmem:s13+$0x4A20] =	vst v3;
	v5 =	vmov v9  }
0x55: {  	s14 =	sadd.s32 $0x100, s14;
	v3 =	vld [tilespmem:s15+$0x4A20];
	[tilespmem:s13+$0x4A30] =	vst v7;
	v6 =	vmov v11;
	s13 =	smov.u32 s15  }
0x56: {  	v7 =	vld [tilespmem:s13+$0x4A30];
	_ =	sdelay $0x1  }
0x57: {  	v2 =	vadd.f32 v5, v2  }
0x58: {  	v4 =	vadd.f32 v6, v4  }
0x59: {  	[tilespmem:s13+$0x4A00] =	vst v2;
	v1 =	vadd.f32 v1, v3  }
0x5a: {  	[tilespmem:s13+$0x4A10] =	vst v4;
	v0 =	vadd.f32 v0, v7  }
0x5b: {  	[tilespmem:s13+$0x4A20] =	vst v1  }
0x5c: {  	[tilespmem:s13+$0x4A30] =	vst v0  }
0x5d: {  	_ =	swait.ge [sflag:s11], $0x2000  }
0x5e: {  	[sflag:s11] =	ssyncset.done $0x0  }
0x5f: {  	s15 =	simm.s32 $0x200;
	s13 =	simm.s32 $0x0;
	[sflag:s11] =	ssyncadd.s32 $0xFFFFE000  }
0x60: {  	[tilespmem:s10], [sflag:$0x1] =	stream.indirect.gather [hbm4b:s3+s7], $0x40, s15, s7, $0xb8;
	[tilespmem:$0x6A00] =	vst v63  }
0x61: {  	v5 =	vld [tilespmem:s13+$0x2A00]  }
0x62: {  	v6 =	vld [tilespmem:s13+$0x2A10]  }
0x63: {  	v1 =	vld [tilespmem:s13+$0x2A20]  }
0x64: {  	v0 =	vld [tilespmem:s13+$0x2A30]  }
0x65: {  	v2 =	vld [tilespmem:s13+$0x4A00]  }
0x66: {  	v4 =	vld [tilespmem:s13+$0x4A10]  }
0x67: {  	s14 =	simm.s32 $0x100;
	v3 =	vld [tilespmem:s13+$0x4A20]  }
.LBB2_8:
0x68: {  	s15 =	sshra.s32 s14, $0x2;
	p0 =	sne.s32 s14, $0x7F00;
	v7 =	vld [tilespmem:s13+$0x4A30];
	v8 =	vmov v1  }
0x69: {  	v9 =	vld [tilespmem:s15+$0x2A00];
	v10 =	vmov v0  }
0x6a: {  	v11 =	vld [tilespmem:s15+$0x2A10];
	v2 =	vadd.f32 v5, v2  }
.Ltmp3:
0x6b: {  	v1 =	vld [tilespmem:s15+$0x2A20];
	v4 =	vadd.f32 v6, v4;
	(pc) =	sbr.rel @p0 .LBB2_8-.Ltmp3, $4  }
0x6c: {  	v0 =	vld [tilespmem:s15+$0x2A30];
	[tilespmem:s13+$0x4A00] =	vst v2;
	v3 =	vadd.f32 v8, v3  }
0x6d: {  	v2 =	vld [tilespmem:s15+$0x4A00];
	[tilespmem:s13+$0x4A10] =	vst v4;
	v7 =	vadd.f32 v10, v7  }
0x6e: {  	v4 =	vld [tilespmem:s15+$0x4A10];
	[tilespmem:s13+$0x4A20] =	vst v3;
	v5 =	vmov v9  }
0x6f: {  	s14 =	sadd.s32 $0x100, s14;
	v3 =	vld [tilespmem:s15+$0x4A20];
	[tilespmem:s13+$0x4A30] =	vst v7;
	v6 =	vmov v11;
	s13 =	smov.u32 s15  }
0x70: {  	v7 =	vld [tilespmem:s13+$0x4A30];
	_ =	sdelay $0x1  }
0x71: {  	v2 =	vadd.f32 v5, v2  }
0x72: {  	v4 =	vadd.f32 v6, v4  }
0x73: {  	[tilespmem:s13+$0x4A00] =	vst v2;
	v1 =	vadd.f32 v1, v3  }
0x74: {  	[tilespmem:s13+$0x4A10] =	vst v4;
	v0 =	vadd.f32 v0, v7  }
0x75: {  	[tilespmem:s13+$0x4A20] =	vst v1  }
0x76: {  	[tilespmem:s13+$0x4A30] =	vst v0  }
0x77: {  	_ =	swait.ge [sflag:s11], $0x2000  }
0x78: {  	[sflag:s11] =	ssyncset.done $0x0  }
0x79: {  	s13 =	simm.s32 $0x0;
	[sflag:s11] =	ssyncadd.s32 $0xFFFFE000  }
0x7a: {  	[tilespmem:s12], [sflag:$0x1] =	stream.indirect.gather [hbm4b:s3+s7], $0x40, s16, s7, $0xb8;
	[tilespmem:$0x6A00] =	vst v63  }
0x7b: {  	v5 =	vld [tilespmem:s13+$0xA00]  }
0x7c: {  	v6 =	vld [tilespmem:s13+$0xA10]  }
0x7d: {  	v1 =	vld [tilespmem:s13+$0xA20]  }
0x7e: {  	v0 =	vld [tilespmem:s13+$0xA30]  }
0x7f: {  	v2 =	vld [tilespmem:s13+$0x4A00]  }
0x80: {  	v4 =	vld [tilespmem:s13+$0x4A10]  }
0x81: {  	s14 =	simm.s32 $0x100;
	v3 =	vld [tilespmem:s13+$0x4A20]  }
.LBB2_10:
0x82: {  	s15 =	sshra.s32 s14, $0x2;
	p0 =	sne.s32 s14, $0x7F00;
	v7 =	vld [tilespmem:s13+$0x4A30];
	v8 =	vmov v1  }
0x83: {  	v9 =	vld [tilespmem:s15+$0xA00];
	v10 =	vmov v0  }
0x84: {  	v11 =	vld [tilespmem:s15+$0xA10];
	v2 =	vadd.f32 v5, v2  }
.Ltmp4:
0x85: {  	v1 =	vld [tilespmem:s15+$0xA20];
	v4 =	vadd.f32 v6, v4;
	(pc) =	sbr.rel @p0 .LBB2_10-.Ltmp4, $4  }
0x86: {  	v0 =	vld [tilespmem:s15+$0xA30];
	[tilespmem:s13+$0x4A00] =	vst v2;
	v3 =	vadd.f32 v8, v3  }
0x87: {  	v2 =	vld [tilespmem:s15+$0x4A00];
	[tilespmem:s13+$0x4A10] =	vst v4;
	v7 =	vadd.f32 v10, v7  }
0x88: {  	v4 =	vld [tilespmem:s15+$0x4A10];
	[tilespmem:s13+$0x4A20] =	vst v3;
	v5 =	vmov v9  }
0x89: {  	s14 =	sadd.s32 $0x100, s14;
	v3 =	vld [tilespmem:s15+$0x4A20];
	[tilespmem:s13+$0x4A30] =	vst v7;
	v6 =	vmov v11;
	s13 =	smov.u32 s15  }
0x8a: {  	v7 =	vld [tilespmem:s13+$0x4A30];
	_ =	sdelay $0x1  }
0x8b: {  	v2 =	vadd.f32 v5, v2  }
0x8c: {  	v4 =	vadd.f32 v6, v4  }
0x8d: {  	[tilespmem:s13+$0x4A00] =	vst v2;
	v1 =	vadd.f32 v1, v3  }
0x8e: {  	[tilespmem:s13+$0x4A10] =	vst v4;
	v0 =	vadd.f32 v0, v7  }
0x8f: {  	[tilespmem:s13+$0x4A20] =	vst v1  }
0x90: {  	[tilespmem:s13+$0x4A30] =	vst v0  }
0x91: {  	_ =	swait.ge [sflag:s11], $0x2000  }
0x92: {  	[sflag:s11] =	ssyncset.done $0x0  }
0x93: {  	s13 =	simm.s32 $0x0;
	[sflag:s11] =	ssyncadd.s32 $0xFFFFE000  }
0x94: {  	[tilespmem:s10], [sflag:$0x1] =	stream.indirect.gather [hbm4b:s3+s7], $0x40, s17, s7, $0xb8;
	[tilespmem:$0x6A00] =	vst v63  }
0x95: {  	v5 =	vld [tilespmem:s13+$0x2A00]  }
0x96: {  	v6 =	vld [tilespmem:s13+$0x2A10]  }
0x97: {  	v1 =	vld [tilespmem:s13+$0x2A20]  }
0x98: {  	v0 =	vld [tilespmem:s13+$0x2A30]  }
0x99: {  	v2 =	vld [tilespmem:s13+$0x4A00]  }
0x9a: {  	v4 =	vld [tilespmem:s13+$0x4A10]  }
0x9b: {  	s14 =	simm.s32 $0x100;
	v3 =	vld [tilespmem:s13+$0x4A20]  }
.LBB2_12:
0x9c: {  	s15 =	sshra.s32 s14, $0x2;
	p0 =	sne.s32 s14, $0x7F00;
	v7 =	vld [tilespmem:s13+$0x4A30];
	v8 =	vmov v1  }
0x9d: {  	v9 =	vld [tilespmem:s15+$0x2A00];
	v10 =	vmov v0  }
0x9e: {  	v11 =	vld [tilespmem:s15+$0x2A10];
	v2 =	vadd.f32 v5, v2  }
.Ltmp5:
0x9f: {  	v1 =	vld [tilespmem:s15+$0x2A20];
	v4 =	vadd.f32 v6, v4;
	(pc) =	sbr.rel @p0 .LBB2_12-.Ltmp5, $4  }
0xa0: {  	v0 =	vld [tilespmem:s15+$0x2A30];
	[tilespmem:s13+$0x4A00] =	vst v2;
	v3 =	vadd.f32 v8, v3  }
0xa1: {  	v2 =	vld [tilespmem:s15+$0x4A00];
	[tilespmem:s13+$0x4A10] =	vst v4;
	v7 =	vadd.f32 v10, v7  }
0xa2: {  	v4 =	vld [tilespmem:s15+$0x4A10];
	[tilespmem:s13+$0x4A20] =	vst v3;
	v5 =	vmov v9  }
0xa3: {  	s14 =	sadd.s32 $0x100, s14;
	v3 =	vld [tilespmem:s15+$0x4A20];
	[tilespmem:s13+$0x4A30] =	vst v7;
	v6 =	vmov v11;
	s13 =	smov.u32 s15  }
0xa4: {  	v7 =	vld [tilespmem:s13+$0x4A30];
	_ =	sdelay $0x1  }
0xa5: {  	v2 =	vadd.f32 v5, v2  }
0xa6: {  	v4 =	vadd.f32 v6, v4  }
0xa7: {  	[tilespmem:s13+$0x4A00] =	vst v2;
	v1 =	vadd.f32 v1, v3  }
0xa8: {  	[tilespmem:s13+$0x4A10] =	vst v4;
	v0 =	vadd.f32 v0, v7  }
0xa9: {  	[tilespmem:s13+$0x4A20] =	vst v1  }
0xaa: {  	[tilespmem:s13+$0x4A30] =	vst v0  }
0xab: {  	_ =	swait.ge [sflag:s11], $0x2000  }
0xac: {  	[sflag:s11] =	ssyncset.done $0x0  }
0xad: {  	s13 =	simm.s32 $0x0;
	[sflag:s11] =	ssyncadd.s32 $0xFFFFE000  }
0xae: {  	[tilespmem:s12], [sflag:$0x1] =	stream.indirect.gather [hbm4b:s3+s7], $0x40, s18, s7, $0xb8;
	[tilespmem:$0x6A00] =	vst v63  }
0xaf: {  	v5 =	vld [tilespmem:s13+$0xA00]  }
0xb0: {  	v6 =	vld [tilespmem:s13+$0xA10]  }
0xb1: {  	v1 =	vld [tilespmem:s13+$0xA20]  }
0xb2: {  	v0 =	vld [tilespmem:s13+$0xA30]  }
0xb3: {  	v2 =	vld [tilespmem:s13+$0x4A00]  }
0xb4: {  	v4 =	vld [tilespmem:s13+$0x4A10]  }
0xb5: {  	s14 =	simm.s32 $0x100;
	v3 =	vld [tilespmem:s13+$0x4A20]  }
.LBB2_14:
0xb6: {  	s15 =	sshra.s32 s14, $0x2;
	p0 =	sne.s32 s14, $0x7F00;
	v7 =	vld [tilespmem:s13+$0x4A30];
	v8 =	vmov v1  }
0xb7: {  	v9 =	vld [tilespmem:s15+$0xA00];
	v10 =	vmov v0  }
0xb8: {  	v11 =	vld [tilespmem:s15+$0xA10];
	v2 =	vadd.f32 v5, v2  }
.Ltmp6:
0xb9: {  	v1 =	vld [tilespmem:s15+$0xA20];
	v4 =	vadd.f32 v6, v4;
	(pc) =	sbr.rel @p0 .LBB2_14-.Ltmp6, $4  }
0xba: {  	v0 =	vld [tilespmem:s15+$0xA30];
	[tilespmem:s13+$0x4A00] =	vst v2;
	v3 =	vadd.f32 v8, v3  }
0xbb: {  	v2 =	vld [tilespmem:s15+$0x4A00];
	[tilespmem:s13+$0x4A10] =	vst v4;
	v7 =	vadd.f32 v10, v7  }
0xbc: {  	v4 =	vld [tilespmem:s15+$0x4A10];
	[tilespmem:s13+$0x4A20] =	vst v3;
	v5 =	vmov v9  }
0xbd: {  	s14 =	sadd.s32 $0x100, s14;
	v3 =	vld [tilespmem:s15+$0x4A20];
	[tilespmem:s13+$0x4A30] =	vst v7;
	v6 =	vmov v11;
	s13 =	smov.u32 s15  }
0xbe: {  	v7 =	vld [tilespmem:s13+$0x4A30];
	_ =	sdelay $0x1  }
0xbf: {  	v2 =	vadd.f32 v5, v2  }
0xc0: {  	v4 =	vadd.f32 v6, v4  }
0xc1: {  	[tilespmem:s13+$0x4A00] =	vst v2;
	v1 =	vadd.f32 v1, v3  }
0xc2: {  	[tilespmem:s13+$0x4A10] =	vst v4;
	v0 =	vadd.f32 v0, v7  }
0xc3: {  	[tilespmem:s13+$0x4A20] =	vst v1  }
0xc4: {  	[tilespmem:s13+$0x4A30] =	vst v0  }
0xc5: {  	_ =	swait.ge [sflag:s11], $0x2000  }
0xc6: {  	[sflag:s11] =	ssyncset.done $0x0  }
0xc7: {  	s13 =	simm.s32 $0x0;
	[sflag:s11] =	ssyncadd.s32 $0xFFFFE000  }
0xc8: {  	[tilespmem:s10], [sflag:$0x1] =	stream.indirect.gather [hbm4b:s3+s7], $0x40, s19, s7, $0xb8;
	[tilespmem:$0x6A00] =	vst v63  }
0xc9: {  	v5 =	vld [tilespmem:s13+$0x2A00]  }
0xca: {  	v6 =	vld [tilespmem:s13+$0x2A10]  }
0xcb: {  	v1 =	vld [tilespmem:s13+$0x2A20]  }
0xcc: {  	v0 =	vld [tilespmem:s13+$0x2A30]  }
0xcd: {  	v2 =	vld [tilespmem:s13+$0x4A00]  }
0xce: {  	v4 =	vld [tilespmem:s13+$0x4A10]  }
0xcf: {  	s14 =	simm.s32 $0x100;
	v3 =	vld [tilespmem:s13+$0x4A20]  }
.LBB2_16:
0xd0: {  	s15 =	sshra.s32 s14, $0x2;
	p0 =	sne.s32 s14, $0x7F00;
	v7 =	vld [tilespmem:s13+$0x4A30];
	v8 =	vmov v1  }
0xd1: {  	v9 =	vld [tilespmem:s15+$0x2A00];
	v10 =	vmov v0  }
0xd2: {  	v11 =	vld [tilespmem:s15+$0x2A10];
	v2 =	vadd.f32 v5, v2  }
.Ltmp7:
0xd3: {  	v1 =	vld [tilespmem:s15+$0x2A20];
	v4 =	vadd.f32 v6, v4;
	(pc) =	sbr.rel @p0 .LBB2_16-.Ltmp7, $4  }
0xd4: {  	v0 =	vld [tilespmem:s15+$0x2A30];
	[tilespmem:s13+$0x4A00] =	vst v2;
	v3 =	vadd.f32 v8, v3  }
0xd5: {  	v2 =	vld [tilespmem:s15+$0x4A00];
	[tilespmem:s13+$0x4A10] =	vst v4;
	v7 =	vadd.f32 v10, v7  }
0xd6: {  	v4 =	vld [tilespmem:s15+$0x4A10];
	[tilespmem:s13+$0x4A20] =	vst v3;
	v5 =	vmov v9  }
0xd7: {  	s14 =	sadd.s32 $0x100, s14;
	v3 =	vld [tilespmem:s15+$0x4A20];
	[tilespmem:s13+$0x4A30] =	vst v7;
	v6 =	vmov v11;
	s13 =	smov.u32 s15  }
0xd8: {  	v7 =	vld [tilespmem:s13+$0x4A30];
	_ =	sdelay $0x1  }
0xd9: {  	v2 =	vadd.f32 v5, v2  }
0xda: {  	v4 =	vadd.f32 v6, v4  }
0xdb: {  	[tilespmem:s13+$0x4A00] =	vst v2;
	v1 =	vadd.f32 v1, v3  }
0xdc: {  	[tilespmem:s13+$0x4A10] =	vst v4;
	v0 =	vadd.f32 v0, v7  }
0xdd: {  	[tilespmem:s13+$0x4A20] =	vst v1  }
0xde: {  	[tilespmem:s13+$0x4A30] =	vst v0  }
0xdf: {  	_ =	swait.ge [sflag:s11], $0x2000  }
0xe0: {  	[sflag:s11] =	ssyncset.done $0x0  }
0xe1: {  	s13 =	simm.s32 $0x0;
	[sflag:s11] =	ssyncadd.s32 $0xFFFFE000  }
0xe2: {  	[tilespmem:s12], [sflag:$0x1] =	stream.indirect.gather [hbm4b:s3+s7], $0x40, s20, s7, $0xb8;
	[tilespmem:$0x6A00] =	vst v63  }
0xe3: {  	v5 =	vld [tilespmem:s13+$0xA00]  }
0xe4: {  	v6 =	vld [tilespmem:s13+$0xA10]  }
0xe5: {  	v1 =	vld [tilespmem:s13+$0xA20]  }
0xe6: {  	v0 =	vld [tilespmem:s13+$0xA30]  }
0xe7: {  	v2 =	vld [tilespmem:s13+$0x4A00]  }
0xe8: {  	v4 =	vld [tilespmem:s13+$0x4A10]  }
0xe9: {  	s14 =	simm.s32 $0x100;
	v3 =	vld [tilespmem:s13+$0x4A20]  }
.LBB2_18:
0xea: {  	s15 =	sshra.s32 s14, $0x2;
	p0 =	sne.s32 s14, $0x7F00;
	v7 =	vld [tilespmem:s13+$0x4A30];
	v8 =	vmov v1  }
0xeb: {  	v9 =	vld [tilespmem:s15+$0xA00];
	v10 =	vmov v0  }
0xec: {  	v11 =	vld [tilespmem:s15+$0xA10];
	v2 =	vadd.f32 v5, v2  }
.Ltmp8:
0xed: {  	v1 =	vld [tilespmem:s15+$0xA20];
	v4 =	vadd.f32 v6, v4;
	(pc) =	sbr.rel @p0 .LBB2_18-.Ltmp8, $4  }
0xee: {  	v0 =	vld [tilespmem:s15+$0xA30];
	[tilespmem:s13+$0x4A00] =	vst v2;
	v3 =	vadd.f32 v8, v3  }
0xef: {  	v2 =	vld [tilespmem:s15+$0x4A00];
	[tilespmem:s13+$0x4A10] =	vst v4;
	v7 =	vadd.f32 v10, v7  }
0xf0: {  	v4 =	vld [tilespmem:s15+$0x4A10];
	[tilespmem:s13+$0x4A20] =	vst v3;
	v5 =	vmov v9  }
0xf1: {  	s14 =	sadd.s32 $0x100, s14;
	v3 =	vld [tilespmem:s15+$0x4A20];
	[tilespmem:s13+$0x4A30] =	vst v7;
	v6 =	vmov v11;
	s13 =	smov.u32 s15  }
0xf2: {  	v7 =	vld [tilespmem:s13+$0x4A30];
	_ =	sdelay $0x1  }
0xf3: {  	v2 =	vadd.f32 v5, v2  }
0xf4: {  	v4 =	vadd.f32 v6, v4  }
0xf5: {  	[tilespmem:s13+$0x4A00] =	vst v2;
	v1 =	vadd.f32 v1, v3  }
0xf6: {  	[tilespmem:s13+$0x4A10] =	vst v4;
	v0 =	vadd.f32 v0, v7  }
0xf7: {  	[tilespmem:s13+$0x4A20] =	vst v1  }
0xf8: {  	[tilespmem:s13+$0x4A30] =	vst v0  }
0xf9: {  	_ =	swait.ge [sflag:s11], $0x2000  }
0xfa: {  	[sflag:s11] =	ssyncset.done $0x0  }
0xfb: {  	s13 =	simm.s32 $0x0;
	[sflag:s11] =	ssyncadd.s32 $0xFFFFE000  }
0xfc: {  	[tilespmem:s10], [sflag:$0x1] =	stream.indirect.gather [hbm4b:s3+s7], $0x40, s21, s7, $0xb8;
	[tilespmem:$0x6A00] =	vst v63  }
0xfd: {  	v5 =	vld [tilespmem:s13+$0x2A00]  }
0xfe: {  	v6 =	vld [tilespmem:s13+$0x2A10]  }
0xff: {  	v1 =	vld [tilespmem:s13+$0x2A20]  }
0x100: {  	v0 =	vld [tilespmem:s13+$0x2A30]  }
0x101: {  	v2 =	vld [tilespmem:s13+$0x4A00]  }
0x102: {  	v4 =	vld [tilespmem:s13+$0x4A10]  }
0x103: {  	s14 =	simm.s32 $0x100;
	v3 =	vld [tilespmem:s13+$0x4A20]  }
.LBB2_20:
0x104: {  	s15 =	sshra.s32 s14, $0x2;
	p0 =	sne.s32 s14, $0x7F00;
	v7 =	vld [tilespmem:s13+$0x4A30];
	v8 =	vmov v1  }
0x105: {  	v9 =	vld [tilespmem:s15+$0x2A00];
	v10 =	vmov v0  }
0x106: {  	v11 =	vld [tilespmem:s15+$0x2A10];
	v2 =	vadd.f32 v5, v2  }
.Ltmp9:
0x107: {  	v1 =	vld [tilespmem:s15+$0x2A20];
	v4 =	vadd.f32 v6, v4;
	(pc) =	sbr.rel @p0 .LBB2_20-.Ltmp9, $4  }
0x108: {  	v0 =	vld [tilespmem:s15+$0x2A30];
	[tilespmem:s13+$0x4A00] =	vst v2;
	v3 =	vadd.f32 v8, v3  }
0x109: {  	v2 =	vld [tilespmem:s15+$0x4A00];
	[tilespmem:s13+$0x4A10] =	vst v4;
	v7 =	vadd.f32 v10, v7  }
0x10a: {  	v4 =	vld [tilespmem:s15+$0x4A10];
	[tilespmem:s13+$0x4A20] =	vst v3;
	v5 =	vmov v9  }
0x10b: {  	s14 =	sadd.s32 $0x100, s14;
	v3 =	vld [tilespmem:s15+$0x4A20];
	[tilespmem:s13+$0x4A30] =	vst v7;
	v6 =	vmov v11;
	s13 =	smov.u32 s15  }
0x10c: {  	v7 =	vld [tilespmem:s13+$0x4A30];
	_ =	sdelay $0x1  }
0x10d: {  	v2 =	vadd.f32 v5, v2  }
0x10e: {  	v4 =	vadd.f32 v6, v4  }
0x10f: {  	[tilespmem:s13+$0x4A00] =	vst v2;
	v1 =	vadd.f32 v1, v3  }
0x110: {  	[tilespmem:s13+$0x4A10] =	vst v4;
	v0 =	vadd.f32 v0, v7  }
0x111: {  	[tilespmem:s13+$0x4A20] =	vst v1  }
0x112: {  	[tilespmem:s13+$0x4A30] =	vst v0  }
0x113: {  	_ =	swait.ge [sflag:s11], $0x2000  }
0x114: {  	[sflag:s11] =	ssyncset.done $0x0  }
0x115: {  	s13 =	simm.s32 $0x0;
	[sflag:s11] =	ssyncadd.s32 $0xFFFFE000  }
0x116: {  	[tilespmem:s12], [sflag:$0x1] =	stream.indirect.gather [hbm4b:s3+s7], $0x40, s22, s7, $0xb8;
	[tilespmem:$0x6A00] =	vst v63  }
0x117: {  	v5 =	vld [tilespmem:s13+$0xA00]  }
0x118: {  	v6 =	vld [tilespmem:s13+$0xA10]  }
0x119: {  	v1 =	vld [tilespmem:s13+$0xA20]  }
0x11a: {  	v0 =	vld [tilespmem:s13+$0xA30]  }
0x11b: {  	v2 =	vld [tilespmem:s13+$0x4A00]  }
0x11c: {  	v4 =	vld [tilespmem:s13+$0x4A10]  }
0x11d: {  	s14 =	simm.s32 $0x100;
	v3 =	vld [tilespmem:s13+$0x4A20]  }
.LBB2_22:
0x11e: {  	s15 =	sshra.s32 s14, $0x2;
	p0 =	sne.s32 s14, $0x7F00;
	v7 =	vld [tilespmem:s13+$0x4A30];
	v8 =	vmov v1  }
0x11f: {  	v9 =	vld [tilespmem:s15+$0xA00];
	v10 =	vmov v0  }
0x120: {  	v11 =	vld [tilespmem:s15+$0xA10];
	v2 =	vadd.f32 v5, v2  }
.Ltmp10:
0x121: {  	v1 =	vld [tilespmem:s15+$0xA20];
	v4 =	vadd.f32 v6, v4;
	(pc) =	sbr.rel @p0 .LBB2_22-.Ltmp10, $4  }
0x122: {  	v0 =	vld [tilespmem:s15+$0xA30];
	[tilespmem:s13+$0x4A00] =	vst v2;
	v3 =	vadd.f32 v8, v3  }
0x123: {  	v2 =	vld [tilespmem:s15+$0x4A00];
	[tilespmem:s13+$0x4A10] =	vst v4;
	v7 =	vadd.f32 v10, v7  }
0x124: {  	v4 =	vld [tilespmem:s15+$0x4A10];
	[tilespmem:s13+$0x4A20] =	vst v3;
	v5 =	vmov v9  }
0x125: {  	s14 =	sadd.s32 $0x100, s14;
	v3 =	vld [tilespmem:s15+$0x4A20];
	[tilespmem:s13+$0x4A30] =	vst v7;
	v6 =	vmov v11;
	s13 =	smov.u32 s15  }
0x126: {  	v7 =	vld [tilespmem:s13+$0x4A30];
	_ =	sdelay $0x1  }
0x127: {  	v2 =	vadd.f32 v5, v2  }
0x128: {  	v4 =	vadd.f32 v6, v4  }
0x129: {  	[tilespmem:s13+$0x4A00] =	vst v2;
	v1 =	vadd.f32 v1, v3  }
0x12a: {  	[tilespmem:s13+$0x4A10] =	vst v4;
	v0 =	vadd.f32 v0, v7  }
0x12b: {  	[tilespmem:s13+$0x4A20] =	vst v1  }
0x12c: {  	[tilespmem:s13+$0x4A30] =	vst v0  }
0x12d: {  	_ =	swait.ge [sflag:s11], $0x2000  }
0x12e: {  	[sflag:s11] =	ssyncset.done $0x0  }
0x12f: {  	s13 =	simm.s32 $0x0;
	[sflag:s11] =	ssyncadd.s32 $0xFFFFE000  }
0x130: {  	[tilespmem:s10], [sflag:$0x1] =	stream.indirect.gather [hbm4b:s3+s7], $0x40, s23, s7, $0xb8;
	[tilespmem:$0x6A00] =	vst v63  }
0x131: {  	v5 =	vld [tilespmem:s13+$0x2A00]  }
0x132: {  	v6 =	vld [tilespmem:s13+$0x2A10]  }
0x133: {  	v1 =	vld [tilespmem:s13+$0x2A20]  }
0x134: {  	v0 =	vld [tilespmem:s13+$0x2A30]  }
0x135: {  	v2 =	vld [tilespmem:s13+$0x4A00]  }
0x136: {  	v4 =	vld [tilespmem:s13+$0x4A10]  }
0x137: {  	s14 =	simm.s32 $0x100;
	v3 =	vld [tilespmem:s13+$0x4A20]  }
.LBB2_24:
0x138: {  	s15 =	sshra.s32 s14, $0x2;
	p0 =	sne.s32 s14, $0x7F00;
	v7 =	vld [tilespmem:s13+$0x4A30];
	v8 =	vmov v1  }
0x139: {  	v9 =	vld [tilespmem:s15+$0x2A00];
	v10 =	vmov v0  }
0x13a: {  	v11 =	vld [tilespmem:s15+$0x2A10];
	v2 =	vadd.f32 v5, v2  }
.Ltmp11:
0x13b: {  	v1 =	vld [tilespmem:s15+$0x2A20];
	v4 =	vadd.f32 v6, v4;
	(pc) =	sbr.rel @p0 .LBB2_24-.Ltmp11, $4  }
0x13c: {  	v0 =	vld [tilespmem:s15+$0x2A30];
	[tilespmem:s13+$0x4A00] =	vst v2;
	v3 =	vadd.f32 v8, v3  }
0x13d: {  	v2 =	vld [tilespmem:s15+$0x4A00];
	[tilespmem:s13+$0x4A10] =	vst v4;
	v7 =	vadd.f32 v10, v7  }
0x13e: {  	v4 =	vld [tilespmem:s15+$0x4A10];
	[tilespmem:s13+$0x4A20] =	vst v3;
	v5 =	vmov v9  }
0x13f: {  	s14 =	sadd.s32 $0x100, s14;
	v3 =	vld [tilespmem:s15+$0x4A20];
	[tilespmem:s13+$0x4A30] =	vst v7;
	v6 =	vmov v11;
	s13 =	smov.u32 s15  }
0x140: {  	v7 =	vld [tilespmem:s13+$0x4A30];
	_ =	sdelay $0x1  }
0x141: {  	v2 =	vadd.f32 v5, v2  }
0x142: {  	v4 =	vadd.f32 v6, v4  }
0x143: {  	[tilespmem:s13+$0x4A00] =	vst v2;
	v1 =	vadd.f32 v1, v3  }
0x144: {  	[tilespmem:s13+$0x4A10] =	vst v4;
	v0 =	vadd.f32 v0, v7  }
0x145: {  	[tilespmem:s13+$0x4A20] =	vst v1  }
0x146: {  	[tilespmem:s13+$0x4A30] =	vst v0  }
0x147: {  	_ =	swait.ge [sflag:s11], $0x2000  }
0x148: {  	[sflag:s11] =	ssyncset.done $0x0  }
0x149: {  	s13 =	simm.s32 $0x0;
	[sflag:s11] =	ssyncadd.s32 $0xFFFFE000  }
0x14a: {  	[tilespmem:s12], [sflag:$0x1] =	stream.indirect.gather [hbm4b:s3+s7], $0x40, s24, s7, $0xb8;
	[tilespmem:$0x6A00] =	vst v63  }
0x14b: {  	v5 =	vld [tilespmem:s13+$0xA00]  }
0x14c: {  	v6 =	vld [tilespmem:s13+$0xA10]  }
0x14d: {  	v1 =	vld [tilespmem:s13+$0xA20]  }
0x14e: {  	v0 =	vld [tilespmem:s13+$0xA30]  }
0x14f: {  	v2 =	vld [tilespmem:s13+$0x4A00]  }
0x150: {  	v4 =	vld [tilespmem:s13+$0x4A10]  }
0x151: {  	s14 =	simm.s32 $0x100;
	v3 =	vld [tilespmem:s13+$0x4A20]  }
.LBB2_26:
0x152: {  	s15 =	sshra.s32 s14, $0x2;
	p0 =	sne.s32 s14, $0x7F00;
	v7 =	vld [tilespmem:s13+$0x4A30];
	v8 =	vmov v1  }
0x153: {  	v9 =	vld [tilespmem:s15+$0xA00];
	v10 =	vmov v0  }
0x154: {  	v11 =	vld [tilespmem:s15+$0xA10];
	v2 =	vadd.f32 v5, v2  }
.Ltmp12:
0x155: {  	v1 =	vld [tilespmem:s15+$0xA20];
	v4 =	vadd.f32 v6, v4;
	(pc) =	sbr.rel @p0 .LBB2_26-.Ltmp12, $4  }
0x156: {  	v0 =	vld [tilespmem:s15+$0xA30];
	[tilespmem:s13+$0x4A00] =	vst v2;
	v3 =	vadd.f32 v8, v3  }
0x157: {  	v2 =	vld [tilespmem:s15+$0x4A00];
	[tilespmem:s13+$0x4A10] =	vst v4;
	v7 =	vadd.f32 v10, v7  }
0x158: {  	v4 =	vld [tilespmem:s15+$0x4A10];
	[tilespmem:s13+$0x4A20] =	vst v3;
	v5 =	vmov v9  }
0x159: {  	s14 =	sadd.s32 $0x100, s14;
	v3 =	vld [tilespmem:s15+$0x4A20];
	[tilespmem:s13+$0x4A30] =	vst v7;
	v6 =	vmov v11;
	s13 =	smov.u32 s15  }
0x15a: {  	v7 =	vld [tilespmem:s13+$0x4A30];
	_ =	sdelay $0x1  }
0x15b: {  	v2 =	vadd.f32 v5, v2  }
0x15c: {  	v4 =	vadd.f32 v6, v4  }
0x15d: {  	[tilespmem:s13+$0x4A00] =	vst v2;
	v1 =	vadd.f32 v1, v3  }
0x15e: {  	[tilespmem:s13+$0x4A10] =	vst v4;
	v0 =	vadd.f32 v0, v7  }
0x15f: {  	[tilespmem:s13+$0x4A20] =	vst v1  }
0x160: {  	[tilespmem:s13+$0x4A30] =	vst v0  }
0x161: {  	_ =	swait.ge [sflag:s11], $0x2000  }
0x162: {  	[sflag:s11] =	ssyncset.done $0x0  }
0x163: {  	s13 =	simm.s32 $0x0;
	[sflag:s11] =	ssyncadd.s32 $0xFFFFE000  }
0x164: {  	[tilespmem:s10], [sflag:$0x1] =	stream.indirect.gather [hbm4b:s3+s7], $0x40, s25, s7, $0xb8;
	[tilespmem:$0x6A00] =	vst v63  }
0x165: {  	v5 =	vld [tilespmem:s13+$0x2A00]  }
0x166: {  	v6 =	vld [tilespmem:s13+$0x2A10]  }
0x167: {  	v1 =	vld [tilespmem:s13+$0x2A20]  }
0x168: {  	v0 =	vld [tilespmem:s13+$0x2A30]  }
0x169: {  	v2 =	vld [tilespmem:s13+$0x4A00]  }
0x16a: {  	v4 =	vld [tilespmem:s13+$0x4A10]  }
0x16b: {  	s14 =	simm.s32 $0x100;
	v3 =	vld [tilespmem:s13+$0x4A20]  }
.LBB2_28:
0x16c: {  	s15 =	sshra.s32 s14, $0x2;
	p0 =	sne.s32 s14, $0x7F00;
	v7 =	vld [tilespmem:s13+$0x4A30];
	v8 =	vmov v1  }
0x16d: {  	v9 =	vld [tilespmem:s15+$0x2A00];
	v10 =	vmov v0  }
0x16e: {  	v11 =	vld [tilespmem:s15+$0x2A10];
	v2 =	vadd.f32 v5, v2  }
.Ltmp13:
0x16f: {  	v1 =	vld [tilespmem:s15+$0x2A20];
	v4 =	vadd.f32 v6, v4;
	(pc) =	sbr.rel @p0 .LBB2_28-.Ltmp13, $4  }
0x170: {  	v0 =	vld [tilespmem:s15+$0x2A30];
	[tilespmem:s13+$0x4A00] =	vst v2;
	v3 =	vadd.f32 v8, v3  }
0x171: {  	v2 =	vld [tilespmem:s15+$0x4A00];
	[tilespmem:s13+$0x4A10] =	vst v4;
	v7 =	vadd.f32 v10, v7  }
0x172: {  	v4 =	vld [tilespmem:s15+$0x4A10];
	[tilespmem:s13+$0x4A20] =	vst v3;
	v5 =	vmov v9  }
0x173: {  	s14 =	sadd.s32 $0x100, s14;
	v3 =	vld [tilespmem:s15+$0x4A20];
	[tilespmem:s13+$0x4A30] =	vst v7;
	v6 =	vmov v11;
	s13 =	smov.u32 s15  }
0x174: {  	v7 =	vld [tilespmem:s13+$0x4A30];
	_ =	sdelay $0x1  }
0x175: {  	v2 =	vadd.f32 v5, v2  }
0x176: {  	v4 =	vadd.f32 v6, v4  }
0x177: {  	[tilespmem:s13+$0x4A00] =	vst v2;
	v1 =	vadd.f32 v1, v3  }
0x178: {  	[tilespmem:s13+$0x4A10] =	vst v4;
	v0 =	vadd.f32 v0, v7  }
0x179: {  	[tilespmem:s13+$0x4A20] =	vst v1  }
0x17a: {  	[tilespmem:s13+$0x4A30] =	vst v0  }
0x17b: {  	_ =	swait.ge [sflag:s11], $0x2000  }
0x17c: {  	[sflag:s11] =	ssyncset.done $0x0  }
0x17d: {  	s13 =	simm.s32 $0x0;
	[sflag:s11] =	ssyncadd.s32 $0xFFFFE000  }
0x17e: {  	[tilespmem:s12], [sflag:$0x1] =	stream.indirect.gather [hbm4b:s3+s7], $0x40, s26, s7, $0xb8;
	[tilespmem:$0x6A00] =	vst v63  }
0x17f: {  	v5 =	vld [tilespmem:s13+$0xA00]  }
0x180: {  	v6 =	vld [tilespmem:s13+$0xA10]  }
0x181: {  	v1 =	vld [tilespmem:s13+$0xA20]  }
0x182: {  	v0 =	vld [tilespmem:s13+$0xA30]  }
0x183: {  	v2 =	vld [tilespmem:s13+$0x4A00]  }
0x184: {  	v4 =	vld [tilespmem:s13+$0x4A10]  }
0x185: {  	s14 =	simm.s32 $0x100;
	v3 =	vld [tilespmem:s13+$0x4A20]  }
.LBB2_30:
0x186: {  	s15 =	sshra.s32 s14, $0x2;
	p0 =	sne.s32 s14, $0x7F00;
	v7 =	vld [tilespmem:s13+$0x4A30];
	v8 =	vmov v1  }
0x187: {  	v9 =	vld [tilespmem:s15+$0xA00];
	v10 =	vmov v0  }
0x188: {  	v11 =	vld [tilespmem:s15+$0xA10];
	v2 =	vadd.f32 v5, v2  }
.Ltmp14:
0x189: {  	v1 =	vld [tilespmem:s15+$0xA20];
	v4 =	vadd.f32 v6, v4;
	(pc) =	sbr.rel @p0 .LBB2_30-.Ltmp14, $4  }
0x18a: {  	v0 =	vld [tilespmem:s15+$0xA30];
	[tilespmem:s13+$0x4A00] =	vst v2;
	v3 =	vadd.f32 v8, v3  }
0x18b: {  	v2 =	vld [tilespmem:s15+$0x4A00];
	[tilespmem:s13+$0x4A10] =	vst v4;
	v7 =	vadd.f32 v10, v7  }
0x18c: {  	v4 =	vld [tilespmem:s15+$0x4A10];
	[tilespmem:s13+$0x4A20] =	vst v3;
	v5 =	vmov v9  }
0x18d: {  	s14 =	sadd.s32 $0x100, s14;
	v3 =	vld [tilespmem:s15+$0x4A20];
	[tilespmem:s13+$0x4A30] =	vst v7;
	v6 =	vmov v11;
	s13 =	smov.u32 s15  }
0x18e: {  	v7 =	vld [tilespmem:s13+$0x4A30];
	_ =	sdelay $0x1  }
0x18f: {  	v2 =	vadd.f32 v5, v2  }
0x190: {  	v4 =	vadd.f32 v6, v4  }
0x191: {  	[tilespmem:s13+$0x4A00] =	vst v2;
	v1 =	vadd.f32 v1, v3  }
0x192: {  	[tilespmem:s13+$0x4A10] =	vst v4;
	v0 =	vadd.f32 v0, v7  }
0x193: {  	[tilespmem:s13+$0x4A20] =	vst v1  }
0x194: {  	[tilespmem:s13+$0x4A30] =	vst v0  }
0x195: {  	_ =	swait.ge [sflag:s11], $0x2000  }
0x196: {  	[sflag:s11] =	ssyncset.done $0x0  }
0x197: {  	s13 =	simm.s32 $0x0;
	[sflag:s11] =	ssyncadd.s32 $0xFFFFE000  }
0x198: {  	[tilespmem:s10], [sflag:$0x1] =	stream.indirect.gather [hbm4b:s3+s7], $0x40, s28, s7, $0xb8;
	[tilespmem:$0x6A00] =	vst v63  }
0x199: {  	v5 =	vld [tilespmem:s13+$0x2A00]  }
0x19a: {  	v6 =	vld [tilespmem:s13+$0x2A10]  }
0x19b: {  	v1 =	vld [tilespmem:s13+$0x2A20]  }
0x19c: {  	v0 =	vld [tilespmem:s13+$0x2A30]  }
0x19d: {  	v2 =	vld [tilespmem:s13+$0x4A00]  }
0x19e: {  	v4 =	vld [tilespmem:s13+$0x4A10]  }
0x19f: {  	s14 =	simm.s32 $0x100;
	v3 =	vld [tilespmem:s13+$0x4A20]  }
.LBB2_32:
0x1a0: {  	s15 =	sshra.s32 s14, $0x2;
	p0 =	sne.s32 s14, $0x7F00;
	v7 =	vld [tilespmem:s13+$0x4A30];
	v8 =	vmov v1  }
0x1a1: {  	v9 =	vld [tilespmem:s15+$0x2A00];
	v10 =	vmov v0  }
0x1a2: {  	v11 =	vld [tilespmem:s15+$0x2A10];
	v2 =	vadd.f32 v5, v2  }
.Ltmp15:
0x1a3: {  	v1 =	vld [tilespmem:s15+$0x2A20];
	v4 =	vadd.f32 v6, v4;
	(pc) =	sbr.rel @p0 .LBB2_32-.Ltmp15, $4  }
0x1a4: {  	v0 =	vld [tilespmem:s15+$0x2A30];
	[tilespmem:s13+$0x4A00] =	vst v2;
	v3 =	vadd.f32 v8, v3  }
0x1a5: {  	v2 =	vld [tilespmem:s15+$0x4A00];
	[tilespmem:s13+$0x4A10] =	vst v4;
	v7 =	vadd.f32 v10, v7  }
0x1a6: {  	v4 =	vld [tilespmem:s15+$0x4A10];
	[tilespmem:s13+$0x4A20] =	vst v3;
	v5 =	vmov v9  }
0x1a7: {  	s14 =	sadd.s32 $0x100, s14;
	v3 =	vld [tilespmem:s15+$0x4A20];
	[tilespmem:s13+$0x4A30] =	vst v7;
	v6 =	vmov v11;
	s13 =	smov.u32 s15  }
0x1a8: {  	v7 =	vld [tilespmem:s13+$0x4A30];
	_ =	sdelay $0x1  }
0x1a9: {  	v2 =	vadd.f32 v5, v2  }
0x1aa: {  	v4 =	vadd.f32 v6, v4  }
0x1ab: {  	[tilespmem:s13+$0x4A00] =	vst v2;
	v1 =	vadd.f32 v1, v3  }
0x1ac: {  	[tilespmem:s13+$0x4A10] =	vst v4;
	v0 =	vadd.f32 v0, v7  }
0x1ad: {  	[tilespmem:s13+$0x4A20] =	vst v1  }
0x1ae: {  	[tilespmem:s13+$0x4A30] =	vst v0  }
0x1af: {  	_ =	swait.ge [sflag:s11], $0x2000  }
0x1b0: {  	[sflag:s11] =	ssyncset.done $0x0  }
0x1b1: {  	s13 =	simm.s32 $0x0;
	[sflag:s11] =	ssyncadd.s32 $0xFFFFE000  }
0x1b2: {  	[tilespmem:s12], [sflag:$0x1] =	stream.indirect.gather [hbm4b:s3+s7], $0x40, s29, s7, $0xb8;
	[tilespmem:$0x6A00] =	vst v63  }
0x1b3: {  	v5 =	vld [tilespmem:s13+$0xA00]  }
0x1b4: {  	v6 =	vld [tilespmem:s13+$0xA10]  }
0x1b5: {  	v1 =	vld [tilespmem:s13+$0xA20]  }
0x1b6: {  	v0 =	vld [tilespmem:s13+$0xA30]  }
0x1b7: {  	v2 =	vld [tilespmem:s13+$0x4A00]  }
0x1b8: {  	v4 =	vld [tilespmem:s13+$0x4A10]  }
0x1b9: {  	s14 =	simm.s32 $0x100;
	v3 =	vld [tilespmem:s13+$0x4A20]  }
.LBB2_34:
0x1ba: {  	s15 =	sshra.s32 s14, $0x2;
	p0 =	sne.s32 s14, $0x7F00;
	v7 =	vld [tilespmem:s13+$0x4A30];
	v8 =	vmov v1  }
0x1bb: {  	v9 =	vld [tilespmem:s15+$0xA00];
	v10 =	vmov v0  }
0x1bc: {  	v11 =	vld [tilespmem:s15+$0xA10];
	v2 =	vadd.f32 v5, v2  }
.Ltmp16:
0x1bd: {  	v1 =	vld [tilespmem:s15+$0xA20];
	v4 =	vadd.f32 v6, v4;
	(pc) =	sbr.rel @p0 .LBB2_34-.Ltmp16, $4  }
0x1be: {  	v0 =	vld [tilespmem:s15+$0xA30];
	[tilespmem:s13+$0x4A00] =	vst v2;
	v3 =	vadd.f32 v8, v3  }
0x1bf: {  	v2 =	vld [tilespmem:s15+$0x4A00];
	[tilespmem:s13+$0x4A10] =	vst v4;
	v7 =	vadd.f32 v10, v7  }
0x1c0: {  	v4 =	vld [tilespmem:s15+$0x4A10];
	[tilespmem:s13+$0x4A20] =	vst v3;
	v5 =	vmov v9  }
0x1c1: {  	s14 =	sadd.s32 $0x100, s14;
	v3 =	vld [tilespmem:s15+$0x4A20];
	[tilespmem:s13+$0x4A30] =	vst v7;
	v6 =	vmov v11;
	s13 =	smov.u32 s15  }
0x1c2: {  	v7 =	vld [tilespmem:s13+$0x4A30];
	_ =	sdelay $0x1  }
0x1c3: {  	v2 =	vadd.f32 v5, v2  }
0x1c4: {  	v4 =	vadd.f32 v6, v4  }
0x1c5: {  	[tilespmem:s13+$0x4A00] =	vst v2;
	v1 =	vadd.f32 v1, v3  }
0x1c6: {  	[tilespmem:s13+$0x4A10] =	vst v4;
	v0 =	vadd.f32 v0, v7  }
0x1c7: {  	[tilespmem:s13+$0x4A20] =	vst v1  }
0x1c8: {  	[tilespmem:s13+$0x4A30] =	vst v0  }
0x1c9: {  	_ =	swait.ge [sflag:s11], $0x2000  }
0x1ca: {  	[sflag:s11] =	ssyncset.done $0x0  }
0x1cb: {  	s13 =	simm.s32 $0x0;
	[sflag:s11] =	ssyncadd.s32 $0xFFFFE000  }
0x1cc: {  	[tilespmem:s10], [sflag:$0x1] =	stream.indirect.gather [hbm4b:s3+s7], $0x40, s30, s7, $0xb8;
	[tilespmem:$0x6A00] =	vst v63  }
0x1cd: {  	v5 =	vld [tilespmem:s13+$0x2A00]  }
0x1ce: {  	v6 =	vld [tilespmem:s13+$0x2A10]  }
0x1cf: {  	v1 =	vld [tilespmem:s13+$0x2A20]  }
0x1d0: {  	v0 =	vld [tilespmem:s13+$0x2A30]  }
0x1d1: {  	v2 =	vld [tilespmem:s13+$0x4A00]  }
0x1d2: {  	v4 =	vld [tilespmem:s13+$0x4A10]  }
0x1d3: {  	s14 =	simm.s32 $0x100;
	v3 =	vld [tilespmem:s13+$0x4A20]  }
.LBB2_36:
0x1d4: {  	s15 =	sshra.s32 s14, $0x2;
	p0 =	sne.s32 s14, $0x7F00;
	v7 =	vld [tilespmem:s13+$0x4A30];
	v8 =	vmov v1  }
0x1d5: {  	v9 =	vld [tilespmem:s15+$0x2A00];
	v10 =	vmov v0  }
0x1d6: {  	v11 =	vld [tilespmem:s15+$0x2A10];
	v2 =	vadd.f32 v5, v2  }
.Ltmp17:
0x1d7: {  	v1 =	vld [tilespmem:s15+$0x2A20];
	v4 =	vadd.f32 v6, v4;
	(pc) =	sbr.rel @p0 .LBB2_36-.Ltmp17, $4  }
0x1d8: {  	v0 =	vld [tilespmem:s15+$0x2A30];
	[tilespmem:s13+$0x4A00] =	vst v2;
	v3 =	vadd.f32 v8, v3  }
0x1d9: {  	v2 =	vld [tilespmem:s15+$0x4A00];
	[tilespmem:s13+$0x4A10] =	vst v4;
	v7 =	vadd.f32 v10, v7  }
0x1da: {  	v4 =	vld [tilespmem:s15+$0x4A10];
	[tilespmem:s13+$0x4A20] =	vst v3;
	v5 =	vmov v9  }
0x1db: {  	s14 =	sadd.s32 $0x100, s14;
	v3 =	vld [tilespmem:s15+$0x4A20];
	[tilespmem:s13+$0x4A30] =	vst v7;
	v6 =	vmov v11;
	s13 =	smov.u32 s15  }
0x1dc: {  	v7 =	vld [tilespmem:s13+$0x4A30];
	_ =	sdelay $0x1  }
0x1dd: {  	v2 =	vadd.f32 v5, v2  }
0x1de: {  	v4 =	vadd.f32 v6, v4  }
0x1df: {  	[tilespmem:s13+$0x4A00] =	vst v2;
	v1 =	vadd.f32 v1, v3  }
0x1e0: {  	[tilespmem:s13+$0x4A10] =	vst v4;
	v0 =	vadd.f32 v0, v7  }
0x1e1: {  	[tilespmem:s13+$0x4A20] =	vst v1  }
0x1e2: {  	[tilespmem:s13+$0x4A30] =	vst v0  }
0x1e3: {  	_ =	swait.ge [sflag:s11], $0x2000  }
0x1e4: {  	[sflag:s11] =	ssyncset.done $0x0  }
0x1e5: {  	s13 =	simm.s32 $0x0;
	[sflag:s11] =	ssyncadd.s32 $0xFFFFE000  }
0x1e6: {  	[tilespmem:s12], [sflag:$0x1] =	stream.indirect.gather [hbm4b:s3+s7], $0x40, s31, s7, $0xb8;
	[tilespmem:$0x6A00] =	vst v63  }
0x1e7: {  	v5 =	vld [tilespmem:s13+$0xA00]  }
0x1e8: {  	v6 =	vld [tilespmem:s13+$0xA10]  }
0x1e9: {  	v1 =	vld [tilespmem:s13+$0xA20]  }
0x1ea: {  	v0 =	vld [tilespmem:s13+$0xA30]  }
0x1eb: {  	v2 =	vld [tilespmem:s13+$0x4A00]  }
0x1ec: {  	v4 =	vld [tilespmem:s13+$0x4A10]  }
0x1ed: {  	s14 =	simm.s32 $0x100;
	v3 =	vld [tilespmem:s13+$0x4A20]  }
.LBB2_38:
0x1ee: {  	s15 =	sshra.s32 s14, $0x2;
	p0 =	sne.s32 s14, $0x7F00;
	v7 =	vld [tilespmem:s13+$0x4A30];
	v8 =	vmov v1  }
0x1ef: {  	v9 =	vld [tilespmem:s15+$0xA00];
	v10 =	vmov v0  }
0x1f0: {  	v11 =	vld [tilespmem:s15+$0xA10];
	v2 =	vadd.f32 v5, v2  }
.Ltmp18:
0x1f1: {  	v1 =	vld [tilespmem:s15+$0xA20];
	v4 =	vadd.f32 v6, v4;
	(pc) =	sbr.rel @p0 .LBB2_38-.Ltmp18, $4  }
0x1f2: {  	v0 =	vld [tilespmem:s15+$0xA30];
	[tilespmem:s13+$0x4A00] =	vst v2;
	v3 =	vadd.f32 v8, v3  }
0x1f3: {  	v2 =	vld [tilespmem:s15+$0x4A00];
	[tilespmem:s13+$0x4A10] =	vst v4;
	v7 =	vadd.f32 v10, v7  }
0x1f4: {  	v4 =	vld [tilespmem:s15+$0x4A10];
	[tilespmem:s13+$0x4A20] =	vst v3;
	v5 =	vmov v9  }
0x1f5: {  	s14 =	sadd.s32 $0x100, s14;
	v3 =	vld [tilespmem:s15+$0x4A20];
	[tilespmem:s13+$0x4A30] =	vst v7;
	v6 =	vmov v11;
	s13 =	smov.u32 s15  }
0x1f6: {  	v7 =	vld [tilespmem:s13+$0x4A30];
	_ =	sdelay $0x1  }
0x1f7: {  	v2 =	vadd.f32 v5, v2  }
0x1f8: {  	v4 =	vadd.f32 v6, v4  }
0x1f9: {  	[tilespmem:s13+$0x4A00] =	vst v2;
	v1 =	vadd.f32 v1, v3  }
0x1fa: {  	[tilespmem:s13+$0x4A10] =	vst v4;
	v0 =	vadd.f32 v0, v7  }
0x1fb: {  	[tilespmem:s13+$0x4A20] =	vst v1  }
0x1fc: {  	[tilespmem:s13+$0x4A30] =	vst v0  }
0x1fd: {  	_ =	swait.ge [sflag:s11], $0x2000  }
0x1fe: {  	[sflag:s11] =	ssyncset.done $0x0  }
0x1ff: {  	s13 =	simm.s32 $0x0;
	[sflag:s11] =	ssyncadd.s32 $0xFFFFE000  }
0x200: {  	v5 =	vld [tilespmem:s13+$0x2A00]  }
0x201: {  	v6 =	vld [tilespmem:s13+$0x2A10]  }
0x202: {  	v1 =	vld [tilespmem:s13+$0x2A20]  }
0x203: {  	v0 =	vld [tilespmem:s13+$0x2A30]  }
0x204: {  	v2 =	vld [tilespmem:s13+$0x4A00]  }
0x205: {  	v4 =	vld [tilespmem:s13+$0x4A10]  }
0x206: {  	s14 =	simm.s32 $0x100;
	v3 =	vld [tilespmem:s13+$0x4A20]  }
.LBB2_40:
0x207: {  	s15 =	sshra.s32 s14, $0x2;
	p0 =	sne.s32 s14, $0x7F00;
	v7 =	vld [tilespmem:s13+$0x4A30];
	v8 =	vmov v1  }
0x208: {  	v9 =	vld [tilespmem:s15+$0x2A00];
	v10 =	vmov v0  }
0x209: {  	v11 =	vld [tilespmem:s15+$0x2A10];
	v2 =	vadd.f32 v5, v2  }
.Ltmp19:
0x20a: {  	v1 =	vld [tilespmem:s15+$0x2A20];
	v4 =	vadd.f32 v6, v4;
	(pc) =	sbr.rel @p0 .LBB2_40-.Ltmp19, $4  }
0x20b: {  	v0 =	vld [tilespmem:s15+$0x2A30];
	[tilespmem:s13+$0x4A00] =	vst v2;
	v3 =	vadd.f32 v8, v3  }
0x20c: {  	v2 =	vld [tilespmem:s15+$0x4A00];
	[tilespmem:s13+$0x4A10] =	vst v4;
	v7 =	vadd.f32 v10, v7  }
0x20d: {  	v4 =	vld [tilespmem:s15+$0x4A10];
	[tilespmem:s13+$0x4A20] =	vst v3;
	v5 =	vmov v9  }
0x20e: {  	s14 =	sadd.s32 $0x100, s14;
	v3 =	vld [tilespmem:s15+$0x4A20];
	[tilespmem:s13+$0x4A30] =	vst v7;
	v6 =	vmov v11;
	s13 =	smov.u32 s15  }
0x20f: {  	v7 =	vld [tilespmem:s13+$0x4A30];
	_ =	sdelay $0x1  }
0x210: {  	v2 =	vadd.f32 v5, v2  }
0x211: {  	v4 =	vadd.f32 v6, v4  }
0x212: {  	[tilespmem:s13+$0x4A00] =	vst v2;
	v1 =	vadd.f32 v1, v3  }
0x213: {  	s8 =	sadd.s32 $0x1, s8;
	[tilespmem:s13+$0x4A10] =	vst v4;
	v0 =	vadd.f32 v0, v7  }
0x214: {  	p0 =	sne.s32 s8, s6;
	[tilespmem:s13+$0x4A20] =	vst v1  }
.Ltmp20:
0x215: {  	[tilespmem:s13+$0x4A30] =	vst v0;
	(pc) =	sbr.rel @p0 .LBB2_1-.Ltmp20, $4  }
0x216: {  	[hbm4b:s5+s2] =	stream.linear.scatter [tilespmem:s0], [sflag:$0x2], $0x2000, $0x38;
	[tilespmem:$0x6A00] =	vst v63  }
0x217: {  	_ =	swait.ge [sflag:s1], $0x2000  }
0x218: {  	[sflag:s1] =	ssyncset.done $0x0  }
0x219: {  	[sflag:s1] =	ssyncadd.s32 $0xFFFFE000  }
0x21a: {  	_ =	sfence.sel $0x180000  }
0x21b: {  	[bflag:$0x0] =	sbarrier.arrive $0xFFFF  }
0x21c: {  	_ =	strace $0x9000004D  }
0x21d: {  	s0 =	stileid.u32;
	[bflag:$0x2] =	sbarrier.arrive $0xFFFF  }
0x21e: {  	p0 =	sne.s32 s0, $0x0;
	s0 =	rddreg [dreg:$0x1]  }
0x21f: {  	s0 =	sadd.s32 @!p0 $0x100000, s0  }
0x220: {  	[sflag:s0] =	ssyncadd.tile.s32 @!p0 $0x1;
	_ =	shalt  }
.Lfunc_end2:
_tile_overlayer_lowered:
.L_overlay_start_2:
0x221: {  	(tag) =	ssettag $0x2  }
0x222: {  	s0 =	rddreg [dreg:$0x0];
	s2 =	stileid.u32  }
0x223: {  	s1 =	rddreg [dreg:$0x1];
	p0 =	sne.s32 s2, $0x0  }
0x224: {  	s3 =	rddreg [dreg:$0x2];
	[bflag:$0x3] =	sbarrier.arrive $0xFFFF;
	s2 =	simm.s32 @!p0 $0x1C03  }
0x225: {  	[timem:s3], [sflag:s2] =	dma.local @!p0 [hbm:s0], s1  }
0x226: {  	s0 =	simm.s32 @!p0 $0x3  }
0x227: {  	_ =	swait.ge @!p0 [sflag:s0], s1  }
0x228: {  	s1 =	ssub.s32 @!p0 $0x0, s1;
	[sflag:s0] =	ssyncset.done @!p0 $0x0  }
0x229: {  	[sflag:s0] =	ssyncadd.s32 @!p0 s1  }
0x22a: {  	[bflag:$0x3] =	sbarrier.arrive $0xFFFF  }
0x22b: {  	_ =	shalt  }

</sc_bundles>
